<compile_context>
chip_gen: v7x
topology: tpu7x:2x2x1
jax: 0.10.2.dev20260603
libtpu: 0.0.44.dev20260713+nightly
codegen_flags: <defaults>
</compile_context>

<pallas_src>
import functools

import jax
import jax.numpy as jnp
from jax import lax
from jax.experimental import pallas as pl
from jax.experimental.pallas import tpu as pltpu
from jax.experimental.pallas import tpu_sc as plsc

N = 10000
D = 128
NC = 2
NS = 16
NW = NC * NS
CB = 96
NP = 3

RPS = 8 * (-(-(N + 1) // (NS * 8)))
NPAD = NS * RPS


@functools.lru_cache(maxsize=None)
def _build_spmm(k_chunks: int):

    def body(x_hbm, colp_hbm, rowp_hbm, zeros_hbm, out_hbm,
             cidx, ridx, rows0, rows1, rows2, acc, gsem0, gsem1, gsem2):
        c = lax.axis_index("c")
        s = lax.axis_index("s")
        w = s * NC + c

        pltpu.sync_copy(zeros_hbm, acc.at[pl.ds(s * RPS, RPS)])
        plsc.subcore_barrier()

        bufs = ((rows0, gsem0), (rows1, gsem1), (rows2, gsem2))
        kp = k_chunks // NP
        for p in range(NP):
            pltpu.sync_copy(colp_hbm.at[w, p], cidx)
            pltpu.sync_copy(rowp_hbm.at[w, p], ridx)
            for b, (rbuf, sem) in enumerate(bufs):
                pltpu.async_copy(x_hbm.at[cidx.at[b]], rbuf, sem)

            def chunk(i, carry):
                for b, (rbuf, sem) in enumerate(bufs):
                    j = 3 * i + b
                    pltpu.make_async_copy(x_hbm.at[cidx.at[j]], rbuf,
                                          sem).wait()
                    pltpu.sync_copy(rbuf, acc.at[ridx.at[j]], add=True)
                    pltpu.async_copy(x_hbm.at[cidx.at[j + 3]], rbuf, sem)
                return carry

            lax.fori_loop(0, kp // 3 - 1, chunk, 0)
            for b, (rbuf, sem) in enumerate(bufs):
                j = kp - 3 + b
                pltpu.make_async_copy(x_hbm.at[cidx.at[j]], rbuf, sem).wait()
                pltpu.sync_copy(rbuf, acc.at[ridx.at[j]], add=True)
        plsc.subcore_barrier()
        pltpu.sync_copy(acc.at[pl.ds(s * RPS, RPS)],
                        out_hbm.at[pl.ds((c * NS + s) * RPS, RPS)])

    mesh = plsc.VectorSubcoreMesh(core_axis_name="c", subcore_axis_name="s",
                                  num_cores=NC, num_subcores=NS)
    return pl.kernel(
        body,
        out_type=jax.ShapeDtypeStruct((NC * NPAD, D), jnp.float32),
        mesh=mesh,
        scratch_types=[
            pltpu.VMEM((k_chunks // NP, CB), jnp.int32),
            pltpu.VMEM((k_chunks // NP, CB), jnp.int32),
            pltpu.VMEM((CB, D), jnp.float32),
            pltpu.VMEM((CB, D), jnp.float32),
            pltpu.VMEM((CB, D), jnp.float32),
            pltpu.VMEM_SHARED((NPAD, D), jnp.float32),
            pltpu.SemaphoreType.DMA,
            pltpu.SemaphoreType.DMA,
            pltpu.SemaphoreType.DMA,
        ],
    )


_BLK = 1000


def _scale_body(x_ref, v_ref, o_ref):
    o_ref[...] = x_ref[...] * jnp.sqrt(v_ref[...])


@functools.lru_cache(maxsize=None)
def _build_scale():
    grid = N // _BLK
    return pl.pallas_call(
        _scale_body,
        grid=(grid,),
        in_specs=[
            pl.BlockSpec((_BLK, D), lambda i: (i, 0)),
            pl.BlockSpec((_BLK, 1), lambda i: (i, 0)),
        ],
        out_specs=pl.BlockSpec((_BLK, D), lambda i: (i, 0)),
        out_shape=jax.ShapeDtypeStruct((N, D), jnp.float32),
    )


def _layer_body(p0_ref, p1_ref, v_ref, w_ref, b_ref, o_ref, *, final):
    dis = jnp.sqrt(v_ref[...])
    sh = (p0_ref[0] + p1_ref[0]) * dis
    h = jnp.dot(sh, w_ref[...], preferred_element_type=jnp.float32) + b_ref[...]
    if not final:
        h = jnp.maximum(h, 0.0) * dis
    o_ref[...] = h


@functools.lru_cache(maxsize=None)
def _build_layer(final: bool):
    grid = N // _BLK
    return pl.pallas_call(
        functools.partial(_layer_body, final=final),
        grid=(grid,),
        in_specs=[
            pl.BlockSpec((1, _BLK, D), lambda i: (0, i, 0)),
            pl.BlockSpec((1, _BLK, D), lambda i: (1, i, 0)),
            pl.BlockSpec((_BLK, 1), lambda i: (i, 0)),
            pl.BlockSpec((D, D), lambda i: (0, 0)),
            pl.BlockSpec((1, D), lambda i: (0, 0)),
        ],
        out_specs=pl.BlockSpec((_BLK, D), lambda i: (i, 0)),
        out_shape=jax.ShapeDtypeStruct((N, D), jnp.float32),
    )


def kernel(X, a_row, a_col, a_val, W1, b1, W2, b2):
    tot = a_row.shape[0]
    e = tot - N
    k_chunks = 3 * NP * (-(-tot // (NW * CB * 3 * NP)))
    totpad = NW * k_chunks * CB
    pad = totpad - tot

    vloops = a_val[e:].reshape(N, 1)
    pad_cols = jnp.arange(pad, dtype=a_col.dtype) % N
    colp = jnp.concatenate([a_col, pad_cols]).reshape(
        NW, NP, k_chunks // NP, CB)
    pad_rows = N + jnp.arange(pad, dtype=a_row.dtype) % (NPAD - N)
    rowp = jnp.concatenate([a_row, pad_rows]).reshape(
        NW, NP, k_chunks // NP, CB)
    zeros = jnp.zeros((RPS, D), jnp.float32)

    spmm = _build_spmm(k_chunks)
    scale = _build_scale()
    layer1 = _build_layer(False)
    layer2 = _build_layer(True)

    xs = scale(X, vloops)
    s1 = spmm(xs, colp, rowp, zeros).reshape(NC, NPAD, D)
    g = layer1(s1, s1, vloops, W1, b1.reshape(1, D))
    s2 = spmm(g, colp, rowp, zeros).reshape(NC, NPAD, D)
    return layer2(s2, s2, vloops, W2, b2.reshape(1, D))

# --- scband reference (transcript-rebuilt; emitter-appended) ---
"""Pipeline reference for scband-gcn-84937273246040 (READ-ONLY COPY).

The authoritative reference and input builder live on the scoring server;
editing this copy changes nothing except your own understanding.
"""

import jax, jax.numpy as jnp
import numpy as np

N = 10000
E = 320000
D_IN = 128
D_HID = 128
D_OUT = 128


def _build_gcn_norm_adj(edge_index, num_nodes):
    # add self loops (matches build_gcn_norm_adj with add_self_loops=True)
    loops = jnp.arange(num_nodes, dtype=edge_index.dtype)
    row = jnp.concatenate([edge_index[0], loops])
    col = jnp.concatenate([edge_index[1], loops])
    val = jnp.ones(row.shape[0], dtype=jnp.float32)
    deg = jax.ops.segment_sum(val, row, num_segments=num_nodes)
    deg_inv_sqrt = jnp.where(deg > 0, deg ** -0.5, 0.0)
    v_norm = deg_inv_sqrt[row] * val * deg_inv_sqrt[col]
    return row, col, v_norm


def setup_inputs(seed: int = 0) -> dict:
    key = jax.random.key(seed)
    k1, k2, k3, k4, k5, k6 = jax.random.split(key, 6)
    X = jax.random.normal(k1, (N, D_IN), dtype=jnp.float32)
    edge_index = jax.random.randint(k2, (2, E), 0, N, dtype=jnp.int32)
    a_row, a_col, a_val = _build_gcn_norm_adj(edge_index, N)
    # nn.Linear params, stored as [in, out] so y = x @ W + b
    W1 = jax.random.normal(k3, (D_IN, D_HID), dtype=jnp.float32) * (1.0 / np.sqrt(D_IN))
    b1 = jax.random.normal(k4, (D_HID,), dtype=jnp.float32) * (1.0 / np.sqrt(D_IN))
    W2 = jax.random.normal(k5, (D_HID, D_OUT), dtype=jnp.float32) * (1.0 / np.sqrt(D_HID))
    b2 = jax.random.normal(k6, (D_OUT,), dtype=jnp.float32) * (1.0 / np.sqrt(D_HID))
    return {"X": X, "a_row": a_row, "a_col": a_col, "a_val": a_val,
            "W1": W1, "b1": b1, "W2": W2, "b2": b2}


def _spmm(a_row, a_col, a_val, H):
    # torch.sparse.mm(A_norm, H) -> scatter-add of gathered rows
    return jax.ops.segment_sum(a_val[:, None] * H[a_col], a_row, num_segments=N)


def reference(X, a_row, a_col, a_val, W1, b1, W2, b2):
    H = X
    # layer 1
    H = _spmm(a_row, a_col, a_val, H)
    H = H @ W1 + b1
    H = jax.nn.relu(H)
    # dropout p=0.0 -> identity
    # layer 2 (final, no activation)
    H = _spmm(a_row, a_col, a_val, H)
    H = H @ W2 + b2
    return H

if __name__ == "__main__":
    import jax
    _d = setup_inputs()
    print(jax.jit(kernel)(*tuple(_d.values())))

</pallas_src>

<mosaic_0001>
#map = affine_map<(d0, d1) -> (0, 0)>
#map1 = affine_map<(d0, d1) -> (0, 0, 0, 0)>
module attributes {stable_mosaic.version = 14 : i64} {
  func.func @body(%arg0: i32, %arg1: i32, %arg2: memref<10000x128xf32, #tpu.memory_space<hbm>>, %arg3: memref<32x3x36x96xi32, #tpu.memory_space<hbm>>, %arg4: memref<32x3x36x96xi32, #tpu.memory_space<hbm>>, %arg5: memref<632x128xf32, #tpu.memory_space<hbm>>, %arg6: memref<20224x128xf32, #tpu.memory_space<hbm>>, %arg7: memref<36x96xi32, #tpu.memory_space<vmem>>, %arg8: memref<36x96xi32, #tpu.memory_space<vmem>>, %arg9: memref<96x128xf32, #tpu.memory_space<vmem>>, %arg10: memref<96x128xf32, #tpu.memory_space<vmem>>, %arg11: memref<96x128xf32, #tpu.memory_space<vmem>>, %arg12: memref<10112x128xf32, #tpu.memory_space<vmem_shared>>, %arg13: memref<!tpu.dma_semaphore, #tpu.memory_space<semaphore_mem>>, %arg14: memref<!tpu.dma_semaphore, #tpu.memory_space<semaphore_mem>>, %arg15: memref<!tpu.dma_semaphore, #tpu.memory_space<semaphore_mem>>) attributes {dimension_semantics = [#tpu.dimension_semantics<core_parallel>, #tpu.dimension_semantics<subcore_parallel>], iteration_bounds = array<i64: 2, 16>, scalar_prefetch = 0 : i64, scratch_operands = 9 : i64, tpu.core_type = #tpu.core_type<sc_vector_subcore>, window_params = [{transform_indices = #map}, {transform_indices = #map1}, {transform_indices = #map1}, {transform_indices = #map}, {transform_indices = #map}]} {
    %mul3A = arith.constant 2 : i32
    %mul3A_0 = arith.muli %arg1, %mul3A : i32
    %add3A = arith.addi %mul3A_0, %arg0 : i32
    %mul3A_1 = arith.constant 632 : i32
    %mul3A_2 = arith.muli %arg1, %mul3A_1 : i32
    "tpu.region"() ({
      %run_scoped3A_166 = tpu.sem_alloc : memref<!tpu.dma_semaphore, #tpu.memory_space<semaphore_mem>>
      %dma_start3A_167 = arith.constant 0 : i32
      %dma_start3A_168 = tpu.memref_slice %arg12[%mul3A_2, %dma_start3A_167] : memref<10112x128xf32, #tpu.memory_space<vmem_shared>> -> memref<632x128xf32, #tpu.memory_space<vmem_shared>>
      tpu.enqueue_dma source(%arg5 : memref<632x128xf32, #tpu.memory_space<hbm>>) target(%dma_start3A_168 : memref<632x128xf32, #tpu.memory_space<vmem_shared>>) target_semaphore(%run_scoped3A_166 : memref<!tpu.dma_semaphore, #tpu.memory_space<semaphore_mem>>)
      %dma_wait3A_169 = arith.constant 0 : i32
      %dma_wait3A_170 = tpu.memref_slice %arg12[%mul3A_2, %dma_wait3A_169] : memref<10112x128xf32, #tpu.memory_space<vmem_shared>> -> memref<632x128xf32, #tpu.memory_space<vmem_shared>>
      tpu.wait_dma2 semaphore(%run_scoped3A_166 : memref<!tpu.dma_semaphore, #tpu.memory_space<semaphore_mem>>) src(%arg5 : memref<632x128xf32, #tpu.memory_space<hbm>>) dst(%dma_wait3A_170 : memref<632x128xf32, #tpu.memory_space<vmem_shared>>)
      tpu.yield
    }) : () -> ()
    %barrier3A = arith.constant 0 : index
    tpu.barrier barrier_id(%barrier3A)
    %run_scoped3A = arith.constant 0 : i32
    "tpu.region"() ({
      %run_scoped3A_166 = tpu.sem_alloc : memref<!tpu.dma_semaphore, #tpu.memory_space<semaphore_mem>>
      %dma_start3A_167 = arith.constant 0 : i32
      %dma_start3A_168 = arith.constant 0 : i32
      %dma_start3A_169 = tpu.memref_slice %arg3[%add3A, %run_scoped3A, %dma_start3A_167, %dma_start3A_168] : memref<32x3x36x96xi32, #tpu.memory_space<hbm>> -> memref<1x1x36x96xi32, #tpu.memory_space<hbm>>
      %dma_start3A_170 = tpu.memref_squeeze %dma_start3A_169 : memref<1x1x36x96xi32, #tpu.memory_space<hbm>> -> memref<36x96xi32, #tpu.memory_space<hbm>>
      %dma_start3A_171 = arith.constant 0 : i32
      %dma_start3A_172 = arith.constant 0 : i32
      %dma_start3A_173 = tpu.memref_slice %arg3[%add3A, %run_scoped3A, %dma_start3A_171, %dma_start3A_172] : memref<32x3x36x96xi32, #tpu.memory_space<hbm>> -> memref<1x1x36x96xi32, #tpu.memory_space<hbm>>
      %dma_start3A_174 = tpu.memref_squeeze %dma_start3A_173 : memref<1x1x36x96xi32, #tpu.memory_space<hbm>> -> memref<36x96xi32, #tpu.memory_space<hbm>>
      tpu.enqueue_dma source(%dma_start3A_174 : memref<36x96xi32, #tpu.memory_space<hbm>>) target(%arg7 : memref<36x96xi32, #tpu.memory_space<vmem>>) target_semaphore(%run_scoped3A_166 : memref<!tpu.dma_semaphore, #tpu.memory_space<semaphore_mem>>)
      %dma_wait3A_175 = arith.constant 0 : i32
      %dma_wait3A_176 = arith.constant 0 : i32
      %dma_wait3A_177 = tpu.memref_slice %arg3[%add3A, %run_scoped3A, %dma_wait3A_175, %dma_wait3A_176] : memref<32x3x36x96xi32, #tpu.memory_space<hbm>> -> memref<1x1x36x96xi32, #tpu.memory_space<hbm>>
      %dma_wait3A_178 = tpu.memref_squeeze %dma_wait3A_177 : memref<1x1x36x96xi32, #tpu.memory_space<hbm>> -> memref<36x96xi32, #tpu.memory_space<hbm>>
      %dma_wait3A_179 = arith.constant 0 : i32
      %dma_wait3A_180 = arith.constant 0 : i32
      %dma_wait3A_181 = tpu.memref_slice %arg3[%add3A, %run_scoped3A, %dma_wait3A_179, %dma_wait3A_180] : memref<32x3x36x96xi32, #tpu.memory_space<hbm>> -> memref<1x1x36x96xi32, #tpu.memory_space<hbm>>
      %dma_wait3A_182 = tpu.memref_squeeze %dma_wait3A_181 : memref<1x1x36x96xi32, #tpu.memory_space<hbm>> -> memref<36x96xi32, #tpu.memory_space<hbm>>
      tpu.wait_dma2 semaphore(%run_scoped3A_166 : memref<!tpu.dma_semaphore, #tpu.memory_space<semaphore_mem>>) src(%dma_wait3A_182 : memref<36x96xi32, #tpu.memory_space<hbm>>) dst(%arg7 : memref<36x96xi32, #tpu.memory_space<vmem>>)
      tpu.yield
    }) : () -> ()
    %run_scoped3A_3 = arith.constant 0 : i32
    "tpu.region"() ({
      %run_scoped3A_166 = tpu.sem_alloc : memref<!tpu.dma_semaphore, #tpu.memory_space<semaphore_mem>>
      %dma_start3A_167 = arith.constant 0 : i32
      %dma_start3A_168 = arith.constant 0 : i32
      %dma_start3A_169 = tpu.memref_slice %arg4[%add3A, %run_scoped3A_3, %dma_start3A_167, %dma_start3A_168] : memref<32x3x36x96xi32, #tpu.memory_space<hbm>> -> memref<1x1x36x96xi32, #tpu.memory_space<hbm>>
      %dma_start3A_170 = tpu.memref_squeeze %dma_start3A_169 : memref<1x1x36x96xi32, #tpu.memory_space<hbm>> -> memref<36x96xi32, #tpu.memory_space<hbm>>
      %dma_start3A_171 = arith.constant 0 : i32
      %dma_start3A_172 = arith.constant 0 : i32
      %dma_start3A_173 = tpu.memref_slice %arg4[%add3A, %run_scoped3A_3, %dma_start3A_171, %dma_start3A_172] : memref<32x3x36x96xi32, #tpu.memory_space<hbm>> -> memref<1x1x36x96xi32, #tpu.memory_space<hbm>>
      %dma_start3A_174 = tpu.memref_squeeze %dma_start3A_173 : memref<1x1x36x96xi32, #tpu.memory_space<hbm>> -> memref<36x96xi32, #tpu.memory_space<hbm>>
      tpu.enqueue_dma source(%dma_start3A_174 : memref<36x96xi32, #tpu.memory_space<hbm>>) target(%arg8 : memref<36x96xi32, #tpu.memory_space<vmem>>) target_semaphore(%run_scoped3A_166 : memref<!tpu.dma_semaphore, #tpu.memory_space<semaphore_mem>>)
      %dma_wait3A_175 = arith.constant 0 : i32
      %dma_wait3A_176 = arith.constant 0 : i32
      %dma_wait3A_177 = tpu.memref_slice %arg4[%add3A, %run_scoped3A_3, %dma_wait3A_175, %dma_wait3A_176] : memref<32x3x36x96xi32, #tpu.memory_space<hbm>> -> memref<1x1x36x96xi32, #tpu.memory_space<hbm>>
      %dma_wait3A_178 = tpu.memref_squeeze %dma_wait3A_177 : memref<1x1x36x96xi32, #tpu.memory_space<hbm>> -> memref<36x96xi32, #tpu.memory_space<hbm>>
      %dma_wait3A_179 = arith.constant 0 : i32
      %dma_wait3A_180 = arith.constant 0 : i32
      %dma_wait3A_181 = tpu.memref_slice %arg4[%add3A, %run_scoped3A_3, %dma_wait3A_179, %dma_wait3A_180] : memref<32x3x36x96xi32, #tpu.memory_space<hbm>> -> memref<1x1x36x96xi32, #tpu.memory_space<hbm>>
      %dma_wait3A_182 = tpu.memref_squeeze %dma_wait3A_181 : memref<1x1x36x96xi32, #tpu.memory_space<hbm>> -> memref<36x96xi32, #tpu.memory_space<hbm>>
      tpu.wait_dma2 semaphore(%run_scoped3A_166 : memref<!tpu.dma_semaphore, #tpu.memory_space<semaphore_mem>>) src(%dma_wait3A_182 : memref<36x96xi32, #tpu.memory_space<hbm>>) dst(%arg8 : memref<36x96xi32, #tpu.memory_space<vmem>>)
      tpu.yield
    }) : () -> ()
    %dma_start3A = arith.constant 0 : i32
    %dma_start3A_4 = arith.constant 0 : i32
    %dma_start3A_5 = tpu.memref_slice %arg7[%dma_start3A, %dma_start3A_4] : memref<36x96xi32, #tpu.memory_space<vmem>> -> memref<1x96xi32, #tpu.memory_space<vmem>>
    %dma_start3A_6 = tpu.memref_squeeze %dma_start3A_5 : memref<1x96xi32, #tpu.memory_space<vmem>> -> memref<96xi32, #tpu.memory_space<vmem>>
    %dma_start3A_7 = arith.constant 0 : i32
    %dma_start3A_8 = arith.constant 0 : i32
    %dma_start3A_9 = tpu.memref_slice %arg2[%dma_start3A_7, %dma_start3A_8] : memref<10000x128xf32, #tpu.memory_space<hbm>> -> memref<10000x128xf32, #tpu.memory_space<hbm>>
    tpu.enqueue_indirect_dma source(%dma_start3A_9 : memref<10000x128xf32, #tpu.memory_space<hbm>>) target(%arg9 : memref<96x128xf32, #tpu.memory_space<vmem>>) offsets(%dma_start3A_6 : memref<96xi32, #tpu.memory_space<vmem>>) semaphore(%arg13 : memref<!tpu.dma_semaphore, #tpu.memory_space<semaphore_mem>>)
    %dma_start3A_10 = arith.constant 1 : i32
    %dma_start3A_11 = arith.constant 0 : i32
    %dma_start3A_12 = tpu.memref_slice %arg7[%dma_start3A_10, %dma_start3A_11] : memref<36x96xi32, #tpu.memory_space<vmem>> -> memref<1x96xi32, #tpu.memory_space<vmem>>
    %dma_start3A_13 = tpu.memref_squeeze %dma_start3A_12 : memref<1x96xi32, #tpu.memory_space<vmem>> -> memref<96xi32, #tpu.memory_space<vmem>>
    %dma_start3A_14 = arith.constant 0 : i32
    %dma_start3A_15 = arith.constant 0 : i32
    %dma_start3A_16 = tpu.memref_slice %arg2[%dma_start3A_14, %dma_start3A_15] : memref<10000x128xf32, #tpu.memory_space<hbm>> -> memref<10000x128xf32, #tpu.memory_space<hbm>>
    tpu.enqueue_indirect_dma source(%dma_start3A_16 : memref<10000x128xf32, #tpu.memory_space<hbm>>) target(%arg10 : memref<96x128xf32, #tpu.memory_space<vmem>>) offsets(%dma_start3A_13 : memref<96xi32, #tpu.memory_space<vmem>>) semaphore(%arg14 : memref<!tpu.dma_semaphore, #tpu.memory_space<semaphore_mem>>)
    %dma_start3A_17 = arith.constant 2 : i32
    %dma_start3A_18 = arith.constant 0 : i32
    %dma_start3A_19 = tpu.memref_slice %arg7[%dma_start3A_17, %dma_start3A_18] : memref<36x96xi32, #tpu.memory_space<vmem>> -> memref<1x96xi32, #tpu.memory_space<vmem>>
    %dma_start3A_20 = tpu.memref_squeeze %dma_start3A_19 : memref<1x96xi32, #tpu.memory_space<vmem>> -> memref<96xi32, #tpu.memory_space<vmem>>
    %dma_start3A_21 = arith.constant 0 : i32
    %dma_start3A_22 = arith.constant 0 : i32
    %dma_start3A_23 = tpu.memref_slice %arg2[%dma_start3A_21, %dma_start3A_22] : memref<10000x128xf32, #tpu.memory_space<hbm>> -> memref<10000x128xf32, #tpu.memory_space<hbm>>
    tpu.enqueue_indirect_dma source(%dma_start3A_23 : memref<10000x128xf32, #tpu.memory_space<hbm>>) target(%arg11 : memref<96x128xf32, #tpu.memory_space<vmem>>) offsets(%dma_start3A_20 : memref<96xi32, #tpu.memory_space<vmem>>) semaphore(%arg15 : memref<!tpu.dma_semaphore, #tpu.memory_space<semaphore_mem>>)
    %scan3A = arith.constant 0 : i32
    %scan3A_24 = arith.constant 0 : i32
    %scan3A_25 = arith.constant 11 : i32
    %scan3A_26 = arith.addi %scan3A_24, %scan3A_25 : i32
    %scan3A_27 = arith.constant 1 : i32
    scf.for %scan3A_166 = %scan3A_24 to %scan3A_26 step %scan3A_27  : i32 {
      %mul3A_167 = arith.constant 3 : i32
      %mul3A_168 = arith.muli %mul3A_167, %scan3A_166 : i32
      %add3A_169 = arith.constant 0 : i32
      %add3A_170 = arith.addi %mul3A_168, %add3A_169 : i32
      %dma_wait3A_171 = arith.constant 0 : i32
      %dma_wait3A_172 = tpu.memref_slice %arg7[%add3A_170, %dma_wait3A_171] : memref<36x96xi32, #tpu.memory_space<vmem>> -> memref<1x96xi32, #tpu.memory_space<vmem>>
      %dma_wait3A_173 = tpu.memref_squeeze %dma_wait3A_172 : memref<1x96xi32, #tpu.memory_space<vmem>> -> memref<96xi32, #tpu.memory_space<vmem>>
      %dma_wait3A_174 = arith.constant 0 : i32
      %dma_wait3A_175 = arith.constant 0 : i32
      %dma_wait3A_176 = tpu.memref_slice %arg2[%dma_wait3A_174, %dma_wait3A_175] : memref<10000x128xf32, #tpu.memory_space<hbm>> -> memref<10000x128xf32, #tpu.memory_space<hbm>>
      tpu.wait_indirect_dma semaphore(%arg13 : memref<!tpu.dma_semaphore, #tpu.memory_space<semaphore_mem>>) src(%dma_wait3A_176 : memref<10000x128xf32, #tpu.memory_space<hbm>>) dst(%arg9 : memref<96x128xf32, #tpu.memory_space<vmem>>)
      "tpu.region"() ({
        %run_scoped3A_221 = tpu.sem_alloc : memref<!tpu.dma_semaphore, #tpu.memory_space<semaphore_mem>>
        %dma_start3A_222 = arith.constant 0 : i32
        %dma_start3A_223 = tpu.memref_slice %arg8[%add3A_170, %dma_start3A_222] : memref<36x96xi32, #tpu.memory_space<vmem>> -> memref<1x96xi32, #tpu.memory_space<vmem>>
        %dma_start3A_224 = tpu.memref_squeeze %dma_start3A_223 : memref<1x96xi32, #tpu.memory_space<vmem>> -> memref<96xi32, #tpu.memory_space<vmem>>
        %dma_start3A_225 = arith.constant 0 : i32
        %dma_start3A_226 = arith.constant 0 : i32
        %dma_start3A_227 = tpu.memref_slice %arg12[%dma_start3A_225, %dma_start3A_226] : memref<10112x128xf32, #tpu.memory_space<vmem_shared>> -> memref<10112x128xf32, #tpu.memory_space<vmem_shared>>
        tpu.enqueue_indirect_dma source(%arg9 : memref<96x128xf32, #tpu.memory_space<vmem>>) target(%dma_start3A_227 : memref<10112x128xf32, #tpu.memory_space<vmem_shared>>) offsets(%dma_start3A_224 : memref<96xi32, #tpu.memory_space<vmem>>) semaphore(%run_scoped3A_221 : memref<!tpu.dma_semaphore, #tpu.memory_space<semaphore_mem>>) {add = true}
        %dma_wait3A_228 = arith.constant 0 : i32
        %dma_wait3A_229 = tpu.memref_slice %arg8[%add3A_170, %dma_wait3A_228] : memref<36x96xi32, #tpu.memory_space<vmem>> -> memref<1x96xi32, #tpu.memory_space<vmem>>
        %dma_wait3A_230 = tpu.memref_squeeze %dma_wait3A_229 : memref<1x96xi32, #tpu.memory_space<vmem>> -> memref<96xi32, #tpu.memory_space<vmem>>
        %dma_wait3A_231 = arith.constant 0 : i32
        %dma_wait3A_232 = arith.constant 0 : i32
        %dma_wait3A_233 = tpu.memref_slice %arg12[%dma_wait3A_231, %dma_wait3A_232] : memref<10112x128xf32, #tpu.memory_space<vmem_shared>> -> memref<10112x128xf32, #tpu.memory_space<vmem_shared>>
        tpu.wait_indirect_dma semaphore(%run_scoped3A_221 : memref<!tpu.dma_semaphore, #tpu.memory_space<semaphore_mem>>) src(%arg9 : memref<96x128xf32, #tpu.memory_space<vmem>>) dst(%dma_wait3A_233 : memref<10112x128xf32, #tpu.memory_space<vmem_shared>>)
        tpu.yield
      }) : () -> ()
      %add3A_177 = arith.constant 3 : i32
      %add3A_178 = arith.addi %add3A_170, %add3A_177 : i32
      %dma_start3A_179 = arith.constant 0 : i32
      %dma_start3A_180 = tpu.memref_slice %arg7[%add3A_178, %dma_start3A_179] : memref<36x96xi32, #tpu.memory_space<vmem>> -> memref<1x96xi32, #tpu.memory_space<vmem>>
      %dma_start3A_181 = tpu.memref_squeeze %dma_start3A_180 : memref<1x96xi32, #tpu.memory_space<vmem>> -> memref<96xi32, #tpu.memory_space<vmem>>
      %dma_start3A_182 = arith.constant 0 : i32
      %dma_start3A_183 = arith.constant 0 : i32
      %dma_start3A_184 = tpu.memref_slice %arg2[%dma_start3A_182, %dma_start3A_183] : memref<10000x128xf32, #tpu.memory_space<hbm>> -> memref<10000x128xf32, #tpu.memory_space<hbm>>
      tpu.enqueue_indirect_dma source(%dma_start3A_184 : memref<10000x128xf32, #tpu.memory_space<hbm>>) target(%arg9 : memref<96x128xf32, #tpu.memory_space<vmem>>) offsets(%dma_start3A_181 : memref<96xi32, #tpu.memory_space<vmem>>) semaphore(%arg13 : memref<!tpu.dma_semaphore, #tpu.memory_space<semaphore_mem>>)
      %mul3A_185 = arith.constant 3 : i32
      %mul3A_186 = arith.muli %mul3A_185, %scan3A_166 : i32
      %add3A_187 = arith.constant 1 : i32
      %add3A_188 = arith.addi %mul3A_186, %add3A_187 : i32
      %dma_wait3A_189 = arith.constant 0 : i32
      %dma_wait3A_190 = tpu.memref_slice %arg7[%add3A_188, %dma_wait3A_189] : memref<36x96xi32, #tpu.memory_space<vmem>> -> memref<1x96xi32, #tpu.memory_space<vmem>>
      %dma_wait3A_191 = tpu.memref_squeeze %dma_wait3A_190 : memref<1x96xi32, #tpu.memory_space<vmem>> -> memref<96xi32, #tpu.memory_space<vmem>>
      %dma_wait3A_192 = arith.constant 0 : i32
      %dma_wait3A_193 = arith.constant 0 : i32
      %dma_wait3A_194 = tpu.memref_slice %arg2[%dma_wait3A_192, %dma_wait3A_193] : memref<10000x128xf32, #tpu.memory_space<hbm>> -> memref<10000x128xf32, #tpu.memory_space<hbm>>
      tpu.wait_indirect_dma semaphore(%arg14 : memref<!tpu.dma_semaphore, #tpu.memory_space<semaphore_mem>>) src(%dma_wait3A_194 : memref<10000x128xf32, #tpu.memory_space<hbm>>) dst(%arg10 : memref<96x128xf32, #tpu.memory_space<vmem>>)
      "tpu.region"() ({
        %run_scoped3A_221 = tpu.sem_alloc : memref<!tpu.dma_semaphore, #tpu.memory_space<semaphore_mem>>
        %dma_start3A_222 = arith.constant 0 : i32
        %dma_start3A_223 = tpu.memref_slice %arg8[%add3A_188, %dma_start3A_222] : memref<36x96xi32, #tpu.memory_space<vmem>> -> memref<1x96xi32, #tpu.memory_space<vmem>>
        %dma_start3A_224 = tpu.memref_squeeze %dma_start3A_223 : memref<1x96xi32, #tpu.memory_space<vmem>> -> memref<96xi32, #tpu.memory_space<vmem>>
        %dma_start3A_225 = arith.constant 0 : i32
        %dma_start3A_226 = arith.constant 0 : i32
        %dma_start3A_227 = tpu.memref_slice %arg12[%dma_start3A_225, %dma_start3A_226] : memref<10112x128xf32, #tpu.memory_space<vmem_shared>> -> memref<10112x128xf32, #tpu.memory_space<vmem_shared>>
        tpu.enqueue_indirect_dma source(%arg10 : memref<96x128xf32, #tpu.memory_space<vmem>>) target(%dma_start3A_227 : memref<10112x128xf32, #tpu.memory_space<vmem_shared>>) offsets(%dma_start3A_224 : memref<96xi32, #tpu.memory_space<vmem>>) semaphore(%run_scoped3A_221 : memref<!tpu.dma_semaphore, #tpu.memory_space<semaphore_mem>>) {add = true}
        %dma_wait3A_228 = arith.constant 0 : i32
        %dma_wait3A_229 = tpu.memref_slice %arg8[%add3A_188, %dma_wait3A_228] : memref<36x96xi32, #tpu.memory_space<vmem>> -> memref<1x96xi32, #tpu.memory_space<vmem>>
        %dma_wait3A_230 = tpu.memref_squeeze %dma_wait3A_229 : memref<1x96xi32, #tpu.memory_space<vmem>> -> memref<96xi32, #tpu.memory_space<vmem>>
        %dma_wait3A_231 = arith.constant 0 : i32
        %dma_wait3A_232 = arith.constant 0 : i32
        %dma_wait3A_233 = tpu.memref_slice %arg12[%dma_wait3A_231, %dma_wait3A_232] : memref<10112x128xf32, #tpu.memory_space<vmem_shared>> -> memref<10112x128xf32, #tpu.memory_space<vmem_shared>>
        tpu.wait_indirect_dma semaphore(%run_scoped3A_221 : memref<!tpu.dma_semaphore, #tpu.memory_space<semaphore_mem>>) src(%arg10 : memref<96x128xf32, #tpu.memory_space<vmem>>) dst(%dma_wait3A_233 : memref<10112x128xf32, #tpu.memory_space<vmem_shared>>)
        tpu.yield
      }) : () -> ()
      %add3A_195 = arith.constant 3 : i32
      %add3A_196 = arith.addi %add3A_188, %add3A_195 : i32
      %dma_start3A_197 = arith.constant 0 : i32
      %dma_start3A_198 = tpu.memref_slice %arg7[%add3A_196, %dma_start3A_197] : memref<36x96xi32, #tpu.memory_space<vmem>> -> memref<1x96xi32, #tpu.memory_space<vmem>>
      %dma_start3A_199 = tpu.memref_squeeze %dma_start3A_198 : memref<1x96xi32, #tpu.memory_space<vmem>> -> memref<96xi32, #tpu.memory_space<vmem>>
      %dma_start3A_200 = arith.constant 0 : i32
      %dma_start3A_201 = arith.constant 0 : i32
      %dma_start3A_202 = tpu.memref_slice %arg2[%dma_start3A_200, %dma_start3A_201] : memref<10000x128xf32, #tpu.memory_space<hbm>> -> memref<10000x128xf32, #tpu.memory_space<hbm>>
      tpu.enqueue_indirect_dma source(%dma_start3A_202 : memref<10000x128xf32, #tpu.memory_space<hbm>>) target(%arg10 : memref<96x128xf32, #tpu.memory_space<vmem>>) offsets(%dma_start3A_199 : memref<96xi32, #tpu.memory_space<vmem>>) semaphore(%arg14 : memref<!tpu.dma_semaphore, #tpu.memory_space<semaphore_mem>>)
      %mul3A_203 = arith.constant 3 : i32
      %mul3A_204 = arith.muli %mul3A_203, %scan3A_166 : i32
      %add3A_205 = arith.constant 2 : i32
      %add3A_206 = arith.addi %mul3A_204, %add3A_205 : i32
      %dma_wait3A_207 = arith.constant 0 : i32
      %dma_wait3A_208 = tpu.memref_slice %arg7[%add3A_206, %dma_wait3A_207] : memref<36x96xi32, #tpu.memory_space<vmem>> -> memref<1x96xi32, #tpu.memory_space<vmem>>
      %dma_wait3A_209 = tpu.memref_squeeze %dma_wait3A_208 : memref<1x96xi32, #tpu.memory_space<vmem>> -> memref<96xi32, #tpu.memory_space<vmem>>
      %dma_wait3A_210 = arith.constant 0 : i32
      %dma_wait3A_211 = arith.constant 0 : i32
      %dma_wait3A_212 = tpu.memref_slice %arg2[%dma_wait3A_210, %dma_wait3A_211] : memref<10000x128xf32, #tpu.memory_space<hbm>> -> memref<10000x128xf32, #tpu.memory_space<hbm>>
      tpu.wait_indirect_dma semaphore(%arg15 : memref<!tpu.dma_semaphore, #tpu.memory_space<semaphore_mem>>) src(%dma_wait3A_212 : memref<10000x128xf32, #tpu.memory_space<hbm>>) dst(%arg11 : memref<96x128xf32, #tpu.memory_space<vmem>>)
      "tpu.region"() ({
        %run_scoped3A_221 = tpu.sem_alloc : memref<!tpu.dma_semaphore, #tpu.memory_space<semaphore_mem>>
        %dma_start3A_222 = arith.constant 0 : i32
        %dma_start3A_223 = tpu.memref_slice %arg8[%add3A_206, %dma_start3A_222] : memref<36x96xi32, #tpu.memory_space<vmem>> -> memref<1x96xi32, #tpu.memory_space<vmem>>
        %dma_start3A_224 = tpu.memref_squeeze %dma_start3A_223 : memref<1x96xi32, #tpu.memory_space<vmem>> -> memref<96xi32, #tpu.memory_space<vmem>>
        %dma_start3A_225 = arith.constant 0 : i32
        %dma_start3A_226 = arith.constant 0 : i32
        %dma_start3A_227 = tpu.memref_slice %arg12[%dma_start3A_225, %dma_start3A_226] : memref<10112x128xf32, #tpu.memory_space<vmem_shared>> -> memref<10112x128xf32, #tpu.memory_space<vmem_shared>>
        tpu.enqueue_indirect_dma source(%arg11 : memref<96x128xf32, #tpu.memory_space<vmem>>) target(%dma_start3A_227 : memref<10112x128xf32, #tpu.memory_space<vmem_shared>>) offsets(%dma_start3A_224 : memref<96xi32, #tpu.memory_space<vmem>>) semaphore(%run_scoped3A_221 : memref<!tpu.dma_semaphore, #tpu.memory_space<semaphore_mem>>) {add = true}
        %dma_wait3A_228 = arith.constant 0 : i32
        %dma_wait3A_229 = tpu.memref_slice %arg8[%add3A_206, %dma_wait3A_228] : memref<36x96xi32, #tpu.memory_space<vmem>> -> memref<1x96xi32, #tpu.memory_space<vmem>>
        %dma_wait3A_230 = tpu.memref_squeeze %dma_wait3A_229 : memref<1x96xi32, #tpu.memory_space<vmem>> -> memref<96xi32, #tpu.memory_space<vmem>>
        %dma_wait3A_231 = arith.constant 0 : i32
        %dma_wait3A_232 = arith.constant 0 : i32
        %dma_wait3A_233 = tpu.memref_slice %arg12[%dma_wait3A_231, %dma_wait3A_232] : memref<10112x128xf32, #tpu.memory_space<vmem_shared>> -> memref<10112x128xf32, #tpu.memory_space<vmem_shared>>
        tpu.wait_indirect_dma semaphore(%run_scoped3A_221 : memref<!tpu.dma_semaphore, #tpu.memory_space<semaphore_mem>>) src(%arg11 : memref<96x128xf32, #tpu.memory_space<vmem>>) dst(%dma_wait3A_233 : memref<10112x128xf32, #tpu.memory_space<vmem_shared>>)
        tpu.yield
      }) : () -> ()
      %add3A_213 = arith.constant 3 : i32
      %add3A_214 = arith.addi %add3A_206, %add3A_213 : i32
      %dma_start3A_215 = arith.constant 0 : i32
      %dma_start3A_216 = tpu.memref_slice %arg7[%add3A_214, %dma_start3A_215] : memref<36x96xi32, #tpu.memory_space<vmem>> -> memref<1x96xi32, #tpu.memory_space<vmem>>
      %dma_start3A_217 = tpu.memref_squeeze %dma_start3A_216 : memref<1x96xi32, #tpu.memory_space<vmem>> -> memref<96xi32, #tpu.memory_space<vmem>>
      %dma_start3A_218 = arith.constant 0 : i32
      %dma_start3A_219 = arith.constant 0 : i32
      %dma_start3A_220 = tpu.memref_slice %arg2[%dma_start3A_218, %dma_start3A_219] : memref<10000x128xf32, #tpu.memory_space<hbm>> -> memref<10000x128xf32, #tpu.memory_space<hbm>>
      tpu.enqueue_indirect_dma source(%dma_start3A_220 : memref<10000x128xf32, #tpu.memory_space<hbm>>) target(%arg11 : memref<96x128xf32, #tpu.memory_space<vmem>>) offsets(%dma_start3A_217 : memref<96xi32, #tpu.memory_space<vmem>>) semaphore(%arg15 : memref<!tpu.dma_semaphore, #tpu.memory_space<semaphore_mem>>)
    }
    %scan3A_28 = arith.constant 11 : i32
    %dma_wait3A = arith.constant 33 : i32
    %dma_wait3A_29 = arith.constant 0 : i32
    %dma_wait3A_30 = tpu.memref_slice %arg7[%dma_wait3A, %dma_wait3A_29] : memref<36x96xi32, #tpu.memory_space<vmem>> -> memref<1x96xi32, #tpu.memory_space<vmem>>
    %dma_wait3A_31 = tpu.memref_squeeze %dma_wait3A_30 : memref<1x96xi32, #tpu.memory_space<vmem>> -> memref<96xi32, #tpu.memory_space<vmem>>
    %dma_wait3A_32 = arith.constant 0 : i32
    %dma_wait3A_33 = arith.constant 0 : i32
    %dma_wait3A_34 = tpu.memref_slice %arg2[%dma_wait3A_32, %dma_wait3A_33] : memref<10000x128xf32, #tpu.memory_space<hbm>> -> memref<10000x128xf32, #tpu.memory_space<hbm>>
    tpu.wait_indirect_dma semaphore(%arg13 : memref<!tpu.dma_semaphore, #tpu.memory_space<semaphore_mem>>) src(%dma_wait3A_34 : memref<10000x128xf32, #tpu.memory_space<hbm>>) dst(%arg9 : memref<96x128xf32, #tpu.memory_space<vmem>>)
    %run_scoped3A_35 = arith.constant 33 : i32
    "tpu.region"() ({
      %run_scoped3A_166 = tpu.sem_alloc : memref<!tpu.dma_semaphore, #tpu.memory_space<semaphore_mem>>
      %dma_start3A_167 = arith.constant 0 : i32
      %dma_start3A_168 = tpu.memref_slice %arg8[%run_scoped3A_35, %dma_start3A_167] : memref<36x96xi32, #tpu.memory_space<vmem>> -> memref<1x96xi32, #tpu.memory_space<vmem>>
      %dma_start3A_169 = tpu.memref_squeeze %dma_start3A_168 : memref<1x96xi32, #tpu.memory_space<vmem>> -> memref<96xi32, #tpu.memory_space<vmem>>
      %dma_start3A_170 = arith.constant 0 : i32
      %dma_start3A_171 = arith.constant 0 : i32
      %dma_start3A_172 = tpu.memref_slice %arg12[%dma_start3A_170, %dma_start3A_171] : memref<10112x128xf32, #tpu.memory_space<vmem_shared>> -> memref<10112x128xf32, #tpu.memory_space<vmem_shared>>
      tpu.enqueue_indirect_dma source(%arg9 : memref<96x128xf32, #tpu.memory_space<vmem>>) target(%dma_start3A_172 : memref<10112x128xf32, #tpu.memory_space<vmem_shared>>) offsets(%dma_start3A_169 : memref<96xi32, #tpu.memory_space<vmem>>) semaphore(%run_scoped3A_166 : memref<!tpu.dma_semaphore, #tpu.memory_space<semaphore_mem>>) {add = true}
      %dma_wait3A_173 = arith.constant 0 : i32
      %dma_wait3A_174 = tpu.memref_slice %arg8[%run_scoped3A_35, %dma_wait3A_173] : memref<36x96xi32, #tpu.memory_space<vmem>> -> memref<1x96xi32, #tpu.memory_space<vmem>>
      %dma_wait3A_175 = tpu.memref_squeeze %dma_wait3A_174 : memref<1x96xi32, #tpu.memory_space<vmem>> -> memref<96xi32, #tpu.memory_space<vmem>>
      %dma_wait3A_176 = arith.constant 0 : i32
      %dma_wait3A_177 = arith.constant 0 : i32
      %dma_wait3A_178 = tpu.memref_slice %arg12[%dma_wait3A_176, %dma_wait3A_177] : memref<10112x128xf32, #tpu.memory_space<vmem_shared>> -> memref<10112x128xf32, #tpu.memory_space<vmem_shared>>
      tpu.wait_indirect_dma semaphore(%run_scoped3A_166 : memref<!tpu.dma_semaphore, #tpu.memory_space<semaphore_mem>>) src(%arg9 : memref<96x128xf32, #tpu.memory_space<vmem>>) dst(%dma_wait3A_178 : memref<10112x128xf32, #tpu.memory_space<vmem_shared>>)
      tpu.yield
    }) : () -> ()
    %dma_wait3A_36 = arith.constant 34 : i32
    %dma_wait3A_37 = arith.constant 0 : i32
    %dma_wait3A_38 = tpu.memref_slice %arg7[%dma_wait3A_36, %dma_wait3A_37] : memref<36x96xi32, #tpu.memory_space<vmem>> -> memref<1x96xi32, #tpu.memory_space<vmem>>
    %dma_wait3A_39 = tpu.memref_squeeze %dma_wait3A_38 : memref<1x96xi32, #tpu.memory_space<vmem>> -> memref<96xi32, #tpu.memory_space<vmem>>
    %dma_wait3A_40 = arith.constant 0 : i32
    %dma_wait3A_41 = arith.constant 0 : i32
    %dma_wait3A_42 = tpu.memref_slice %arg2[%dma_wait3A_40, %dma_wait3A_41] : memref<10000x128xf32, #tpu.memory_space<hbm>> -> memref<10000x128xf32, #tpu.memory_space<hbm>>
    tpu.wait_indirect_dma semaphore(%arg14 : memref<!tpu.dma_semaphore, #tpu.memory_space<semaphore_mem>>) src(%dma_wait3A_42 : memref<10000x128xf32, #tpu.memory_space<hbm>>) dst(%arg10 : memref<96x128xf32, #tpu.memory_space<vmem>>)
    %run_scoped3A_43 = arith.constant 34 : i32
    "tpu.region"() ({
      %run_scoped3A_166 = tpu.sem_alloc : memref<!tpu.dma_semaphore, #tpu.memory_space<semaphore_mem>>
      %dma_start3A_167 = arith.constant 0 : i32
      %dma_start3A_168 = tpu.memref_slice %arg8[%run_scoped3A_43, %dma_start3A_167] : memref<36x96xi32, #tpu.memory_space<vmem>> -> memref<1x96xi32, #tpu.memory_space<vmem>>
      %dma_start3A_169 = tpu.memref_squeeze %dma_start3A_168 : memref<1x96xi32, #tpu.memory_space<vmem>> -> memref<96xi32, #tpu.memory_space<vmem>>
      %dma_start3A_170 = arith.constant 0 : i32
      %dma_start3A_171 = arith.constant 0 : i32
      %dma_start3A_172 = tpu.memref_slice %arg12[%dma_start3A_170, %dma_start3A_171] : memref<10112x128xf32, #tpu.memory_space<vmem_shared>> -> memref<10112x128xf32, #tpu.memory_space<vmem_shared>>
      tpu.enqueue_indirect_dma source(%arg10 : memref<96x128xf32, #tpu.memory_space<vmem>>) target(%dma_start3A_172 : memref<10112x128xf32, #tpu.memory_space<vmem_shared>>) offsets(%dma_start3A_169 : memref<96xi32, #tpu.memory_space<vmem>>) semaphore(%run_scoped3A_166 : memref<!tpu.dma_semaphore, #tpu.memory_space<semaphore_mem>>) {add = true}
      %dma_wait3A_173 = arith.constant 0 : i32
      %dma_wait3A_174 = tpu.memref_slice %arg8[%run_scoped3A_43, %dma_wait3A_173] : memref<36x96xi32, #tpu.memory_space<vmem>> -> memref<1x96xi32, #tpu.memory_space<vmem>>
      %dma_wait3A_175 = tpu.memref_squeeze %dma_wait3A_174 : memref<1x96xi32, #tpu.memory_space<vmem>> -> memref<96xi32, #tpu.memory_space<vmem>>
      %dma_wait3A_176 = arith.constant 0 : i32
      %dma_wait3A_177 = arith.constant 0 : i32
      %dma_wait3A_178 = tpu.memref_slice %arg12[%dma_wait3A_176, %dma_wait3A_177] : memref<10112x128xf32, #tpu.memory_space<vmem_shared>> -> memref<10112x128xf32, #tpu.memory_space<vmem_shared>>
      tpu.wait_indirect_dma semaphore(%run_scoped3A_166 : memref<!tpu.dma_semaphore, #tpu.memory_space<semaphore_mem>>) src(%arg10 : memref<96x128xf32, #tpu.memory_space<vmem>>) dst(%dma_wait3A_178 : memref<10112x128xf32, #tpu.memory_space<vmem_shared>>)
      tpu.yield
    }) : () -> ()
    %dma_wait3A_44 = arith.constant 35 : i32
    %dma_wait3A_45 = arith.constant 0 : i32
    %dma_wait3A_46 = tpu.memref_slice %arg7[%dma_wait3A_44, %dma_wait3A_45] : memref<36x96xi32, #tpu.memory_space<vmem>> -> memref<1x96xi32, #tpu.memory_space<vmem>>
    %dma_wait3A_47 = tpu.memref_squeeze %dma_wait3A_46 : memref<1x96xi32, #tpu.memory_space<vmem>> -> memref<96xi32, #tpu.memory_space<vmem>>
    %dma_wait3A_48 = arith.constant 0 : i32
    %dma_wait3A_49 = arith.constant 0 : i32
    %dma_wait3A_50 = tpu.memref_slice %arg2[%dma_wait3A_48, %dma_wait3A_49] : memref<10000x128xf32, #tpu.memory_space<hbm>> -> memref<10000x128xf32, #tpu.memory_space<hbm>>
    tpu.wait_indirect_dma semaphore(%arg15 : memref<!tpu.dma_semaphore, #tpu.memory_space<semaphore_mem>>) src(%dma_wait3A_50 : memref<10000x128xf32, #tpu.memory_space<hbm>>) dst(%arg11 : memref<96x128xf32, #tpu.memory_space<vmem>>)
    %run_scoped3A_51 = arith.constant 35 : i32
    "tpu.region"() ({
      %run_scoped3A_166 = tpu.sem_alloc : memref<!tpu.dma_semaphore, #tpu.memory_space<semaphore_mem>>
      %dma_start3A_167 = arith.constant 0 : i32
      %dma_start3A_168 = tpu.memref_slice %arg8[%run_scoped3A_51, %dma_start3A_167] : memref<36x96xi32, #tpu.memory_space<vmem>> -> memref<1x96xi32, #tpu.memory_space<vmem>>
      %dma_start3A_169 = tpu.memref_squeeze %dma_start3A_168 : memref<1x96xi32, #tpu.memory_space<vmem>> -> memref<96xi32, #tpu.memory_space<vmem>>
      %dma_start3A_170 = arith.constant 0 : i32
      %dma_start3A_171 = arith.constant 0 : i32
      %dma_start3A_172 = tpu.memref_slice %arg12[%dma_start3A_170, %dma_start3A_171] : memref<10112x128xf32, #tpu.memory_space<vmem_shared>> -> memref<10112x128xf32, #tpu.memory_space<vmem_shared>>
      tpu.enqueue_indirect_dma source(%arg11 : memref<96x128xf32, #tpu.memory_space<vmem>>) target(%dma_start3A_172 : memref<10112x128xf32, #tpu.memory_space<vmem_shared>>) offsets(%dma_start3A_169 : memref<96xi32, #tpu.memory_space<vmem>>) semaphore(%run_scoped3A_166 : memref<!tpu.dma_semaphore, #tpu.memory_space<semaphore_mem>>) {add = true}
      %dma_wait3A_173 = arith.constant 0 : i32
      %dma_wait3A_174 = tpu.memref_slice %arg8[%run_scoped3A_51, %dma_wait3A_173] : memref<36x96xi32, #tpu.memory_space<vmem>> -> memref<1x96xi32, #tpu.memory_space<vmem>>
      %dma_wait3A_175 = tpu.memref_squeeze %dma_wait3A_174 : memref<1x96xi32, #tpu.memory_space<vmem>> -> memref<96xi32, #tpu.memory_space<vmem>>
      %dma_wait3A_176 = arith.constant 0 : i32
      %dma_wait3A_177 = arith.constant 0 : i32
      %dma_wait3A_178 = tpu.memref_slice %arg12[%dma_wait3A_176, %dma_wait3A_177] : memref<10112x128xf32, #tpu.memory_space<vmem_shared>> -> memref<10112x128xf32, #tpu.memory_space<vmem_shared>>
      tpu.wait_indirect_dma semaphore(%run_scoped3A_166 : memref<!tpu.dma_semaphore, #tpu.memory_space<semaphore_mem>>) src(%arg11 : memref<96x128xf32, #tpu.memory_space<vmem>>) dst(%dma_wait3A_178 : memref<10112x128xf32, #tpu.memory_space<vmem_shared>>)
      tpu.yield
    }) : () -> ()
    %run_scoped3A_52 = arith.constant 1 : i32
    "tpu.region"() ({
      %run_scoped3A_166 = tpu.sem_alloc : memref<!tpu.dma_semaphore, #tpu.memory_space<semaphore_mem>>
      %dma_start3A_167 = arith.constant 0 : i32
      %dma_start3A_168 = arith.constant 0 : i32
      %dma_start3A_169 = tpu.memref_slice %arg3[%add3A, %run_scoped3A_52, %dma_start3A_167, %dma_start3A_168] : memref<32x3x36x96xi32, #tpu.memory_space<hbm>> -> memref<1x1x36x96xi32, #tpu.memory_space<hbm>>
      %dma_start3A_170 = tpu.memref_squeeze %dma_start3A_169 : memref<1x1x36x96xi32, #tpu.memory_space<hbm>> -> memref<36x96xi32, #tpu.memory_space<hbm>>
      %dma_start3A_171 = arith.constant 0 : i32
      %dma_start3A_172 = arith.constant 0 : i32
      %dma_start3A_173 = tpu.memref_slice %arg3[%add3A, %run_scoped3A_52, %dma_start3A_171, %dma_start3A_172] : memref<32x3x36x96xi32, #tpu.memory_space<hbm>> -> memref<1x1x36x96xi32, #tpu.memory_space<hbm>>
      %dma_start3A_174 = tpu.memref_squeeze %dma_start3A_173 : memref<1x1x36x96xi32, #tpu.memory_space<hbm>> -> memref<36x96xi32, #tpu.memory_space<hbm>>
      tpu.enqueue_dma source(%dma_start3A_174 : memref<36x96xi32, #tpu.memory_space<hbm>>) target(%arg7 : memref<36x96xi32, #tpu.memory_space<vmem>>) target_semaphore(%run_scoped3A_166 : memref<!tpu.dma_semaphore, #tpu.memory_space<semaphore_mem>>)
      %dma_wait3A_175 = arith.constant 0 : i32
      %dma_wait3A_176 = arith.constant 0 : i32
      %dma_wait3A_177 = tpu.memref_slice %arg3[%add3A, %run_scoped3A_52, %dma_wait3A_175, %dma_wait3A_176] : memref<32x3x36x96xi32, #tpu.memory_space<hbm>> -> memref<1x1x36x96xi32, #tpu.memory_space<hbm>>
      %dma_wait3A_178 = tpu.memref_squeeze %dma_wait3A_177 : memref<1x1x36x96xi32, #tpu.memory_space<hbm>> -> memref<36x96xi32, #tpu.memory_space<hbm>>
      %dma_wait3A_179 = arith.constant 0 : i32
      %dma_wait3A_180 = arith.constant 0 : i32
      %dma_wait3A_181 = tpu.memref_slice %arg3[%add3A, %run_scoped3A_52, %dma_wait3A_179, %dma_wait3A_180] : memref<32x3x36x96xi32, #tpu.memory_space<hbm>> -> memref<1x1x36x96xi32, #tpu.memory_space<hbm>>
      %dma_wait3A_182 = tpu.memref_squeeze %dma_wait3A_181 : memref<1x1x36x96xi32, #tpu.memory_space<hbm>> -> memref<36x96xi32, #tpu.memory_space<hbm>>
      tpu.wait_dma2 semaphore(%run_scoped3A_166 : memref<!tpu.dma_semaphore, #tpu.memory_space<semaphore_mem>>) src(%dma_wait3A_182 : memref<36x96xi32, #tpu.memory_space<hbm>>) dst(%arg7 : memref<36x96xi32, #tpu.memory_space<vmem>>)
      tpu.yield
    }) : () -> ()
    %run_scoped3A_53 = arith.constant 1 : i32
    "tpu.region"() ({
      %run_scoped3A_166 = tpu.sem_alloc : memref<!tpu.dma_semaphore, #tpu.memory_space<semaphore_mem>>
      %dma_start3A_167 = arith.constant 0 : i32
      %dma_start3A_168 = arith.constant 0 : i32
      %dma_start3A_169 = tpu.memref_slice %arg4[%add3A, %run_scoped3A_53, %dma_start3A_167, %dma_start3A_168] : memref<32x3x36x96xi32, #tpu.memory_space<hbm>> -> memref<1x1x36x96xi32, #tpu.memory_space<hbm>>
      %dma_start3A_170 = tpu.memref_squeeze %dma_start3A_169 : memref<1x1x36x96xi32, #tpu.memory_space<hbm>> -> memref<36x96xi32, #tpu.memory_space<hbm>>
      %dma_start3A_171 = arith.constant 0 : i32
      %dma_start3A_172 = arith.constant 0 : i32
      %dma_start3A_173 = tpu.memref_slice %arg4[%add3A, %run_scoped3A_53, %dma_start3A_171, %dma_start3A_172] : memref<32x3x36x96xi32, #tpu.memory_space<hbm>> -> memref<1x1x36x96xi32, #tpu.memory_space<hbm>>
      %dma_start3A_174 = tpu.memref_squeeze %dma_start3A_173 : memref<1x1x36x96xi32, #tpu.memory_space<hbm>> -> memref<36x96xi32, #tpu.memory_space<hbm>>
      tpu.enqueue_dma source(%dma_start3A_174 : memref<36x96xi32, #tpu.memory_space<hbm>>) target(%arg8 : memref<36x96xi32, #tpu.memory_space<vmem>>) target_semaphore(%run_scoped3A_166 : memref<!tpu.dma_semaphore, #tpu.memory_space<semaphore_mem>>)
      %dma_wait3A_175 = arith.constant 0 : i32
      %dma_wait3A_176 = arith.constant 0 : i32
      %dma_wait3A_177 = tpu.memref_slice %arg4[%add3A, %run_scoped3A_53, %dma_wait3A_175, %dma_wait3A_176] : memref<32x3x36x96xi32, #tpu.memory_space<hbm>> -> memref<1x1x36x96xi32, #tpu.memory_space<hbm>>
      %dma_wait3A_178 = tpu.memref_squeeze %dma_wait3A_177 : memref<1x1x36x96xi32, #tpu.memory_space<hbm>> -> memref<36x96xi32, #tpu.memory_space<hbm>>
      %dma_wait3A_179 = arith.constant 0 : i32
      %dma_wait3A_180 = arith.constant 0 : i32
      %dma_wait3A_181 = tpu.memref_slice %arg4[%add3A, %run_scoped3A_53, %dma_wait3A_179, %dma_wait3A_180] : memref<32x3x36x96xi32, #tpu.memory_space<hbm>> -> memref<1x1x36x96xi32, #tpu.memory_space<hbm>>
      %dma_wait3A_182 = tpu.memref_squeeze %dma_wait3A_181 : memref<1x1x36x96xi32, #tpu.memory_space<hbm>> -> memref<36x96xi32, #tpu.memory_space<hbm>>
      tpu.wait_dma2 semaphore(%run_scoped3A_166 : memref<!tpu.dma_semaphore, #tpu.memory_space<semaphore_mem>>) src(%dma_wait3A_182 : memref<36x96xi32, #tpu.memory_space<hbm>>) dst(%arg8 : memref<36x96xi32, #tpu.memory_space<vmem>>)
      tpu.yield
    }) : () -> ()
    %dma_start3A_54 = arith.constant 0 : i32
    %dma_start3A_55 = arith.constant 0 : i32
    %dma_start3A_56 = tpu.memref_slice %arg7[%dma_start3A_54, %dma_start3A_55] : memref<36x96xi32, #tpu.memory_space<vmem>> -> memref<1x96xi32, #tpu.memory_space<vmem>>
    %dma_start3A_57 = tpu.memref_squeeze %dma_start3A_56 : memref<1x96xi32, #tpu.memory_space<vmem>> -> memref<96xi32, #tpu.memory_space<vmem>>
    %dma_start3A_58 = arith.constant 0 : i32
    %dma_start3A_59 = arith.constant 0 : i32
    %dma_start3A_60 = tpu.memref_slice %arg2[%dma_start3A_58, %dma_start3A_59] : memref<10000x128xf32, #tpu.memory_space<hbm>> -> memref<10000x128xf32, #tpu.memory_space<hbm>>
    tpu.enqueue_indirect_dma source(%dma_start3A_60 : memref<10000x128xf32, #tpu.memory_space<hbm>>) target(%arg9 : memref<96x128xf32, #tpu.memory_space<vmem>>) offsets(%dma_start3A_57 : memref<96xi32, #tpu.memory_space<vmem>>) semaphore(%arg13 : memref<!tpu.dma_semaphore, #tpu.memory_space<semaphore_mem>>)
    %dma_start3A_61 = arith.constant 1 : i32
    %dma_start3A_62 = arith.constant 0 : i32
    %dma_start3A_63 = tpu.memref_slice %arg7[%dma_start3A_61, %dma_start3A_62] : memref<36x96xi32, #tpu.memory_space<vmem>> -> memref<1x96xi32, #tpu.memory_space<vmem>>
    %dma_start3A_64 = tpu.memref_squeeze %dma_start3A_63 : memref<1x96xi32, #tpu.memory_space<vmem>> -> memref<96xi32, #tpu.memory_space<vmem>>
    %dma_start3A_65 = arith.constant 0 : i32
    %dma_start3A_66 = arith.constant 0 : i32
    %dma_start3A_67 = tpu.memref_slice %arg2[%dma_start3A_65, %dma_start3A_66] : memref<10000x128xf32, #tpu.memory_space<hbm>> -> memref<10000x128xf32, #tpu.memory_space<hbm>>
    tpu.enqueue_indirect_dma source(%dma_start3A_67 : memref<10000x128xf32, #tpu.memory_space<hbm>>) target(%arg10 : memref<96x128xf32, #tpu.memory_space<vmem>>) offsets(%dma_start3A_64 : memref<96xi32, #tpu.memory_space<vmem>>) semaphore(%arg14 : memref<!tpu.dma_semaphore, #tpu.memory_space<semaphore_mem>>)
    %dma_start3A_68 = arith.constant 2 : i32
    %dma_start3A_69 = arith.constant 0 : i32
    %dma_start3A_70 = tpu.memref_slice %arg7[%dma_start3A_68, %dma_start3A_69] : memref<36x96xi32, #tpu.memory_space<vmem>> -> memref<1x96xi32, #tpu.memory_space<vmem>>
    %dma_start3A_71 = tpu.memref_squeeze %dma_start3A_70 : memref<1x96xi32, #tpu.memory_space<vmem>> -> memref<96xi32, #tpu.memory_space<vmem>>
    %dma_start3A_72 = arith.constant 0 : i32
    %dma_start3A_73 = arith.constant 0 : i32
    %dma_start3A_74 = tpu.memref_slice %arg2[%dma_start3A_72, %dma_start3A_73] : memref<10000x128xf32, #tpu.memory_space<hbm>> -> memref<10000x128xf32, #tpu.memory_space<hbm>>
    tpu.enqueue_indirect_dma source(%dma_start3A_74 : memref<10000x128xf32, #tpu.memory_space<hbm>>) target(%arg11 : memref<96x128xf32, #tpu.memory_space<vmem>>) offsets(%dma_start3A_71 : memref<96xi32, #tpu.memory_space<vmem>>) semaphore(%arg15 : memref<!tpu.dma_semaphore, #tpu.memory_space<semaphore_mem>>)
    %scan3A_75 = arith.constant 0 : i32
    %scan3A_76 = arith.constant 0 : i32
    %scan3A_77 = arith.constant 11 : i32
    %scan3A_78 = arith.addi %scan3A_76, %scan3A_77 : i32
    %scan3A_79 = arith.constant 1 : i32
    scf.for %scan3A_166 = %scan3A_76 to %scan3A_78 step %scan3A_79  : i32 {
      %mul3A_167 = arith.constant 3 : i32
      %mul3A_168 = arith.muli %mul3A_167, %scan3A_166 : i32
      %add3A_169 = arith.constant 0 : i32
      %add3A_170 = arith.addi %mul3A_168, %add3A_169 : i32
      %dma_wait3A_171 = arith.constant 0 : i32
      %dma_wait3A_172 = tpu.memref_slice %arg7[%add3A_170, %dma_wait3A_171] : memref<36x96xi32, #tpu.memory_space<vmem>> -> memref<1x96xi32, #tpu.memory_space<vmem>>
      %dma_wait3A_173 = tpu.memref_squeeze %dma_wait3A_172 : memref<1x96xi32, #tpu.memory_space<vmem>> -> memref<96xi32, #tpu.memory_space<vmem>>
      %dma_wait3A_174 = arith.constant 0 : i32
      %dma_wait3A_175 = arith.constant 0 : i32
      %dma_wait3A_176 = tpu.memref_slice %arg2[%dma_wait3A_174, %dma_wait3A_175] : memref<10000x128xf32, #tpu.memory_space<hbm>> -> memref<10000x128xf32, #tpu.memory_space<hbm>>
      tpu.wait_indirect_dma semaphore(%arg13 : memref<!tpu.dma_semaphore, #tpu.memory_space<semaphore_mem>>) src(%dma_wait3A_176 : memref<10000x128xf32, #tpu.memory_space<hbm>>) dst(%arg9 : memref<96x128xf32, #tpu.memory_space<vmem>>)
      "tpu.region"() ({
        %run_scoped3A_221 = tpu.sem_alloc : memref<!tpu.dma_semaphore, #tpu.memory_space<semaphore_mem>>
        %dma_start3A_222 = arith.constant 0 : i32
        %dma_start3A_223 = tpu.memref_slice %arg8[%add3A_170, %dma_start3A_222] : memref<36x96xi32, #tpu.memory_space<vmem>> -> memref<1x96xi32, #tpu.memory_space<vmem>>
        %dma_start3A_224 = tpu.memref_squeeze %dma_start3A_223 : memref<1x96xi32, #tpu.memory_space<vmem>> -> memref<96xi32, #tpu.memory_space<vmem>>
        %dma_start3A_225 = arith.constant 0 : i32
        %dma_start3A_226 = arith.constant 0 : i32
        %dma_start3A_227 = tpu.memref_slice %arg12[%dma_start3A_225, %dma_start3A_226] : memref<10112x128xf32, #tpu.memory_space<vmem_shared>> -> memref<10112x128xf32, #tpu.memory_space<vmem_shared>>
        tpu.enqueue_indirect_dma source(%arg9 : memref<96x128xf32, #tpu.memory_space<vmem>>) target(%dma_start3A_227 : memref<10112x128xf32, #tpu.memory_space<vmem_shared>>) offsets(%dma_start3A_224 : memref<96xi32, #tpu.memory_space<vmem>>) semaphore(%run_scoped3A_221 : memref<!tpu.dma_semaphore, #tpu.memory_space<semaphore_mem>>) {add = true}
        %dma_wait3A_228 = arith.constant 0 : i32
        %dma_wait3A_229 = tpu.memref_slice %arg8[%add3A_170, %dma_wait3A_228] : memref<36x96xi32, #tpu.memory_space<vmem>> -> memref<1x96xi32, #tpu.memory_space<vmem>>
        %dma_wait3A_230 = tpu.memref_squeeze %dma_wait3A_229 : memref<1x96xi32, #tpu.memory_space<vmem>> -> memref<96xi32, #tpu.memory_space<vmem>>
        %dma_wait3A_231 = arith.constant 0 : i32
        %dma_wait3A_232 = arith.constant 0 : i32
        %dma_wait3A_233 = tpu.memref_slice %arg12[%dma_wait3A_231, %dma_wait3A_232] : memref<10112x128xf32, #tpu.memory_space<vmem_shared>> -> memref<10112x128xf32, #tpu.memory_space<vmem_shared>>
        tpu.wait_indirect_dma semaphore(%run_scoped3A_221 : memref<!tpu.dma_semaphore, #tpu.memory_space<semaphore_mem>>) src(%arg9 : memref<96x128xf32, #tpu.memory_space<vmem>>) dst(%dma_wait3A_233 : memref<10112x128xf32, #tpu.memory_space<vmem_shared>>)
        tpu.yield
      }) : () -> ()
      %add3A_177 = arith.constant 3 : i32
      %add3A_178 = arith.addi %add3A_170, %add3A_177 : i32
      %dma_start3A_179 = arith.constant 0 : i32
      %dma_start3A_180 = tpu.memref_slice %arg7[%add3A_178, %dma_start3A_179] : memref<36x96xi32, #tpu.memory_space<vmem>> -> memref<1x96xi32, #tpu.memory_space<vmem>>
      %dma_start3A_181 = tpu.memref_squeeze %dma_start3A_180 : memref<1x96xi32, #tpu.memory_space<vmem>> -> memref<96xi32, #tpu.memory_space<vmem>>
      %dma_start3A_182 = arith.constant 0 : i32
      %dma_start3A_183 = arith.constant 0 : i32
      %dma_start3A_184 = tpu.memref_slice %arg2[%dma_start3A_182, %dma_start3A_183] : memref<10000x128xf32, #tpu.memory_space<hbm>> -> memref<10000x128xf32, #tpu.memory_space<hbm>>
      tpu.enqueue_indirect_dma source(%dma_start3A_184 : memref<10000x128xf32, #tpu.memory_space<hbm>>) target(%arg9 : memref<96x128xf32, #tpu.memory_space<vmem>>) offsets(%dma_start3A_181 : memref<96xi32, #tpu.memory_space<vmem>>) semaphore(%arg13 : memref<!tpu.dma_semaphore, #tpu.memory_space<semaphore_mem>>)
      %mul3A_185 = arith.constant 3 : i32
      %mul3A_186 = arith.muli %mul3A_185, %scan3A_166 : i32
      %add3A_187 = arith.constant 1 : i32
      %add3A_188 = arith.addi %mul3A_186, %add3A_187 : i32
      %dma_wait3A_189 = arith.constant 0 : i32
      %dma_wait3A_190 = tpu.memref_slice %arg7[%add3A_188, %dma_wait3A_189] : memref<36x96xi32, #tpu.memory_space<vmem>> -> memref<1x96xi32, #tpu.memory_space<vmem>>
      %dma_wait3A_191 = tpu.memref_squeeze %dma_wait3A_190 : memref<1x96xi32, #tpu.memory_space<vmem>> -> memref<96xi32, #tpu.memory_space<vmem>>
      %dma_wait3A_192 = arith.constant 0 : i32
      %dma_wait3A_193 = arith.constant 0 : i32
      %dma_wait3A_194 = tpu.memref_slice %arg2[%dma_wait3A_192, %dma_wait3A_193] : memref<10000x128xf32, #tpu.memory_space<hbm>> -> memref<10000x128xf32, #tpu.memory_space<hbm>>
      tpu.wait_indirect_dma semaphore(%arg14 : memref<!tpu.dma_semaphore, #tpu.memory_space<semaphore_mem>>) src(%dma_wait3A_194 : memref<10000x128xf32, #tpu.memory_space<hbm>>) dst(%arg10 : memref<96x128xf32, #tpu.memory_space<vmem>>)
      "tpu.region"() ({
        %run_scoped3A_221 = tpu.sem_alloc : memref<!tpu.dma_semaphore, #tpu.memory_space<semaphore_mem>>
        %dma_start3A_222 = arith.constant 0 : i32
        %dma_start3A_223 = tpu.memref_slice %arg8[%add3A_188, %dma_start3A_222] : memref<36x96xi32, #tpu.memory_space<vmem>> -> memref<1x96xi32, #tpu.memory_space<vmem>>
        %dma_start3A_224 = tpu.memref_squeeze %dma_start3A_223 : memref<1x96xi32, #tpu.memory_space<vmem>> -> memref<96xi32, #tpu.memory_space<vmem>>
        %dma_start3A_225 = arith.constant 0 : i32
        %dma_start3A_226 = arith.constant 0 : i32
        %dma_start3A_227 = tpu.memref_slice %arg12[%dma_start3A_225, %dma_start3A_226] : memref<10112x128xf32, #tpu.memory_space<vmem_shared>> -> memref<10112x128xf32, #tpu.memory_space<vmem_shared>>
        tpu.enqueue_indirect_dma source(%arg10 : memref<96x128xf32, #tpu.memory_space<vmem>>) target(%dma_start3A_227 : memref<10112x128xf32, #tpu.memory_space<vmem_shared>>) offsets(%dma_start3A_224 : memref<96xi32, #tpu.memory_space<vmem>>) semaphore(%run_scoped3A_221 : memref<!tpu.dma_semaphore, #tpu.memory_space<semaphore_mem>>) {add = true}
        %dma_wait3A_228 = arith.constant 0 : i32
        %dma_wait3A_229 = tpu.memref_slice %arg8[%add3A_188, %dma_wait3A_228] : memref<36x96xi32, #tpu.memory_space<vmem>> -> memref<1x96xi32, #tpu.memory_space<vmem>>
        %dma_wait3A_230 = tpu.memref_squeeze %dma_wait3A_229 : memref<1x96xi32, #tpu.memory_space<vmem>> -> memref<96xi32, #tpu.memory_space<vmem>>
        %dma_wait3A_231 = arith.constant 0 : i32
        %dma_wait3A_232 = arith.constant 0 : i32
        %dma_wait3A_233 = tpu.memref_slice %arg12[%dma_wait3A_231, %dma_wait3A_232] : memref<10112x128xf32, #tpu.memory_space<vmem_shared>> -> memref<10112x128xf32, #tpu.memory_space<vmem_shared>>
        tpu.wait_indirect_dma semaphore(%run_scoped3A_221 : memref<!tpu.dma_semaphore, #tpu.memory_space<semaphore_mem>>) src(%arg10 : memref<96x128xf32, #tpu.memory_space<vmem>>) dst(%dma_wait3A_233 : memref<10112x128xf32, #tpu.memory_space<vmem_shared>>)
        tpu.yield
      }) : () -> ()
      %add3A_195 = arith.constant 3 : i32
      %add3A_196 = arith.addi %add3A_188, %add3A_195 : i32
      %dma_start3A_197 = arith.constant 0 : i32
      %dma_start3A_198 = tpu.memref_slice %arg7[%add3A_196, %dma_start3A_197] : memref<36x96xi32, #tpu.memory_space<vmem>> -> memref<1x96xi32, #tpu.memory_space<vmem>>
      %dma_start3A_199 = tpu.memref_squeeze %dma_start3A_198 : memref<1x96xi32, #tpu.memory_space<vmem>> -> memref<96xi32, #tpu.memory_space<vmem>>
      %dma_start3A_200 = arith.constant 0 : i32
      %dma_start3A_201 = arith.constant 0 : i32
      %dma_start3A_202 = tpu.memref_slice %arg2[%dma_start3A_200, %dma_start3A_201] : memref<10000x128xf32, #tpu.memory_space<hbm>> -> memref<10000x128xf32, #tpu.memory_space<hbm>>
      tpu.enqueue_indirect_dma source(%dma_start3A_202 : memref<10000x128xf32, #tpu.memory_space<hbm>>) target(%arg10 : memref<96x128xf32, #tpu.memory_space<vmem>>) offsets(%dma_start3A_199 : memref<96xi32, #tpu.memory_space<vmem>>) semaphore(%arg14 : memref<!tpu.dma_semaphore, #tpu.memory_space<semaphore_mem>>)
      %mul3A_203 = arith.constant 3 : i32
      %mul3A_204 = arith.muli %mul3A_203, %scan3A_166 : i32
      %add3A_205 = arith.constant 2 : i32
      %add3A_206 = arith.addi %mul3A_204, %add3A_205 : i32
      %dma_wait3A_207 = arith.constant 0 : i32
      %dma_wait3A_208 = tpu.memref_slice %arg7[%add3A_206, %dma_wait3A_207] : memref<36x96xi32, #tpu.memory_space<vmem>> -> memref<1x96xi32, #tpu.memory_space<vmem>>
      %dma_wait3A_209 = tpu.memref_squeeze %dma_wait3A_208 : memref<1x96xi32, #tpu.memory_space<vmem>> -> memref<96xi32, #tpu.memory_space<vmem>>
      %dma_wait3A_210 = arith.constant 0 : i32
      %dma_wait3A_211 = arith.constant 0 : i32
      %dma_wait3A_212 = tpu.memref_slice %arg2[%dma_wait3A_210, %dma_wait3A_211] : memref<10000x128xf32, #tpu.memory_space<hbm>> -> memref<10000x128xf32, #tpu.memory_space<hbm>>
      tpu.wait_indirect_dma semaphore(%arg15 : memref<!tpu.dma_semaphore, #tpu.memory_space<semaphore_mem>>) src(%dma_wait3A_212 : memref<10000x128xf32, #tpu.memory_space<hbm>>) dst(%arg11 : memref<96x128xf32, #tpu.memory_space<vmem>>)
      "tpu.region"() ({
        %run_scoped3A_221 = tpu.sem_alloc : memref<!tpu.dma_semaphore, #tpu.memory_space<semaphore_mem>>
        %dma_start3A_222 = arith.constant 0 : i32
        %dma_start3A_223 = tpu.memref_slice %arg8[%add3A_206, %dma_start3A_222] : memref<36x96xi32, #tpu.memory_space<vmem>> -> memref<1x96xi32, #tpu.memory_space<vmem>>
        %dma_start3A_224 = tpu.memref_squeeze %dma_start3A_223 : memref<1x96xi32, #tpu.memory_space<vmem>> -> memref<96xi32, #tpu.memory_space<vmem>>
        %dma_start3A_225 = arith.constant 0 : i32
        %dma_start3A_226 = arith.constant 0 : i32
        %dma_start3A_227 = tpu.memref_slice %arg12[%dma_start3A_225, %dma_start3A_226] : memref<10112x128xf32, #tpu.memory_space<vmem_shared>> -> memref<10112x128xf32, #tpu.memory_space<vmem_shared>>
        tpu.enqueue_indirect_dma source(%arg11 : memref<96x128xf32, #tpu.memory_space<vmem>>) target(%dma_start3A_227 : memref<10112x128xf32, #tpu.memory_space<vmem_shared>>) offsets(%dma_start3A_224 : memref<96xi32, #tpu.memory_space<vmem>>) semaphore(%run_scoped3A_221 : memref<!tpu.dma_semaphore, #tpu.memory_space<semaphore_mem>>) {add = true}
        %dma_wait3A_228 = arith.constant 0 : i32
        %dma_wait3A_229 = tpu.memref_slice %arg8[%add3A_206, %dma_wait3A_228] : memref<36x96xi32, #tpu.memory_space<vmem>> -> memref<1x96xi32, #tpu.memory_space<vmem>>
        %dma_wait3A_230 = tpu.memref_squeeze %dma_wait3A_229 : memref<1x96xi32, #tpu.memory_space<vmem>> -> memref<96xi32, #tpu.memory_space<vmem>>
        %dma_wait3A_231 = arith.constant 0 : i32
        %dma_wait3A_232 = arith.constant 0 : i32
        %dma_wait3A_233 = tpu.memref_slice %arg12[%dma_wait3A_231, %dma_wait3A_232] : memref<10112x128xf32, #tpu.memory_space<vmem_shared>> -> memref<10112x128xf32, #tpu.memory_space<vmem_shared>>
        tpu.wait_indirect_dma semaphore(%run_scoped3A_221 : memref<!tpu.dma_semaphore, #tpu.memory_space<semaphore_mem>>) src(%arg11 : memref<96x128xf32, #tpu.memory_space<vmem>>) dst(%dma_wait3A_233 : memref<10112x128xf32, #tpu.memory_space<vmem_shared>>)
        tpu.yield
      }) : () -> ()
      %add3A_213 = arith.constant 3 : i32
      %add3A_214 = arith.addi %add3A_206, %add3A_213 : i32
      %dma_start3A_215 = arith.constant 0 : i32
      %dma_start3A_216 = tpu.memref_slice %arg7[%add3A_214, %dma_start3A_215] : memref<36x96xi32, #tpu.memory_space<vmem>> -> memref<1x96xi32, #tpu.memory_space<vmem>>
      %dma_start3A_217 = tpu.memref_squeeze %dma_start3A_216 : memref<1x96xi32, #tpu.memory_space<vmem>> -> memref<96xi32, #tpu.memory_space<vmem>>
      %dma_start3A_218 = arith.constant 0 : i32
      %dma_start3A_219 = arith.constant 0 : i32
      %dma_start3A_220 = tpu.memref_slice %arg2[%dma_start3A_218, %dma_start3A_219] : memref<10000x128xf32, #tpu.memory_space<hbm>> -> memref<10000x128xf32, #tpu.memory_space<hbm>>
      tpu.enqueue_indirect_dma source(%dma_start3A_220 : memref<10000x128xf32, #tpu.memory_space<hbm>>) target(%arg11 : memref<96x128xf32, #tpu.memory_space<vmem>>) offsets(%dma_start3A_217 : memref<96xi32, #tpu.memory_space<vmem>>) semaphore(%arg15 : memref<!tpu.dma_semaphore, #tpu.memory_space<semaphore_mem>>)
    }
    %scan3A_80 = arith.constant 11 : i32
    %dma_wait3A_81 = arith.constant 33 : i32
    %dma_wait3A_82 = arith.constant 0 : i32
    %dma_wait3A_83 = tpu.memref_slice %arg7[%dma_wait3A_81, %dma_wait3A_82] : memref<36x96xi32, #tpu.memory_space<vmem>> -> memref<1x96xi32, #tpu.memory_space<vmem>>
    %dma_wait3A_84 = tpu.memref_squeeze %dma_wait3A_83 : memref<1x96xi32, #tpu.memory_space<vmem>> -> memref<96xi32, #tpu.memory_space<vmem>>
    %dma_wait3A_85 = arith.constant 0 : i32
    %dma_wait3A_86 = arith.constant 0 : i32
    %dma_wait3A_87 = tpu.memref_slice %arg2[%dma_wait3A_85, %dma_wait3A_86] : memref<10000x128xf32, #tpu.memory_space<hbm>> -> memref<10000x128xf32, #tpu.memory_space<hbm>>
    tpu.wait_indirect_dma semaphore(%arg13 : memref<!tpu.dma_semaphore, #tpu.memory_space<semaphore_mem>>) src(%dma_wait3A_87 : memref<10000x128xf32, #tpu.memory_space<hbm>>) dst(%arg9 : memref<96x128xf32, #tpu.memory_space<vmem>>)
    %run_scoped3A_88 = arith.constant 33 : i32
    "tpu.region"() ({
      %run_scoped3A_166 = tpu.sem_alloc : memref<!tpu.dma_semaphore, #tpu.memory_space<semaphore_mem>>
      %dma_start3A_167 = arith.constant 0 : i32
      %dma_start3A_168 = tpu.memref_slice %arg8[%run_scoped3A_88, %dma_start3A_167] : memref<36x96xi32, #tpu.memory_space<vmem>> -> memref<1x96xi32, #tpu.memory_space<vmem>>
      %dma_start3A_169 = tpu.memref_squeeze %dma_start3A_168 : memref<1x96xi32, #tpu.memory_space<vmem>> -> memref<96xi32, #tpu.memory_space<vmem>>
      %dma_start3A_170 = arith.constant 0 : i32
      %dma_start3A_171 = arith.constant 0 : i32
      %dma_start3A_172 = tpu.memref_slice %arg12[%dma_start3A_170, %dma_start3A_171] : memref<10112x128xf32, #tpu.memory_space<vmem_shared>> -> memref<10112x128xf32, #tpu.memory_space<vmem_shared>>
      tpu.enqueue_indirect_dma source(%arg9 : memref<96x128xf32, #tpu.memory_space<vmem>>) target(%dma_start3A_172 : memref<10112x128xf32, #tpu.memory_space<vmem_shared>>) offsets(%dma_start3A_169 : memref<96xi32, #tpu.memory_space<vmem>>) semaphore(%run_scoped3A_166 : memref<!tpu.dma_semaphore, #tpu.memory_space<semaphore_mem>>) {add = true}
      %dma_wait3A_173 = arith.constant 0 : i32
      %dma_wait3A_174 = tpu.memref_slice %arg8[%run_scoped3A_88, %dma_wait3A_173] : memref<36x96xi32, #tpu.memory_space<vmem>> -> memref<1x96xi32, #tpu.memory_space<vmem>>
      %dma_wait3A_175 = tpu.memref_squeeze %dma_wait3A_174 : memref<1x96xi32, #tpu.memory_space<vmem>> -> memref<96xi32, #tpu.memory_space<vmem>>
      %dma_wait3A_176 = arith.constant 0 : i32
      %dma_wait3A_177 = arith.constant 0 : i32
      %dma_wait3A_178 = tpu.memref_slice %arg12[%dma_wait3A_176, %dma_wait3A_177] : memref<10112x128xf32, #tpu.memory_space<vmem_shared>> -> memref<10112x128xf32, #tpu.memory_space<vmem_shared>>
      tpu.wait_indirect_dma semaphore(%run_scoped3A_166 : memref<!tpu.dma_semaphore, #tpu.memory_space<semaphore_mem>>) src(%arg9 : memref<96x128xf32, #tpu.memory_space<vmem>>) dst(%dma_wait3A_178 : memref<10112x128xf32, #tpu.memory_space<vmem_shared>>)
      tpu.yield
    }) : () -> ()
    %dma_wait3A_89 = arith.constant 34 : i32
    %dma_wait3A_90 = arith.constant 0 : i32
    %dma_wait3A_91 = tpu.memref_slice %arg7[%dma_wait3A_89, %dma_wait3A_90] : memref<36x96xi32, #tpu.memory_space<vmem>> -> memref<1x96xi32, #tpu.memory_space<vmem>>
    %dma_wait3A_92 = tpu.memref_squeeze %dma_wait3A_91 : memref<1x96xi32, #tpu.memory_space<vmem>> -> memref<96xi32, #tpu.memory_space<vmem>>
    %dma_wait3A_93 = arith.constant 0 : i32
    %dma_wait3A_94 = arith.constant 0 : i32
    %dma_wait3A_95 = tpu.memref_slice %arg2[%dma_wait3A_93, %dma_wait3A_94] : memref<10000x128xf32, #tpu.memory_space<hbm>> -> memref<10000x128xf32, #tpu.memory_space<hbm>>
    tpu.wait_indirect_dma semaphore(%arg14 : memref<!tpu.dma_semaphore, #tpu.memory_space<semaphore_mem>>) src(%dma_wait3A_95 : memref<10000x128xf32, #tpu.memory_space<hbm>>) dst(%arg10 : memref<96x128xf32, #tpu.memory_space<vmem>>)
    %run_scoped3A_96 = arith.constant 34 : i32
    "tpu.region"() ({
      %run_scoped3A_166 = tpu.sem_alloc : memref<!tpu.dma_semaphore, #tpu.memory_space<semaphore_mem>>
      %dma_start3A_167 = arith.constant 0 : i32
      %dma_start3A_168 = tpu.memref_slice %arg8[%run_scoped3A_96, %dma_start3A_167] : memref<36x96xi32, #tpu.memory_space<vmem>> -> memref<1x96xi32, #tpu.memory_space<vmem>>
      %dma_start3A_169 = tpu.memref_squeeze %dma_start3A_168 : memref<1x96xi32, #tpu.memory_space<vmem>> -> memref<96xi32, #tpu.memory_space<vmem>>
      %dma_start3A_170 = arith.constant 0 : i32
      %dma_start3A_171 = arith.constant 0 : i32
      %dma_start3A_172 = tpu.memref_slice %arg12[%dma_start3A_170, %dma_start3A_171] : memref<10112x128xf32, #tpu.memory_space<vmem_shared>> -> memref<10112x128xf32, #tpu.memory_space<vmem_shared>>
      tpu.enqueue_indirect_dma source(%arg10 : memref<96x128xf32, #tpu.memory_space<vmem>>) target(%dma_start3A_172 : memref<10112x128xf32, #tpu.memory_space<vmem_shared>>) offsets(%dma_start3A_169 : memref<96xi32, #tpu.memory_space<vmem>>) semaphore(%run_scoped3A_166 : memref<!tpu.dma_semaphore, #tpu.memory_space<semaphore_mem>>) {add = true}
      %dma_wait3A_173 = arith.constant 0 : i32
      %dma_wait3A_174 = tpu.memref_slice %arg8[%run_scoped3A_96, %dma_wait3A_173] : memref<36x96xi32, #tpu.memory_space<vmem>> -> memref<1x96xi32, #tpu.memory_space<vmem>>
      %dma_wait3A_175 = tpu.memref_squeeze %dma_wait3A_174 : memref<1x96xi32, #tpu.memory_space<vmem>> -> memref<96xi32, #tpu.memory_space<vmem>>
      %dma_wait3A_176 = arith.constant 0 : i32
      %dma_wait3A_177 = arith.constant 0 : i32
      %dma_wait3A_178 = tpu.memref_slice %arg12[%dma_wait3A_176, %dma_wait3A_177] : memref<10112x128xf32, #tpu.memory_space<vmem_shared>> -> memref<10112x128xf32, #tpu.memory_space<vmem_shared>>
      tpu.wait_indirect_dma semaphore(%run_scoped3A_166 : memref<!tpu.dma_semaphore, #tpu.memory_space<semaphore_mem>>) src(%arg10 : memref<96x128xf32, #tpu.memory_space<vmem>>) dst(%dma_wait3A_178 : memref<10112x128xf32, #tpu.memory_space<vmem_shared>>)
      tpu.yield
    }) : () -> ()
    %dma_wait3A_97 = arith.constant 35 : i32
    %dma_wait3A_98 = arith.constant 0 : i32
    %dma_wait3A_99 = tpu.memref_slice %arg7[%dma_wait3A_97, %dma_wait3A_98] : memref<36x96xi32, #tpu.memory_space<vmem>> -> memref<1x96xi32, #tpu.memory_space<vmem>>
    %dma_wait3A_100 = tpu.memref_squeeze %dma_wait3A_99 : memref<1x96xi32, #tpu.memory_space<vmem>> -> memref<96xi32, #tpu.memory_space<vmem>>
    %dma_wait3A_101 = arith.constant 0 : i32
    %dma_wait3A_102 = arith.constant 0 : i32
    %dma_wait3A_103 = tpu.memref_slice %arg2[%dma_wait3A_101, %dma_wait3A_102] : memref<10000x128xf32, #tpu.memory_space<hbm>> -> memref<10000x128xf32, #tpu.memory_space<hbm>>
    tpu.wait_indirect_dma semaphore(%arg15 : memref<!tpu.dma_semaphore, #tpu.memory_space<semaphore_mem>>) src(%dma_wait3A_103 : memref<10000x128xf32, #tpu.memory_space<hbm>>) dst(%arg11 : memref<96x128xf32, #tpu.memory_space<vmem>>)
    %run_scoped3A_104 = arith.constant 35 : i32
    "tpu.region"() ({
      %run_scoped3A_166 = tpu.sem_alloc : memref<!tpu.dma_semaphore, #tpu.memory_space<semaphore_mem>>
      %dma_start3A_167 = arith.constant 0 : i32
      %dma_start3A_168 = tpu.memref_slice %arg8[%run_scoped3A_104, %dma_start3A_167] : memref<36x96xi32, #tpu.memory_space<vmem>> -> memref<1x96xi32, #tpu.memory_space<vmem>>
      %dma_start3A_169 = tpu.memref_squeeze %dma_start3A_168 : memref<1x96xi32, #tpu.memory_space<vmem>> -> memref<96xi32, #tpu.memory_space<vmem>>
      %dma_start3A_170 = arith.constant 0 : i32
      %dma_start3A_171 = arith.constant 0 : i32
      %dma_start3A_172 = tpu.memref_slice %arg12[%dma_start3A_170, %dma_start3A_171] : memref<10112x128xf32, #tpu.memory_space<vmem_shared>> -> memref<10112x128xf32, #tpu.memory_space<vmem_shared>>
      tpu.enqueue_indirect_dma source(%arg11 : memref<96x128xf32, #tpu.memory_space<vmem>>) target(%dma_start3A_172 : memref<10112x128xf32, #tpu.memory_space<vmem_shared>>) offsets(%dma_start3A_169 : memref<96xi32, #tpu.memory_space<vmem>>) semaphore(%run_scoped3A_166 : memref<!tpu.dma_semaphore, #tpu.memory_space<semaphore_mem>>) {add = true}
      %dma_wait3A_173 = arith.constant 0 : i32
      %dma_wait3A_174 = tpu.memref_slice %arg8[%run_scoped3A_104, %dma_wait3A_173] : memref<36x96xi32, #tpu.memory_space<vmem>> -> memref<1x96xi32, #tpu.memory_space<vmem>>
      %dma_wait3A_175 = tpu.memref_squeeze %dma_wait3A_174 : memref<1x96xi32, #tpu.memory_space<vmem>> -> memref<96xi32, #tpu.memory_space<vmem>>
      %dma_wait3A_176 = arith.constant 0 : i32
      %dma_wait3A_177 = arith.constant 0 : i32
      %dma_wait3A_178 = tpu.memref_slice %arg12[%dma_wait3A_176, %dma_wait3A_177] : memref<10112x128xf32, #tpu.memory_space<vmem_shared>> -> memref<10112x128xf32, #tpu.memory_space<vmem_shared>>
      tpu.wait_indirect_dma semaphore(%run_scoped3A_166 : memref<!tpu.dma_semaphore, #tpu.memory_space<semaphore_mem>>) src(%arg11 : memref<96x128xf32, #tpu.memory_space<vmem>>) dst(%dma_wait3A_178 : memref<10112x128xf32, #tpu.memory_space<vmem_shared>>)
      tpu.yield
    }) : () -> ()
    %run_scoped3A_105 = arith.constant 2 : i32
    "tpu.region"() ({
      %run_scoped3A_166 = tpu.sem_alloc : memref<!tpu.dma_semaphore, #tpu.memory_space<semaphore_mem>>
      %dma_start3A_167 = arith.constant 0 : i32
      %dma_start3A_168 = arith.constant 0 : i32
      %dma_start3A_169 = tpu.memref_slice %arg3[%add3A, %run_scoped3A_105, %dma_start3A_167, %dma_start3A_168] : memref<32x3x36x96xi32, #tpu.memory_space<hbm>> -> memref<1x1x36x96xi32, #tpu.memory_space<hbm>>
      %dma_start3A_170 = tpu.memref_squeeze %dma_start3A_169 : memref<1x1x36x96xi32, #tpu.memory_space<hbm>> -> memref<36x96xi32, #tpu.memory_space<hbm>>
      %dma_start3A_171 = arith.constant 0 : i32
      %dma_start3A_172 = arith.constant 0 : i32
      %dma_start3A_173 = tpu.memref_slice %arg3[%add3A, %run_scoped3A_105, %dma_start3A_171, %dma_start3A_172] : memref<32x3x36x96xi32, #tpu.memory_space<hbm>> -> memref<1x1x36x96xi32, #tpu.memory_space<hbm>>
      %dma_start3A_174 = tpu.memref_squeeze %dma_start3A_173 : memref<1x1x36x96xi32, #tpu.memory_space<hbm>> -> memref<36x96xi32, #tpu.memory_space<hbm>>
      tpu.enqueue_dma source(%dma_start3A_174 : memref<36x96xi32, #tpu.memory_space<hbm>>) target(%arg7 : memref<36x96xi32, #tpu.memory_space<vmem>>) target_semaphore(%run_scoped3A_166 : memref<!tpu.dma_semaphore, #tpu.memory_space<semaphore_mem>>)
      %dma_wait3A_175 = arith.constant 0 : i32
      %dma_wait3A_176 = arith.constant 0 : i32
      %dma_wait3A_177 = tpu.memref_slice %arg3[%add3A, %run_scoped3A_105, %dma_wait3A_175, %dma_wait3A_176] : memref<32x3x36x96xi32, #tpu.memory_space<hbm>> -> memref<1x1x36x96xi32, #tpu.memory_space<hbm>>
      %dma_wait3A_178 = tpu.memref_squeeze %dma_wait3A_177 : memref<1x1x36x96xi32, #tpu.memory_space<hbm>> -> memref<36x96xi32, #tpu.memory_space<hbm>>
      %dma_wait3A_179 = arith.constant 0 : i32
      %dma_wait3A_180 = arith.constant 0 : i32
      %dma_wait3A_181 = tpu.memref_slice %arg3[%add3A, %run_scoped3A_105, %dma_wait3A_179, %dma_wait3A_180] : memref<32x3x36x96xi32, #tpu.memory_space<hbm>> -> memref<1x1x36x96xi32, #tpu.memory_space<hbm>>
      %dma_wait3A_182 = tpu.memref_squeeze %dma_wait3A_181 : memref<1x1x36x96xi32, #tpu.memory_space<hbm>> -> memref<36x96xi32, #tpu.memory_space<hbm>>
      tpu.wait_dma2 semaphore(%run_scoped3A_166 : memref<!tpu.dma_semaphore, #tpu.memory_space<semaphore_mem>>) src(%dma_wait3A_182 : memref<36x96xi32, #tpu.memory_space<hbm>>) dst(%arg7 : memref<36x96xi32, #tpu.memory_space<vmem>>)
      tpu.yield
    }) : () -> ()
    %run_scoped3A_106 = arith.constant 2 : i32
    "tpu.region"() ({
      %run_scoped3A_166 = tpu.sem_alloc : memref<!tpu.dma_semaphore, #tpu.memory_space<semaphore_mem>>
      %dma_start3A_167 = arith.constant 0 : i32
      %dma_start3A_168 = arith.constant 0 : i32
      %dma_start3A_169 = tpu.memref_slice %arg4[%add3A, %run_scoped3A_106, %dma_start3A_167, %dma_start3A_168] : memref<32x3x36x96xi32, #tpu.memory_space<hbm>> -> memref<1x1x36x96xi32, #tpu.memory_space<hbm>>
      %dma_start3A_170 = tpu.memref_squeeze %dma_start3A_169 : memref<1x1x36x96xi32, #tpu.memory_space<hbm>> -> memref<36x96xi32, #tpu.memory_space<hbm>>
      %dma_start3A_171 = arith.constant 0 : i32
      %dma_start3A_172 = arith.constant 0 : i32
      %dma_start3A_173 = tpu.memref_slice %arg4[%add3A, %run_scoped3A_106, %dma_start3A_171, %dma_start3A_172] : memref<32x3x36x96xi32, #tpu.memory_space<hbm>> -> memref<1x1x36x96xi32, #tpu.memory_space<hbm>>
      %dma_start3A_174 = tpu.memref_squeeze %dma_start3A_173 : memref<1x1x36x96xi32, #tpu.memory_space<hbm>> -> memref<36x96xi32, #tpu.memory_space<hbm>>
      tpu.enqueue_dma source(%dma_start3A_174 : memref<36x96xi32, #tpu.memory_space<hbm>>) target(%arg8 : memref<36x96xi32, #tpu.memory_space<vmem>>) target_semaphore(%run_scoped3A_166 : memref<!tpu.dma_semaphore, #tpu.memory_space<semaphore_mem>>)
      %dma_wait3A_175 = arith.constant 0 : i32
      %dma_wait3A_176 = arith.constant 0 : i32
      %dma_wait3A_177 = tpu.memref_slice %arg4[%add3A, %run_scoped3A_106, %dma_wait3A_175, %dma_wait3A_176] : memref<32x3x36x96xi32, #tpu.memory_space<hbm>> -> memref<1x1x36x96xi32, #tpu.memory_space<hbm>>
      %dma_wait3A_178 = tpu.memref_squeeze %dma_wait3A_177 : memref<1x1x36x96xi32, #tpu.memory_space<hbm>> -> memref<36x96xi32, #tpu.memory_space<hbm>>
      %dma_wait3A_179 = arith.constant 0 : i32
      %dma_wait3A_180 = arith.constant 0 : i32
      %dma_wait3A_181 = tpu.memref_slice %arg4[%add3A, %run_scoped3A_106, %dma_wait3A_179, %dma_wait3A_180] : memref<32x3x36x96xi32, #tpu.memory_space<hbm>> -> memref<1x1x36x96xi32, #tpu.memory_space<hbm>>
      %dma_wait3A_182 = tpu.memref_squeeze %dma_wait3A_181 : memref<1x1x36x96xi32, #tpu.memory_space<hbm>> -> memref<36x96xi32, #tpu.memory_space<hbm>>
      tpu.wait_dma2 semaphore(%run_scoped3A_166 : memref<!tpu.dma_semaphore, #tpu.memory_space<semaphore_mem>>) src(%dma_wait3A_182 : memref<36x96xi32, #tpu.memory_space<hbm>>) dst(%arg8 : memref<36x96xi32, #tpu.memory_space<vmem>>)
      tpu.yield
    }) : () -> ()
    %dma_start3A_107 = arith.constant 0 : i32
    %dma_start3A_108 = arith.constant 0 : i32
    %dma_start3A_109 = tpu.memref_slice %arg7[%dma_start3A_107, %dma_start3A_108] : memref<36x96xi32, #tpu.memory_space<vmem>> -> memref<1x96xi32, #tpu.memory_space<vmem>>
    %dma_start3A_110 = tpu.memref_squeeze %dma_start3A_109 : memref<1x96xi32, #tpu.memory_space<vmem>> -> memref<96xi32, #tpu.memory_space<vmem>>
    %dma_start3A_111 = arith.constant 0 : i32
    %dma_start3A_112 = arith.constant 0 : i32
    %dma_start3A_113 = tpu.memref_slice %arg2[%dma_start3A_111, %dma_start3A_112] : memref<10000x128xf32, #tpu.memory_space<hbm>> -> memref<10000x128xf32, #tpu.memory_space<hbm>>
    tpu.enqueue_indirect_dma source(%dma_start3A_113 : memref<10000x128xf32, #tpu.memory_space<hbm>>) target(%arg9 : memref<96x128xf32, #tpu.memory_space<vmem>>) offsets(%dma_start3A_110 : memref<96xi32, #tpu.memory_space<vmem>>) semaphore(%arg13 : memref<!tpu.dma_semaphore, #tpu.memory_space<semaphore_mem>>)
    %dma_start3A_114 = arith.constant 1 : i32
    %dma_start3A_115 = arith.constant 0 : i32
    %dma_start3A_116 = tpu.memref_slice %arg7[%dma_start3A_114, %dma_start3A_115] : memref<36x96xi32, #tpu.memory_space<vmem>> -> memref<1x96xi32, #tpu.memory_space<vmem>>
    %dma_start3A_117 = tpu.memref_squeeze %dma_start3A_116 : memref<1x96xi32, #tpu.memory_space<vmem>> -> memref<96xi32, #tpu.memory_space<vmem>>
    %dma_start3A_118 = arith.constant 0 : i32
    %dma_start3A_119 = arith.constant 0 : i32
    %dma_start3A_120 = tpu.memref_slice %arg2[%dma_start3A_118, %dma_start3A_119] : memref<10000x128xf32, #tpu.memory_space<hbm>> -> memref<10000x128xf32, #tpu.memory_space<hbm>>
    tpu.enqueue_indirect_dma source(%dma_start3A_120 : memref<10000x128xf32, #tpu.memory_space<hbm>>) target(%arg10 : memref<96x128xf32, #tpu.memory_space<vmem>>) offsets(%dma_start3A_117 : memref<96xi32, #tpu.memory_space<vmem>>) semaphore(%arg14 : memref<!tpu.dma_semaphore, #tpu.memory_space<semaphore_mem>>)
    %dma_start3A_121 = arith.constant 2 : i32
    %dma_start3A_122 = arith.constant 0 : i32
    %dma_start3A_123 = tpu.memref_slice %arg7[%dma_start3A_121, %dma_start3A_122] : memref<36x96xi32, #tpu.memory_space<vmem>> -> memref<1x96xi32, #tpu.memory_space<vmem>>
    %dma_start3A_124 = tpu.memref_squeeze %dma_start3A_123 : memref<1x96xi32, #tpu.memory_space<vmem>> -> memref<96xi32, #tpu.memory_space<vmem>>
    %dma_start3A_125 = arith.constant 0 : i32
    %dma_start3A_126 = arith.constant 0 : i32
    %dma_start3A_127 = tpu.memref_slice %arg2[%dma_start3A_125, %dma_start3A_126] : memref<10000x128xf32, #tpu.memory_space<hbm>> -> memref<10000x128xf32, #tpu.memory_space<hbm>>
    tpu.enqueue_indirect_dma source(%dma_start3A_127 : memref<10000x128xf32, #tpu.memory_space<hbm>>) target(%arg11 : memref<96x128xf32, #tpu.memory_space<vmem>>) offsets(%dma_start3A_124 : memref<96xi32, #tpu.memory_space<vmem>>) semaphore(%arg15 : memref<!tpu.dma_semaphore, #tpu.memory_space<semaphore_mem>>)
    %scan3A_128 = arith.constant 0 : i32
    %scan3A_129 = arith.constant 0 : i32
    %scan3A_130 = arith.constant 11 : i32
    %scan3A_131 = arith.addi %scan3A_129, %scan3A_130 : i32
    %scan3A_132 = arith.constant 1 : i32
    scf.for %scan3A_166 = %scan3A_129 to %scan3A_131 step %scan3A_132  : i32 {
      %mul3A_167 = arith.constant 3 : i32
      %mul3A_168 = arith.muli %mul3A_167, %scan3A_166 : i32
      %add3A_169 = arith.constant 0 : i32
      %add3A_170 = arith.addi %mul3A_168, %add3A_169 : i32
      %dma_wait3A_171 = arith.constant 0 : i32
      %dma_wait3A_172 = tpu.memref_slice %arg7[%add3A_170, %dma_wait3A_171] : memref<36x96xi32, #tpu.memory_space<vmem>> -> memref<1x96xi32, #tpu.memory_space<vmem>>
      %dma_wait3A_173 = tpu.memref_squeeze %dma_wait3A_172 : memref<1x96xi32, #tpu.memory_space<vmem>> -> memref<96xi32, #tpu.memory_space<vmem>>
      %dma_wait3A_174 = arith.constant 0 : i32
      %dma_wait3A_175 = arith.constant 0 : i32
      %dma_wait3A_176 = tpu.memref_slice %arg2[%dma_wait3A_174, %dma_wait3A_175] : memref<10000x128xf32, #tpu.memory_space<hbm>> -> memref<10000x128xf32, #tpu.memory_space<hbm>>
      tpu.wait_indirect_dma semaphore(%arg13 : memref<!tpu.dma_semaphore, #tpu.memory_space<semaphore_mem>>) src(%dma_wait3A_176 : memref<10000x128xf32, #tpu.memory_space<hbm>>) dst(%arg9 : memref<96x128xf32, #tpu.memory_space<vmem>>)
      "tpu.region"() ({
        %run_scoped3A_221 = tpu.sem_alloc : memref<!tpu.dma_semaphore, #tpu.memory_space<semaphore_mem>>
        %dma_start3A_222 = arith.constant 0 : i32
        %dma_start3A_223 = tpu.memref_slice %arg8[%add3A_170, %dma_start3A_222] : memref<36x96xi32, #tpu.memory_space<vmem>> -> memref<1x96xi32, #tpu.memory_space<vmem>>
        %dma_start3A_224 = tpu.memref_squeeze %dma_start3A_223 : memref<1x96xi32, #tpu.memory_space<vmem>> -> memref<96xi32, #tpu.memory_space<vmem>>
        %dma_start3A_225 = arith.constant 0 : i32
        %dma_start3A_226 = arith.constant 0 : i32
        %dma_start3A_227 = tpu.memref_slice %arg12[%dma_start3A_225, %dma_start3A_226] : memref<10112x128xf32, #tpu.memory_space<vmem_shared>> -> memref<10112x128xf32, #tpu.memory_space<vmem_shared>>
        tpu.enqueue_indirect_dma source(%arg9 : memref<96x128xf32, #tpu.memory_space<vmem>>) target(%dma_start3A_227 : memref<10112x128xf32, #tpu.memory_space<vmem_shared>>) offsets(%dma_start3A_224 : memref<96xi32, #tpu.memory_space<vmem>>) semaphore(%run_scoped3A_221 : memref<!tpu.dma_semaphore, #tpu.memory_space<semaphore_mem>>) {add = true}
        %dma_wait3A_228 = arith.constant 0 : i32
        %dma_wait3A_229 = tpu.memref_slice %arg8[%add3A_170, %dma_wait3A_228] : memref<36x96xi32, #tpu.memory_space<vmem>> -> memref<1x96xi32, #tpu.memory_space<vmem>>
        %dma_wait3A_230 = tpu.memref_squeeze %dma_wait3A_229 : memref<1x96xi32, #tpu.memory_space<vmem>> -> memref<96xi32, #tpu.memory_space<vmem>>
        %dma_wait3A_231 = arith.constant 0 : i32
        %dma_wait3A_232 = arith.constant 0 : i32
        %dma_wait3A_233 = tpu.memref_slice %arg12[%dma_wait3A_231, %dma_wait3A_232] : memref<10112x128xf32, #tpu.memory_space<vmem_shared>> -> memref<10112x128xf32, #tpu.memory_space<vmem_shared>>
        tpu.wait_indirect_dma semaphore(%run_scoped3A_221 : memref<!tpu.dma_semaphore, #tpu.memory_space<semaphore_mem>>) src(%arg9 : memref<96x128xf32, #tpu.memory_space<vmem>>) dst(%dma_wait3A_233 : memref<10112x128xf32, #tpu.memory_space<vmem_shared>>)
        tpu.yield
      }) : () -> ()
      %add3A_177 = arith.constant 3 : i32
      %add3A_178 = arith.addi %add3A_170, %add3A_177 : i32
      %dma_start3A_179 = arith.constant 0 : i32
      %dma_start3A_180 = tpu.memref_slice %arg7[%add3A_178, %dma_start3A_179] : memref<36x96xi32, #tpu.memory_space<vmem>> -> memref<1x96xi32, #tpu.memory_space<vmem>>
      %dma_start3A_181 = tpu.memref_squeeze %dma_start3A_180 : memref<1x96xi32, #tpu.memory_space<vmem>> -> memref<96xi32, #tpu.memory_space<vmem>>
      %dma_start3A_182 = arith.constant 0 : i32
      %dma_start3A_183 = arith.constant 0 : i32
      %dma_start3A_184 = tpu.memref_slice %arg2[%dma_start3A_182, %dma_start3A_183] : memref<10000x128xf32, #tpu.memory_space<hbm>> -> memref<10000x128xf32, #tpu.memory_space<hbm>>
      tpu.enqueue_indirect_dma source(%dma_start3A_184 : memref<10000x128xf32, #tpu.memory_space<hbm>>) target(%arg9 : memref<96x128xf32, #tpu.memory_space<vmem>>) offsets(%dma_start3A_181 : memref<96xi32, #tpu.memory_space<vmem>>) semaphore(%arg13 : memref<!tpu.dma_semaphore, #tpu.memory_space<semaphore_mem>>)
      %mul3A_185 = arith.constant 3 : i32
      %mul3A_186 = arith.muli %mul3A_185, %scan3A_166 : i32
      %add3A_187 = arith.constant 1 : i32
      %add3A_188 = arith.addi %mul3A_186, %add3A_187 : i32
      %dma_wait3A_189 = arith.constant 0 : i32
      %dma_wait3A_190 = tpu.memref_slice %arg7[%add3A_188, %dma_wait3A_189] : memref<36x96xi32, #tpu.memory_space<vmem>> -> memref<1x96xi32, #tpu.memory_space<vmem>>
      %dma_wait3A_191 = tpu.memref_squeeze %dma_wait3A_190 : memref<1x96xi32, #tpu.memory_space<vmem>> -> memref<96xi32, #tpu.memory_space<vmem>>
      %dma_wait3A_192 = arith.constant 0 : i32
      %dma_wait3A_193 = arith.constant 0 : i32
      %dma_wait3A_194 = tpu.memref_slice %arg2[%dma_wait3A_192, %dma_wait3A_193] : memref<10000x128xf32, #tpu.memory_space<hbm>> -> memref<10000x128xf32, #tpu.memory_space<hbm>>
      tpu.wait_indirect_dma semaphore(%arg14 : memref<!tpu.dma_semaphore, #tpu.memory_space<semaphore_mem>>) src(%dma_wait3A_194 : memref<10000x128xf32, #tpu.memory_space<hbm>>) dst(%arg10 : memref<96x128xf32, #tpu.memory_space<vmem>>)
      "tpu.region"() ({
        %run_scoped3A_221 = tpu.sem_alloc : memref<!tpu.dma_semaphore, #tpu.memory_space<semaphore_mem>>
        %dma_start3A_222 = arith.constant 0 : i32
        %dma_start3A_223 = tpu.memref_slice %arg8[%add3A_188, %dma_start3A_222] : memref<36x96xi32, #tpu.memory_space<vmem>> -> memref<1x96xi32, #tpu.memory_space<vmem>>
        %dma_start3A_224 = tpu.memref_squeeze %dma_start3A_223 : memref<1x96xi32, #tpu.memory_space<vmem>> -> memref<96xi32, #tpu.memory_space<vmem>>
        %dma_start3A_225 = arith.constant 0 : i32
        %dma_start3A_226 = arith.constant 0 : i32
        %dma_start3A_227 = tpu.memref_slice %arg12[%dma_start3A_225, %dma_start3A_226] : memref<10112x128xf32, #tpu.memory_space<vmem_shared>> -> memref<10112x128xf32, #tpu.memory_space<vmem_shared>>
        tpu.enqueue_indirect_dma source(%arg10 : memref<96x128xf32, #tpu.memory_space<vmem>>) target(%dma_start3A_227 : memref<10112x128xf32, #tpu.memory_space<vmem_shared>>) offsets(%dma_start3A_224 : memref<96xi32, #tpu.memory_space<vmem>>) semaphore(%run_scoped3A_221 : memref<!tpu.dma_semaphore, #tpu.memory_space<semaphore_mem>>) {add = true}
        %dma_wait3A_228 = arith.constant 0 : i32
        %dma_wait3A_229 = tpu.memref_slice %arg8[%add3A_188, %dma_wait3A_228] : memref<36x96xi32, #tpu.memory_space<vmem>> -> memref<1x96xi32, #tpu.memory_space<vmem>>
        %dma_wait3A_230 = tpu.memref_squeeze %dma_wait3A_229 : memref<1x96xi32, #tpu.memory_space<vmem>> -> memref<96xi32, #tpu.memory_space<vmem>>
        %dma_wait3A_231 = arith.constant 0 : i32
        %dma_wait3A_232 = arith.constant 0 : i32
        %dma_wait3A_233 = tpu.memref_slice %arg12[%dma_wait3A_231, %dma_wait3A_232] : memref<10112x128xf32, #tpu.memory_space<vmem_shared>> -> memref<10112x128xf32, #tpu.memory_space<vmem_shared>>
        tpu.wait_indirect_dma semaphore(%run_scoped3A_221 : memref<!tpu.dma_semaphore, #tpu.memory_space<semaphore_mem>>) src(%arg10 : memref<96x128xf32, #tpu.memory_space<vmem>>) dst(%dma_wait3A_233 : memref<10112x128xf32, #tpu.memory_space<vmem_shared>>)
        tpu.yield
      }) : () -> ()
      %add3A_195 = arith.constant 3 : i32
      %add3A_196 = arith.addi %add3A_188, %add3A_195 : i32
      %dma_start3A_197 = arith.constant 0 : i32
      %dma_start3A_198 = tpu.memref_slice %arg7[%add3A_196, %dma_start3A_197] : memref<36x96xi32, #tpu.memory_space<vmem>> -> memref<1x96xi32, #tpu.memory_space<vmem>>
      %dma_start3A_199 = tpu.memref_squeeze %dma_start3A_198 : memref<1x96xi32, #tpu.memory_space<vmem>> -> memref<96xi32, #tpu.memory_space<vmem>>
      %dma_start3A_200 = arith.constant 0 : i32
      %dma_start3A_201 = arith.constant 0 : i32
      %dma_start3A_202 = tpu.memref_slice %arg2[%dma_start3A_200, %dma_start3A_201] : memref<10000x128xf32, #tpu.memory_space<hbm>> -> memref<10000x128xf32, #tpu.memory_space<hbm>>
      tpu.enqueue_indirect_dma source(%dma_start3A_202 : memref<10000x128xf32, #tpu.memory_space<hbm>>) target(%arg10 : memref<96x128xf32, #tpu.memory_space<vmem>>) offsets(%dma_start3A_199 : memref<96xi32, #tpu.memory_space<vmem>>) semaphore(%arg14 : memref<!tpu.dma_semaphore, #tpu.memory_space<semaphore_mem>>)
      %mul3A_203 = arith.constant 3 : i32
      %mul3A_204 = arith.muli %mul3A_203, %scan3A_166 : i32
      %add3A_205 = arith.constant 2 : i32
      %add3A_206 = arith.addi %mul3A_204, %add3A_205 : i32
      %dma_wait3A_207 = arith.constant 0 : i32
      %dma_wait3A_208 = tpu.memref_slice %arg7[%add3A_206, %dma_wait3A_207] : memref<36x96xi32, #tpu.memory_space<vmem>> -> memref<1x96xi32, #tpu.memory_space<vmem>>
      %dma_wait3A_209 = tpu.memref_squeeze %dma_wait3A_208 : memref<1x96xi32, #tpu.memory_space<vmem>> -> memref<96xi32, #tpu.memory_space<vmem>>
      %dma_wait3A_210 = arith.constant 0 : i32
      %dma_wait3A_211 = arith.constant 0 : i32
      %dma_wait3A_212 = tpu.memref_slice %arg2[%dma_wait3A_210, %dma_wait3A_211] : memref<10000x128xf32, #tpu.memory_space<hbm>> -> memref<10000x128xf32, #tpu.memory_space<hbm>>
      tpu.wait_indirect_dma semaphore(%arg15 : memref<!tpu.dma_semaphore, #tpu.memory_space<semaphore_mem>>) src(%dma_wait3A_212 : memref<10000x128xf32, #tpu.memory_space<hbm>>) dst(%arg11 : memref<96x128xf32, #tpu.memory_space<vmem>>)
      "tpu.region"() ({
        %run_scoped3A_221 = tpu.sem_alloc : memref<!tpu.dma_semaphore, #tpu.memory_space<semaphore_mem>>
        %dma_start3A_222 = arith.constant 0 : i32
        %dma_start3A_223 = tpu.memref_slice %arg8[%add3A_206, %dma_start3A_222] : memref<36x96xi32, #tpu.memory_space<vmem>> -> memref<1x96xi32, #tpu.memory_space<vmem>>
        %dma_start3A_224 = tpu.memref_squeeze %dma_start3A_223 : memref<1x96xi32, #tpu.memory_space<vmem>> -> memref<96xi32, #tpu.memory_space<vmem>>
        %dma_start3A_225 = arith.constant 0 : i32
        %dma_start3A_226 = arith.constant 0 : i32
        %dma_start3A_227 = tpu.memref_slice %arg12[%dma_start3A_225, %dma_start3A_226] : memref<10112x128xf32, #tpu.memory_space<vmem_shared>> -> memref<10112x128xf32, #tpu.memory_space<vmem_shared>>
        tpu.enqueue_indirect_dma source(%arg11 : memref<96x128xf32, #tpu.memory_space<vmem>>) target(%dma_start3A_227 : memref<10112x128xf32, #tpu.memory_space<vmem_shared>>) offsets(%dma_start3A_224 : memref<96xi32, #tpu.memory_space<vmem>>) semaphore(%run_scoped3A_221 : memref<!tpu.dma_semaphore, #tpu.memory_space<semaphore_mem>>) {add = true}
        %dma_wait3A_228 = arith.constant 0 : i32
        %dma_wait3A_229 = tpu.memref_slice %arg8[%add3A_206, %dma_wait3A_228] : memref<36x96xi32, #tpu.memory_space<vmem>> -> memref<1x96xi32, #tpu.memory_space<vmem>>
        %dma_wait3A_230 = tpu.memref_squeeze %dma_wait3A_229 : memref<1x96xi32, #tpu.memory_space<vmem>> -> memref<96xi32, #tpu.memory_space<vmem>>
        %dma_wait3A_231 = arith.constant 0 : i32
        %dma_wait3A_232 = arith.constant 0 : i32
        %dma_wait3A_233 = tpu.memref_slice %arg12[%dma_wait3A_231, %dma_wait3A_232] : memref<10112x128xf32, #tpu.memory_space<vmem_shared>> -> memref<10112x128xf32, #tpu.memory_space<vmem_shared>>
        tpu.wait_indirect_dma semaphore(%run_scoped3A_221 : memref<!tpu.dma_semaphore, #tpu.memory_space<semaphore_mem>>) src(%arg11 : memref<96x128xf32, #tpu.memory_space<vmem>>) dst(%dma_wait3A_233 : memref<10112x128xf32, #tpu.memory_space<vmem_shared>>)
        tpu.yield
      }) : () -> ()
      %add3A_213 = arith.constant 3 : i32
      %add3A_214 = arith.addi %add3A_206, %add3A_213 : i32
      %dma_start3A_215 = arith.constant 0 : i32
      %dma_start3A_216 = tpu.memref_slice %arg7[%add3A_214, %dma_start3A_215] : memref<36x96xi32, #tpu.memory_space<vmem>> -> memref<1x96xi32, #tpu.memory_space<vmem>>
      %dma_start3A_217 = tpu.memref_squeeze %dma_start3A_216 : memref<1x96xi32, #tpu.memory_space<vmem>> -> memref<96xi32, #tpu.memory_space<vmem>>
      %dma_start3A_218 = arith.constant 0 : i32
      %dma_start3A_219 = arith.constant 0 : i32
      %dma_start3A_220 = tpu.memref_slice %arg2[%dma_start3A_218, %dma_start3A_219] : memref<10000x128xf32, #tpu.memory_space<hbm>> -> memref<10000x128xf32, #tpu.memory_space<hbm>>
      tpu.enqueue_indirect_dma source(%dma_start3A_220 : memref<10000x128xf32, #tpu.memory_space<hbm>>) target(%arg11 : memref<96x128xf32, #tpu.memory_space<vmem>>) offsets(%dma_start3A_217 : memref<96xi32, #tpu.memory_space<vmem>>) semaphore(%arg15 : memref<!tpu.dma_semaphore, #tpu.memory_space<semaphore_mem>>)
    }
    %scan3A_133 = arith.constant 11 : i32
    %dma_wait3A_134 = arith.constant 33 : i32
    %dma_wait3A_135 = arith.constant 0 : i32
    %dma_wait3A_136 = tpu.memref_slice %arg7[%dma_wait3A_134, %dma_wait3A_135] : memref<36x96xi32, #tpu.memory_space<vmem>> -> memref<1x96xi32, #tpu.memory_space<vmem>>
    %dma_wait3A_137 = tpu.memref_squeeze %dma_wait3A_136 : memref<1x96xi32, #tpu.memory_space<vmem>> -> memref<96xi32, #tpu.memory_space<vmem>>
    %dma_wait3A_138 = arith.constant 0 : i32
    %dma_wait3A_139 = arith.constant 0 : i32
    %dma_wait3A_140 = tpu.memref_slice %arg2[%dma_wait3A_138, %dma_wait3A_139] : memref<10000x128xf32, #tpu.memory_space<hbm>> -> memref<10000x128xf32, #tpu.memory_space<hbm>>
    tpu.wait_indirect_dma semaphore(%arg13 : memref<!tpu.dma_semaphore, #tpu.memory_space<semaphore_mem>>) src(%dma_wait3A_140 : memref<10000x128xf32, #tpu.memory_space<hbm>>) dst(%arg9 : memref<96x128xf32, #tpu.memory_space<vmem>>)
    %run_scoped3A_141 = arith.constant 33 : i32
    "tpu.region"() ({
      %run_scoped3A_166 = tpu.sem_alloc : memref<!tpu.dma_semaphore, #tpu.memory_space<semaphore_mem>>
      %dma_start3A_167 = arith.constant 0 : i32
      %dma_start3A_168 = tpu.memref_slice %arg8[%run_scoped3A_141, %dma_start3A_167] : memref<36x96xi32, #tpu.memory_space<vmem>> -> memref<1x96xi32, #tpu.memory_space<vmem>>
      %dma_start3A_169 = tpu.memref_squeeze %dma_start3A_168 : memref<1x96xi32, #tpu.memory_space<vmem>> -> memref<96xi32, #tpu.memory_space<vmem>>
      %dma_start3A_170 = arith.constant 0 : i32
      %dma_start3A_171 = arith.constant 0 : i32
      %dma_start3A_172 = tpu.memref_slice %arg12[%dma_start3A_170, %dma_start3A_171] : memref<10112x128xf32, #tpu.memory_space<vmem_shared>> -> memref<10112x128xf32, #tpu.memory_space<vmem_shared>>
      tpu.enqueue_indirect_dma source(%arg9 : memref<96x128xf32, #tpu.memory_space<vmem>>) target(%dma_start3A_172 : memref<10112x128xf32, #tpu.memory_space<vmem_shared>>) offsets(%dma_start3A_169 : memref<96xi32, #tpu.memory_space<vmem>>) semaphore(%run_scoped3A_166 : memref<!tpu.dma_semaphore, #tpu.memory_space<semaphore_mem>>) {add = true}
      %dma_wait3A_173 = arith.constant 0 : i32
      %dma_wait3A_174 = tpu.memref_slice %arg8[%run_scoped3A_141, %dma_wait3A_173] : memref<36x96xi32, #tpu.memory_space<vmem>> -> memref<1x96xi32, #tpu.memory_space<vmem>>
      %dma_wait3A_175 = tpu.memref_squeeze %dma_wait3A_174 : memref<1x96xi32, #tpu.memory_space<vmem>> -> memref<96xi32, #tpu.memory_space<vmem>>
      %dma_wait3A_176 = arith.constant 0 : i32
      %dma_wait3A_177 = arith.constant 0 : i32
      %dma_wait3A_178 = tpu.memref_slice %arg12[%dma_wait3A_176, %dma_wait3A_177] : memref<10112x128xf32, #tpu.memory_space<vmem_shared>> -> memref<10112x128xf32, #tpu.memory_space<vmem_shared>>
      tpu.wait_indirect_dma semaphore(%run_scoped3A_166 : memref<!tpu.dma_semaphore, #tpu.memory_space<semaphore_mem>>) src(%arg9 : memref<96x128xf32, #tpu.memory_space<vmem>>) dst(%dma_wait3A_178 : memref<10112x128xf32, #tpu.memory_space<vmem_shared>>)
      tpu.yield
    }) : () -> ()
    %dma_wait3A_142 = arith.constant 34 : i32
    %dma_wait3A_143 = arith.constant 0 : i32
    %dma_wait3A_144 = tpu.memref_slice %arg7[%dma_wait3A_142, %dma_wait3A_143] : memref<36x96xi32, #tpu.memory_space<vmem>> -> memref<1x96xi32, #tpu.memory_space<vmem>>
    %dma_wait3A_145 = tpu.memref_squeeze %dma_wait3A_144 : memref<1x96xi32, #tpu.memory_space<vmem>> -> memref<96xi32, #tpu.memory_space<vmem>>
    %dma_wait3A_146 = arith.constant 0 : i32
    %dma_wait3A_147 = arith.constant 0 : i32
    %dma_wait3A_148 = tpu.memref_slice %arg2[%dma_wait3A_146, %dma_wait3A_147] : memref<10000x128xf32, #tpu.memory_space<hbm>> -> memref<10000x128xf32, #tpu.memory_space<hbm>>
    tpu.wait_indirect_dma semaphore(%arg14 : memref<!tpu.dma_semaphore, #tpu.memory_space<semaphore_mem>>) src(%dma_wait3A_148 : memref<10000x128xf32, #tpu.memory_space<hbm>>) dst(%arg10 : memref<96x128xf32, #tpu.memory_space<vmem>>)
    %run_scoped3A_149 = arith.constant 34 : i32
    "tpu.region"() ({
      %run_scoped3A_166 = tpu.sem_alloc : memref<!tpu.dma_semaphore, #tpu.memory_space<semaphore_mem>>
      %dma_start3A_167 = arith.constant 0 : i32
      %dma_start3A_168 = tpu.memref_slice %arg8[%run_scoped3A_149, %dma_start3A_167] : memref<36x96xi32, #tpu.memory_space<vmem>> -> memref<1x96xi32, #tpu.memory_space<vmem>>
      %dma_start3A_169 = tpu.memref_squeeze %dma_start3A_168 : memref<1x96xi32, #tpu.memory_space<vmem>> -> memref<96xi32, #tpu.memory_space<vmem>>
      %dma_start3A_170 = arith.constant 0 : i32
      %dma_start3A_171 = arith.constant 0 : i32
      %dma_start3A_172 = tpu.memref_slice %arg12[%dma_start3A_170, %dma_start3A_171] : memref<10112x128xf32, #tpu.memory_space<vmem_shared>> -> memref<10112x128xf32, #tpu.memory_space<vmem_shared>>
      tpu.enqueue_indirect_dma source(%arg10 : memref<96x128xf32, #tpu.memory_space<vmem>>) target(%dma_start3A_172 : memref<10112x128xf32, #tpu.memory_space<vmem_shared>>) offsets(%dma_start3A_169 : memref<96xi32, #tpu.memory_space<vmem>>) semaphore(%run_scoped3A_166 : memref<!tpu.dma_semaphore, #tpu.memory_space<semaphore_mem>>) {add = true}
      %dma_wait3A_173 = arith.constant 0 : i32
      %dma_wait3A_174 = tpu.memref_slice %arg8[%run_scoped3A_149, %dma_wait3A_173] : memref<36x96xi32, #tpu.memory_space<vmem>> -> memref<1x96xi32, #tpu.memory_space<vmem>>
      %dma_wait3A_175 = tpu.memref_squeeze %dma_wait3A_174 : memref<1x96xi32, #tpu.memory_space<vmem>> -> memref<96xi32, #tpu.memory_space<vmem>>
      %dma_wait3A_176 = arith.constant 0 : i32
      %dma_wait3A_177 = arith.constant 0 : i32
      %dma_wait3A_178 = tpu.memref_slice %arg12[%dma_wait3A_176, %dma_wait3A_177] : memref<10112x128xf32, #tpu.memory_space<vmem_shared>> -> memref<10112x128xf32, #tpu.memory_space<vmem_shared>>
      tpu.wait_indirect_dma semaphore(%run_scoped3A_166 : memref<!tpu.dma_semaphore, #tpu.memory_space<semaphore_mem>>) src(%arg10 : memref<96x128xf32, #tpu.memory_space<vmem>>) dst(%dma_wait3A_178 : memref<10112x128xf32, #tpu.memory_space<vmem_shared>>)
      tpu.yield
    }) : () -> ()
    %dma_wait3A_150 = arith.constant 35 : i32
    %dma_wait3A_151 = arith.constant 0 : i32
    %dma_wait3A_152 = tpu.memref_slice %arg7[%dma_wait3A_150, %dma_wait3A_151] : memref<36x96xi32, #tpu.memory_space<vmem>> -> memref<1x96xi32, #tpu.memory_space<vmem>>
    %dma_wait3A_153 = tpu.memref_squeeze %dma_wait3A_152 : memref<1x96xi32, #tpu.memory_space<vmem>> -> memref<96xi32, #tpu.memory_space<vmem>>
    %dma_wait3A_154 = arith.constant 0 : i32
    %dma_wait3A_155 = arith.constant 0 : i32
    %dma_wait3A_156 = tpu.memref_slice %arg2[%dma_wait3A_154, %dma_wait3A_155] : memref<10000x128xf32, #tpu.memory_space<hbm>> -> memref<10000x128xf32, #tpu.memory_space<hbm>>
    tpu.wait_indirect_dma semaphore(%arg15 : memref<!tpu.dma_semaphore, #tpu.memory_space<semaphore_mem>>) src(%dma_wait3A_156 : memref<10000x128xf32, #tpu.memory_space<hbm>>) dst(%arg11 : memref<96x128xf32, #tpu.memory_space<vmem>>)
    %run_scoped3A_157 = arith.constant 35 : i32
    "tpu.region"() ({
      %run_scoped3A_166 = tpu.sem_alloc : memref<!tpu.dma_semaphore, #tpu.memory_space<semaphore_mem>>
      %dma_start3A_167 = arith.constant 0 : i32
      %dma_start3A_168 = tpu.memref_slice %arg8[%run_scoped3A_157, %dma_start3A_167] : memref<36x96xi32, #tpu.memory_space<vmem>> -> memref<1x96xi32, #tpu.memory_space<vmem>>
      %dma_start3A_169 = tpu.memref_squeeze %dma_start3A_168 : memref<1x96xi32, #tpu.memory_space<vmem>> -> memref<96xi32, #tpu.memory_space<vmem>>
      %dma_start3A_170 = arith.constant 0 : i32
      %dma_start3A_171 = arith.constant 0 : i32
      %dma_start3A_172 = tpu.memref_slice %arg12[%dma_start3A_170, %dma_start3A_171] : memref<10112x128xf32, #tpu.memory_space<vmem_shared>> -> memref<10112x128xf32, #tpu.memory_space<vmem_shared>>
      tpu.enqueue_indirect_dma source(%arg11 : memref<96x128xf32, #tpu.memory_space<vmem>>) target(%dma_start3A_172 : memref<10112x128xf32, #tpu.memory_space<vmem_shared>>) offsets(%dma_start3A_169 : memref<96xi32, #tpu.memory_space<vmem>>) semaphore(%run_scoped3A_166 : memref<!tpu.dma_semaphore, #tpu.memory_space<semaphore_mem>>) {add = true}
      %dma_wait3A_173 = arith.constant 0 : i32
      %dma_wait3A_174 = tpu.memref_slice %arg8[%run_scoped3A_157, %dma_wait3A_173] : memref<36x96xi32, #tpu.memory_space<vmem>> -> memref<1x96xi32, #tpu.memory_space<vmem>>
      %dma_wait3A_175 = tpu.memref_squeeze %dma_wait3A_174 : memref<1x96xi32, #tpu.memory_space<vmem>> -> memref<96xi32, #tpu.memory_space<vmem>>
      %dma_wait3A_176 = arith.constant 0 : i32
      %dma_wait3A_177 = arith.constant 0 : i32
      %dma_wait3A_178 = tpu.memref_slice %arg12[%dma_wait3A_176, %dma_wait3A_177] : memref<10112x128xf32, #tpu.memory_space<vmem_shared>> -> memref<10112x128xf32, #tpu.memory_space<vmem_shared>>
      tpu.wait_indirect_dma semaphore(%run_scoped3A_166 : memref<!tpu.dma_semaphore, #tpu.memory_space<semaphore_mem>>) src(%arg11 : memref<96x128xf32, #tpu.memory_space<vmem>>) dst(%dma_wait3A_178 : memref<10112x128xf32, #tpu.memory_space<vmem_shared>>)
      tpu.yield
    }) : () -> ()
    %barrier3A_158 = arith.constant 0 : index
    tpu.barrier barrier_id(%barrier3A_158)
    %mul3A_159 = arith.constant 632 : i32
    %mul3A_160 = arith.muli %arg1, %mul3A_159 : i32
    %mul3A_161 = arith.constant 16 : i32
    %mul3A_162 = arith.muli %arg0, %mul3A_161 : i32
    %add3A_163 = arith.addi %mul3A_162, %arg1 : i32
    %mul3A_164 = arith.constant 632 : i32
    %mul3A_165 = arith.muli %add3A_163, %mul3A_164 : i32
    "tpu.region"() ({
      %run_scoped3A_166 = tpu.sem_alloc : memref<!tpu.dma_semaphore, #tpu.memory_space<semaphore_mem>>
      %dma_start3A_167 = arith.constant 0 : i32
      %dma_start3A_168 = tpu.memref_slice %arg6[%mul3A_165, %dma_start3A_167] : memref<20224x128xf32, #tpu.memory_space<hbm>> -> memref<632x128xf32, #tpu.memory_space<hbm>>
      %dma_start3A_169 = arith.constant 0 : i32
      %dma_start3A_170 = tpu.memref_slice %arg12[%mul3A_160, %dma_start3A_169] : memref<10112x128xf32, #tpu.memory_space<vmem_shared>> -> memref<632x128xf32, #tpu.memory_space<vmem_shared>>
      tpu.enqueue_dma source(%dma_start3A_170 : memref<632x128xf32, #tpu.memory_space<vmem_shared>>) target(%dma_start3A_168 : memref<632x128xf32, #tpu.memory_space<hbm>>) target_semaphore(%run_scoped3A_166 : memref<!tpu.dma_semaphore, #tpu.memory_space<semaphore_mem>>)
      %dma_wait3A_171 = arith.constant 0 : i32
      %dma_wait3A_172 = tpu.memref_slice %arg6[%mul3A_165, %dma_wait3A_171] : memref<20224x128xf32, #tpu.memory_space<hbm>> -> memref<632x128xf32, #tpu.memory_space<hbm>>
      %dma_wait3A_173 = arith.constant 0 : i32
      %dma_wait3A_174 = tpu.memref_slice %arg12[%mul3A_160, %dma_wait3A_173] : memref<10112x128xf32, #tpu.memory_space<vmem_shared>> -> memref<632x128xf32, #tpu.memory_space<vmem_shared>>
      tpu.wait_dma2 semaphore(%run_scoped3A_166 : memref<!tpu.dma_semaphore, #tpu.memory_space<semaphore_mem>>) src(%dma_wait3A_174 : memref<632x128xf32, #tpu.memory_space<vmem_shared>>) dst(%dma_wait3A_172 : memref<632x128xf32, #tpu.memory_space<hbm>>)
      tpu.yield
    }) : () -> ()
    return
  }
}

#map = affine_map<(d0, d1) -> (0, 0)>
#map1 = affine_map<(d0, d1) -> (0, 0, 0, 0)>
module attributes {stable_mosaic.version = 14 : i64} {
  func.func @body(%arg0: i32, %arg1: i32, %arg2: memref<10000x128xf32, #tpu.memory_space<hbm>>, %arg3: memref<32x3x36x96xi32, #tpu.memory_space<hbm>>, %arg4: memref<32x3x36x96xi32, #tpu.memory_space<hbm>>, %arg5: memref<632x128xf32, #tpu.memory_space<hbm>>, %arg6: memref<20224x128xf32, #tpu.memory_space<hbm>>, %arg7: memref<36x96xi32, #tpu.memory_space<vmem>>, %arg8: memref<36x96xi32, #tpu.memory_space<vmem>>, %arg9: memref<96x128xf32, #tpu.memory_space<vmem>>, %arg10: memref<96x128xf32, #tpu.memory_space<vmem>>, %arg11: memref<96x128xf32, #tpu.memory_space<vmem>>, %arg12: memref<10112x128xf32, #tpu.memory_space<vmem_shared>>, %arg13: memref<!tpu.dma_semaphore, #tpu.memory_space<semaphore_mem>>, %arg14: memref<!tpu.dma_semaphore, #tpu.memory_space<semaphore_mem>>, %arg15: memref<!tpu.dma_semaphore, #tpu.memory_space<semaphore_mem>>) attributes {dimension_semantics = [#tpu.dimension_semantics<core_parallel>, #tpu.dimension_semantics<subcore_parallel>], iteration_bounds = array<i64: 2, 16>, scalar_prefetch = 0 : i64, scratch_operands = 9 : i64, tpu.core_type = #tpu.core_type<sc_vector_subcore>, window_params = [{transform_indices = #map}, {transform_indices = #map1}, {transform_indices = #map1}, {transform_indices = #map}, {transform_indices = #map}]} {
    %mul3A = arith.constant 2 : i32
    %mul3A_0 = arith.muli %arg1, %mul3A : i32
    %add3A = arith.addi %mul3A_0, %arg0 : i32
    %mul3A_1 = arith.constant 632 : i32
    %mul3A_2 = arith.muli %arg1, %mul3A_1 : i32
    "tpu.region"() ({
      %run_scoped3A_166 = tpu.sem_alloc : memref<!tpu.dma_semaphore, #tpu.memory_space<semaphore_mem>>
      %dma_start3A_167 = arith.constant 0 : i32
      %dma_start3A_168 = tpu.memref_slice %arg12[%mul3A_2, %dma_start3A_167] : memref<10112x128xf32, #tpu.memory_space<vmem_shared>> -> memref<632x128xf32, #tpu.memory_space<vmem_shared>>
      tpu.enqueue_dma source(%arg5 : memref<632x128xf32, #tpu.memory_space<hbm>>) target(%dma_start3A_168 : memref<632x128xf32, #tpu.memory_space<vmem_shared>>) target_semaphore(%run_scoped3A_166 : memref<!tpu.dma_semaphore, #tpu.memory_space<semaphore_mem>>)
      %dma_wait3A_169 = arith.constant 0 : i32
      %dma_wait3A_170 = tpu.memref_slice %arg12[%mul3A_2, %dma_wait3A_169] : memref<10112x128xf32, #tpu.memory_space<vmem_shared>> -> memref<632x128xf32, #tpu.memory_space<vmem_shared>>
      tpu.wait_dma2 semaphore(%run_scoped3A_166 : memref<!tpu.dma_semaphore, #tpu.memory_space<semaphore_mem>>) src(%arg5 : memref<632x128xf32, #tpu.memory_space<hbm>>) dst(%dma_wait3A_170 : memref<632x128xf32, #tpu.memory_space<vmem_shared>>)
      tpu.yield
    }) : () -> ()
    %barrier3A = arith.constant 0 : index
    tpu.barrier barrier_id(%barrier3A)
    %run_scoped3A = arith.constant 0 : i32
    "tpu.region"() ({
      %run_scoped3A_166 = tpu.sem_alloc : memref<!tpu.dma_semaphore, #tpu.memory_space<semaphore_mem>>
      %dma_start3A_167 = arith.constant 0 : i32
      %dma_start3A_168 = arith.constant 0 : i32
      %dma_start3A_169 = tpu.memref_slice %arg3[%add3A, %run_scoped3A, %dma_start3A_167, %dma_start3A_168] : memref<32x3x36x96xi32, #tpu.memory_space<hbm>> -> memref<1x1x36x96xi32, #tpu.memory_space<hbm>>
      %dma_start3A_170 = tpu.memref_squeeze %dma_start3A_169 : memref<1x1x36x96xi32, #tpu.memory_space<hbm>> -> memref<36x96xi32, #tpu.memory_space<hbm>>
      %dma_start3A_171 = arith.constant 0 : i32
      %dma_start3A_172 = arith.constant 0 : i32
      %dma_start3A_173 = tpu.memref_slice %arg3[%add3A, %run_scoped3A, %dma_start3A_171, %dma_start3A_172] : memref<32x3x36x96xi32, #tpu.memory_space<hbm>> -> memref<1x1x36x96xi32, #tpu.memory_space<hbm>>
      %dma_start3A_174 = tpu.memref_squeeze %dma_start3A_173 : memref<1x1x36x96xi32, #tpu.memory_space<hbm>> -> memref<36x96xi32, #tpu.memory_space<hbm>>
      tpu.enqueue_dma source(%dma_start3A_174 : memref<36x96xi32, #tpu.memory_space<hbm>>) target(%arg7 : memref<36x96xi32, #tpu.memory_space<vmem>>) target_semaphore(%run_scoped3A_166 : memref<!tpu.dma_semaphore, #tpu.memory_space<semaphore_mem>>)
      %dma_wait3A_175 = arith.constant 0 : i32
      %dma_wait3A_176 = arith.constant 0 : i32
      %dma_wait3A_177 = tpu.memref_slice %arg3[%add3A, %run_scoped3A, %dma_wait3A_175, %dma_wait3A_176] : memref<32x3x36x96xi32, #tpu.memory_space<hbm>> -> memref<1x1x36x96xi32, #tpu.memory_space<hbm>>
      %dma_wait3A_178 = tpu.memref_squeeze %dma_wait3A_177 : memref<1x1x36x96xi32, #tpu.memory_space<hbm>> -> memref<36x96xi32, #tpu.memory_space<hbm>>
      %dma_wait3A_179 = arith.constant 0 : i32
      %dma_wait3A_180 = arith.constant 0 : i32
      %dma_wait3A_181 = tpu.memref_slice %arg3[%add3A, %run_scoped3A, %dma_wait3A_179, %dma_wait3A_180] : memref<32x3x36x96xi32, #tpu.memory_space<hbm>> -> memref<1x1x36x96xi32, #tpu.memory_space<hbm>>
      %dma_wait3A_182 = tpu.memref_squeeze %dma_wait3A_181 : memref<1x1x36x96xi32, #tpu.memory_space<hbm>> -> memref<36x96xi32, #tpu.memory_space<hbm>>
      tpu.wait_dma2 semaphore(%run_scoped3A_166 : memref<!tpu.dma_semaphore, #tpu.memory_space<semaphore_mem>>) src(%dma_wait3A_182 : memref<36x96xi32, #tpu.memory_space<hbm>>) dst(%arg7 : memref<36x96xi32, #tpu.memory_space<vmem>>)
      tpu.yield
    }) : () -> ()
    %run_scoped3A_3 = arith.constant 0 : i32
    "tpu.region"() ({
      %run_scoped3A_166 = tpu.sem_alloc : memref<!tpu.dma_semaphore, #tpu.memory_space<semaphore_mem>>
      %dma_start3A_167 = arith.constant 0 : i32
      %dma_start3A_168 = arith.constant 0 : i32
      %dma_start3A_169 = tpu.memref_slice %arg4[%add3A, %run_scoped3A_3, %dma_start3A_167, %dma_start3A_168] : memref<32x3x36x96xi32, #tpu.memory_space<hbm>> -> memref<1x1x36x96xi32, #tpu.memory_space<hbm>>
      %dma_start3A_170 = tpu.memref_squeeze %dma_start3A_169 : memref<1x1x36x96xi32, #tpu.memory_space<hbm>> -> memref<36x96xi32, #tpu.memory_space<hbm>>
      %dma_start3A_171 = arith.constant 0 : i32
      %dma_start3A_172 = arith.constant 0 : i32
      %dma_start3A_173 = tpu.memref_slice %arg4[%add3A, %run_scoped3A_3, %dma_start3A_171, %dma_start3A_172] : memref<32x3x36x96xi32, #tpu.memory_space<hbm>> -> memref<1x1x36x96xi32, #tpu.memory_space<hbm>>
      %dma_start3A_174 = tpu.memref_squeeze %dma_start3A_173 : memref<1x1x36x96xi32, #tpu.memory_space<hbm>> -> memref<36x96xi32, #tpu.memory_space<hbm>>
      tpu.enqueue_dma source(%dma_start3A_174 : memref<36x96xi32, #tpu.memory_space<hbm>>) target(%arg8 : memref<36x96xi32, #tpu.memory_space<vmem>>) target_semaphore(%run_scoped3A_166 : memref<!tpu.dma_semaphore, #tpu.memory_space<semaphore_mem>>)
      %dma_wait3A_175 = arith.constant 0 : i32
      %dma_wait3A_176 = arith.constant 0 : i32
      %dma_wait3A_177 = tpu.memref_slice %arg4[%add3A, %run_scoped3A_3, %dma_wait3A_175, %dma_wait3A_176] : memref<32x3x36x96xi32, #tpu.memory_space<hbm>> -> memref<1x1x36x96xi32, #tpu.memory_space<hbm>>
      %dma_wait3A_178 = tpu.memref_squeeze %dma_wait3A_177 : memref<1x1x36x96xi32, #tpu.memory_space<hbm>> -> memref<36x96xi32, #tpu.memory_space<hbm>>
      %dma_wait3A_179 = arith.constant 0 : i32
      %dma_wait3A_180 = arith.constant 0 : i32
      %dma_wait3A_181 = tpu.memref_slice %arg4[%add3A, %run_scoped3A_3, %dma_wait3A_179, %dma_wait3A_180] : memref<32x3x36x96xi32, #tpu.memory_space<hbm>> -> memref<1x1x36x96xi32, #tpu.memory_space<hbm>>
      %dma_wait3A_182 = tpu.memref_squeeze %dma_wait3A_181 : memref<1x1x36x96xi32, #tpu.memory_space<hbm>> -> memref<36x96xi32, #tpu.memory_space<hbm>>
      tpu.wait_dma2 semaphore(%run_scoped3A_166 : memref<!tpu.dma_semaphore, #tpu.memory_space<semaphore_mem>>) src(%dma_wait3A_182 : memref<36x96xi32, #tpu.memory_space<hbm>>) dst(%arg8 : memref<36x96xi32, #tpu.memory_space<vmem>>)
      tpu.yield
    }) : () -> ()
    %dma_start3A = arith.constant 0 : i32
    %dma_start3A_4 = arith.constant 0 : i32
    %dma_start3A_5 = tpu.memref_slice %arg7[%dma_start3A, %dma_start3A_4] : memref<36x96xi32, #tpu.memory_space<vmem>> -> memref<1x96xi32, #tpu.memory_space<vmem>>
    %dma_start3A_6 = tpu.memref_squeeze %dma_start3A_5 : memref<1x96xi32, #tpu.memory_space<vmem>> -> memref<96xi32, #tpu.memory_space<vmem>>
    %dma_start3A_7 = arith.constant 0 : i32
    %dma_start3A_8 = arith.constant 0 : i32
    %dma_start3A_9 = tpu.memref_slice %arg2[%dma_start3A_7, %dma_start3A_8] : memref<10000x128xf32, #tpu.memory_space<hbm>> -> memref<10000x128xf32, #tpu.memory_space<hbm>>
    tpu.enqueue_indirect_dma source(%dma_start3A_9 : memref<10000x128xf32, #tpu.memory_space<hbm>>) target(%arg9 : memref<96x128xf32, #tpu.memory_space<vmem>>) offsets(%dma_start3A_6 : memref<96xi32, #tpu.memory_space<vmem>>) semaphore(%arg13 : memref<!tpu.dma_semaphore, #tpu.memory_space<semaphore_mem>>)
    %dma_start3A_10 = arith.constant 1 : i32
    %dma_start3A_11 = arith.constant 0 : i32
    %dma_start3A_12 = tpu.memref_slice %arg7[%dma_start3A_10, %dma_start3A_11] : memref<36x96xi32, #tpu.memory_space<vmem>> -> memref<1x96xi32, #tpu.memory_space<vmem>>
    %dma_start3A_13 = tpu.memref_squeeze %dma_start3A_12 : memref<1x96xi32, #tpu.memory_space<vmem>> -> memref<96xi32, #tpu.memory_space<vmem>>
    %dma_start3A_14 = arith.constant 0 : i32
    %dma_start3A_15 = arith.constant 0 : i32
    %dma_start3A_16 = tpu.memref_slice %arg2[%dma_start3A_14, %dma_start3A_15] : memref<10000x128xf32, #tpu.memory_space<hbm>> -> memref<10000x128xf32, #tpu.memory_space<hbm>>
    tpu.enqueue_indirect_dma source(%dma_start3A_16 : memref<10000x128xf32, #tpu.memory_space<hbm>>) target(%arg10 : memref<96x128xf32, #tpu.memory_space<vmem>>) offsets(%dma_start3A_13 : memref<96xi32, #tpu.memory_space<vmem>>) semaphore(%arg14 : memref<!tpu.dma_semaphore, #tpu.memory_space<semaphore_mem>>)
    %dma_start3A_17 = arith.constant 2 : i32
    %dma_start3A_18 = arith.constant 0 : i32
    %dma_start3A_19 = tpu.memref_slice %arg7[%dma_start3A_17, %dma_start3A_18] : memref<36x96xi32, #tpu.memory_space<vmem>> -> memref<1x96xi32, #tpu.memory_space<vmem>>
    %dma_start3A_20 = tpu.memref_squeeze %dma_start3A_19 : memref<1x96xi32, #tpu.memory_space<vmem>> -> memref<96xi32, #tpu.memory_space<vmem>>
    %dma_start3A_21 = arith.constant 0 : i32
    %dma_start3A_22 = arith.constant 0 : i32
    %dma_start3A_23 = tpu.memref_slice %arg2[%dma_start3A_21, %dma_start3A_22] : memref<10000x128xf32, #tpu.memory_space<hbm>> -> memref<10000x128xf32, #tpu.memory_space<hbm>>
    tpu.enqueue_indirect_dma source(%dma_start3A_23 : memref<10000x128xf32, #tpu.memory_space<hbm>>) target(%arg11 : memref<96x128xf32, #tpu.memory_space<vmem>>) offsets(%dma_start3A_20 : memref<96xi32, #tpu.memory_space<vmem>>) semaphore(%arg15 : memref<!tpu.dma_semaphore, #tpu.memory_space<semaphore_mem>>)
    %scan3A = arith.constant 0 : i32
    %scan3A_24 = arith.constant 0 : i32
    %scan3A_25 = arith.constant 11 : i32
    %scan3A_26 = arith.addi %scan3A_24, %scan3A_25 : i32
    %scan3A_27 = arith.constant 1 : i32
    scf.for %scan3A_166 = %scan3A_24 to %scan3A_26 step %scan3A_27  : i32 {
      %mul3A_167 = arith.constant 3 : i32
      %mul3A_168 = arith.muli %mul3A_167, %scan3A_166 : i32
      %add3A_169 = arith.constant 0 : i32
      %add3A_170 = arith.addi %mul3A_168, %add3A_169 : i32
      %dma_wait3A_171 = arith.constant 0 : i32
      %dma_wait3A_172 = tpu.memref_slice %arg7[%add3A_170, %dma_wait3A_171] : memref<36x96xi32, #tpu.memory_space<vmem>> -> memref<1x96xi32, #tpu.memory_space<vmem>>
      %dma_wait3A_173 = tpu.memref_squeeze %dma_wait3A_172 : memref<1x96xi32, #tpu.memory_space<vmem>> -> memref<96xi32, #tpu.memory_space<vmem>>
      %dma_wait3A_174 = arith.constant 0 : i32
      %dma_wait3A_175 = arith.constant 0 : i32
      %dma_wait3A_176 = tpu.memref_slice %arg2[%dma_wait3A_174, %dma_wait3A_175] : memref<10000x128xf32, #tpu.memory_space<hbm>> -> memref<10000x128xf32, #tpu.memory_space<hbm>>
      tpu.wait_indirect_dma semaphore(%arg13 : memref<!tpu.dma_semaphore, #tpu.memory_space<semaphore_mem>>) src(%dma_wait3A_176 : memref<10000x128xf32, #tpu.memory_space<hbm>>) dst(%arg9 : memref<96x128xf32, #tpu.memory_space<vmem>>)
      "tpu.region"() ({
        %run_scoped3A_221 = tpu.sem_alloc : memref<!tpu.dma_semaphore, #tpu.memory_space<semaphore_mem>>
        %dma_start3A_222 = arith.constant 0 : i32
        %dma_start3A_223 = tpu.memref_slice %arg8[%add3A_170, %dma_start3A_222] : memref<36x96xi32, #tpu.memory_space<vmem>> -> memref<1x96xi32, #tpu.memory_space<vmem>>
        %dma_start3A_224 = tpu.memref_squeeze %dma_start3A_223 : memref<1x96xi32, #tpu.memory_space<vmem>> -> memref<96xi32, #tpu.memory_space<vmem>>
        %dma_start3A_225 = arith.constant 0 : i32
        %dma_start3A_226 = arith.constant 0 : i32
        %dma_start3A_227 = tpu.memref_slice %arg12[%dma_start3A_225, %dma_start3A_226] : memref<10112x128xf32, #tpu.memory_space<vmem_shared>> -> memref<10112x128xf32, #tpu.memory_space<vmem_shared>>
        tpu.enqueue_indirect_dma source(%arg9 : memref<96x128xf32, #tpu.memory_space<vmem>>) target(%dma_start3A_227 : memref<10112x128xf32, #tpu.memory_space<vmem_shared>>) offsets(%dma_start3A_224 : memref<96xi32, #tpu.memory_space<vmem>>) semaphore(%run_scoped3A_221 : memref<!tpu.dma_semaphore, #tpu.memory_space<semaphore_mem>>) {add = true}
        %dma_wait3A_228 = arith.constant 0 : i32
        %dma_wait3A_229 = tpu.memref_slice %arg8[%add3A_170, %dma_wait3A_228] : memref<36x96xi32, #tpu.memory_space<vmem>> -> memref<1x96xi32, #tpu.memory_space<vmem>>
        %dma_wait3A_230 = tpu.memref_squeeze %dma_wait3A_229 : memref<1x96xi32, #tpu.memory_space<vmem>> -> memref<96xi32, #tpu.memory_space<vmem>>
        %dma_wait3A_231 = arith.constant 0 : i32
        %dma_wait3A_232 = arith.constant 0 : i32
        %dma_wait3A_233 = tpu.memref_slice %arg12[%dma_wait3A_231, %dma_wait3A_232] : memref<10112x128xf32, #tpu.memory_space<vmem_shared>> -> memref<10112x128xf32, #tpu.memory_space<vmem_shared>>
        tpu.wait_indirect_dma semaphore(%run_scoped3A_221 : memref<!tpu.dma_semaphore, #tpu.memory_space<semaphore_mem>>) src(%arg9 : memref<96x128xf32, #tpu.memory_space<vmem>>) dst(%dma_wait3A_233 : memref<10112x128xf32, #tpu.memory_space<vmem_shared>>)
        tpu.yield
      }) : () -> ()
      %add3A_177 = arith.constant 3 : i32
      %add3A_178 = arith.addi %add3A_170, %add3A_177 : i32
      %dma_start3A_179 = arith.constant 0 : i32
      %dma_start3A_180 = tpu.memref_slice %arg7[%add3A_178, %dma_start3A_179] : memref<36x96xi32, #tpu.memory_space<vmem>> -> memref<1x96xi32, #tpu.memory_space<vmem>>
      %dma_start3A_181 = tpu.memref_squeeze %dma_start3A_180 : memref<1x96xi32, #tpu.memory_space<vmem>> -> memref<96xi32, #tpu.memory_space<vmem>>
      %dma_start3A_182 = arith.constant 0 : i32
      %dma_start3A_183 = arith.constant 0 : i32
      %dma_start3A_184 = tpu.memref_slice %arg2[%dma_start3A_182, %dma_start3A_183] : memref<10000x128xf32, #tpu.memory_space<hbm>> -> memref<10000x128xf32, #tpu.memory_space<hbm>>
      tpu.enqueue_indirect_dma source(%dma_start3A_184 : memref<10000x128xf32, #tpu.memory_space<hbm>>) target(%arg9 : memref<96x128xf32, #tpu.memory_space<vmem>>) offsets(%dma_start3A_181 : memref<96xi32, #tpu.memory_space<vmem>>) semaphore(%arg13 : memref<!tpu.dma_semaphore, #tpu.memory_space<semaphore_mem>>)
      %mul3A_185 = arith.constant 3 : i32
      %mul3A_186 = arith.muli %mul3A_185, %scan3A_166 : i32
      %add3A_187 = arith.constant 1 : i32
      %add3A_188 = arith.addi %mul3A_186, %add3A_187 : i32
      %dma_wait3A_189 = arith.constant 0 : i32
      %dma_wait3A_190 = tpu.memref_slice %arg7[%add3A_188, %dma_wait3A_189] : memref<36x96xi32, #tpu.memory_space<vmem>> -> memref<1x96xi32, #tpu.memory_space<vmem>>
      %dma_wait3A_191 = tpu.memref_squeeze %dma_wait3A_190 : memref<1x96xi32, #tpu.memory_space<vmem>> -> memref<96xi32, #tpu.memory_space<vmem>>
      %dma_wait3A_192 = arith.constant 0 : i32
      %dma_wait3A_193 = arith.constant 0 : i32
      %dma_wait3A_194 = tpu.memref_slice %arg2[%dma_wait3A_192, %dma_wait3A_193] : memref<10000x128xf32, #tpu.memory_space<hbm>> -> memref<10000x128xf32, #tpu.memory_space<hbm>>
      tpu.wait_indirect_dma semaphore(%arg14 : memref<!tpu.dma_semaphore, #tpu.memory_space<semaphore_mem>>) src(%dma_wait3A_194 : memref<10000x128xf32, #tpu.memory_space<hbm>>) dst(%arg10 : memref<96x128xf32, #tpu.memory_space<vmem>>)
      "tpu.region"() ({
        %run_scoped3A_221 = tpu.sem_alloc : memref<!tpu.dma_semaphore, #tpu.memory_space<semaphore_mem>>
        %dma_start3A_222 = arith.constant 0 : i32
        %dma_start3A_223 = tpu.memref_slice %arg8[%add3A_188, %dma_start3A_222] : memref<36x96xi32, #tpu.memory_space<vmem>> -> memref<1x96xi32, #tpu.memory_space<vmem>>
        %dma_start3A_224 = tpu.memref_squeeze %dma_start3A_223 : memref<1x96xi32, #tpu.memory_space<vmem>> -> memref<96xi32, #tpu.memory_space<vmem>>
        %dma_start3A_225 = arith.constant 0 : i32
        %dma_start3A_226 = arith.constant 0 : i32
        %dma_start3A_227 = tpu.memref_slice %arg12[%dma_start3A_225, %dma_start3A_226] : memref<10112x128xf32, #tpu.memory_space<vmem_shared>> -> memref<10112x128xf32, #tpu.memory_space<vmem_shared>>
        tpu.enqueue_indirect_dma source(%arg10 : memref<96x128xf32, #tpu.memory_space<vmem>>) target(%dma_start3A_227 : memref<10112x128xf32, #tpu.memory_space<vmem_shared>>) offsets(%dma_start3A_224 : memref<96xi32, #tpu.memory_space<vmem>>) semaphore(%run_scoped3A_221 : memref<!tpu.dma_semaphore, #tpu.memory_space<semaphore_mem>>) {add = true}
        %dma_wait3A_228 = arith.constant 0 : i32
        %dma_wait3A_229 = tpu.memref_slice %arg8[%add3A_188, %dma_wait3A_228] : memref<36x96xi32, #tpu.memory_space<vmem>> -> memref<1x96xi32, #tpu.memory_space<vmem>>
        %dma_wait3A_230 = tpu.memref_squeeze %dma_wait3A_229 : memref<1x96xi32, #tpu.memory_space<vmem>> -> memref<96xi32, #tpu.memory_space<vmem>>
        %dma_wait3A_231 = arith.constant 0 : i32
        %dma_wait3A_232 = arith.constant 0 : i32
        %dma_wait3A_233 = tpu.memref_slice %arg12[%dma_wait3A_231, %dma_wait3A_232] : memref<10112x128xf32, #tpu.memory_space<vmem_shared>> -> memref<10112x128xf32, #tpu.memory_space<vmem_shared>>
        tpu.wait_indirect_dma semaphore(%run_scoped3A_221 : memref<!tpu.dma_semaphore, #tpu.memory_space<semaphore_mem>>) src(%arg10 : memref<96x128xf32, #tpu.memory_space<vmem>>) dst(%dma_wait3A_233 : memref<10112x128xf32, #tpu.memory_space<vmem_shared>>)
        tpu.yield
      }) : () -> ()
      %add3A_195 = arith.constant 3 : i32
      %add3A_196 = arith.addi %add3A_188, %add3A_195 : i32
      %dma_start3A_197 = arith.constant 0 : i32
      %dma_start3A_198 = tpu.memref_slice %arg7[%add3A_196, %dma_start3A_197] : memref<36x96xi32, #tpu.memory_space<vmem>> -> memref<1x96xi32, #tpu.memory_space<vmem>>
      %dma_start3A_199 = tpu.memref_squeeze %dma_start3A_198 : memref<1x96xi32, #tpu.memory_space<vmem>> -> memref<96xi32, #tpu.memory_space<vmem>>
      %dma_start3A_200 = arith.constant 0 : i32
      %dma_start3A_201 = arith.constant 0 : i32
      %dma_start3A_202 = tpu.memref_slice %arg2[%dma_start3A_200, %dma_start3A_201] : memref<10000x128xf32, #tpu.memory_space<hbm>> -> memref<10000x128xf32, #tpu.memory_space<hbm>>
      tpu.enqueue_indirect_dma source(%dma_start3A_202 : memref<10000x128xf32, #tpu.memory_space<hbm>>) target(%arg10 : memref<96x128xf32, #tpu.memory_space<vmem>>) offsets(%dma_start3A_199 : memref<96xi32, #tpu.memory_space<vmem>>) semaphore(%arg14 : memref<!tpu.dma_semaphore, #tpu.memory_space<semaphore_mem>>)
      %mul3A_203 = arith.constant 3 : i32
      %mul3A_204 = arith.muli %mul3A_203, %scan3A_166 : i32
      %add3A_205 = arith.constant 2 : i32
      %add3A_206 = arith.addi %mul3A_204, %add3A_205 : i32
      %dma_wait3A_207 = arith.constant 0 : i32
      %dma_wait3A_208 = tpu.memref_slice %arg7[%add3A_206, %dma_wait3A_207] : memref<36x96xi32, #tpu.memory_space<vmem>> -> memref<1x96xi32, #tpu.memory_space<vmem>>
      %dma_wait3A_209 = tpu.memref_squeeze %dma_wait3A_208 : memref<1x96xi32, #tpu.memory_space<vmem>> -> memref<96xi32, #tpu.memory_space<vmem>>
      %dma_wait3A_210 = arith.constant 0 : i32
      %dma_wait3A_211 = arith.constant 0 : i32
      %dma_wait3A_212 = tpu.memref_slice %arg2[%dma_wait3A_210, %dma_wait3A_211] : memref<10000x128xf32, #tpu.memory_space<hbm>> -> memref<10000x128xf32, #tpu.memory_space<hbm>>
      tpu.wait_indirect_dma semaphore(%arg15 : memref<!tpu.dma_semaphore, #tpu.memory_space<semaphore_mem>>) src(%dma_wait3A_212 : memref<10000x128xf32, #tpu.memory_space<hbm>>) dst(%arg11 : memref<96x128xf32, #tpu.memory_space<vmem>>)
      "tpu.region"() ({
        %run_scoped3A_221 = tpu.sem_alloc : memref<!tpu.dma_semaphore, #tpu.memory_space<semaphore_mem>>
        %dma_start3A_222 = arith.constant 0 : i32
        %dma_start3A_223 = tpu.memref_slice %arg8[%add3A_206, %dma_start3A_222] : memref<36x96xi32, #tpu.memory_space<vmem>> -> memref<1x96xi32, #tpu.memory_space<vmem>>
        %dma_start3A_224 = tpu.memref_squeeze %dma_start3A_223 : memref<1x96xi32, #tpu.memory_space<vmem>> -> memref<96xi32, #tpu.memory_space<vmem>>
        %dma_start3A_225 = arith.constant 0 : i32
        %dma_start3A_226 = arith.constant 0 : i32
        %dma_start3A_227 = tpu.memref_slice %arg12[%dma_start3A_225, %dma_start3A_226] : memref<10112x128xf32, #tpu.memory_space<vmem_shared>> -> memref<10112x128xf32, #tpu.memory_space<vmem_shared>>
        tpu.enqueue_indirect_dma source(%arg11 : memref<96x128xf32, #tpu.memory_space<vmem>>) target(%dma_start3A_227 : memref<10112x128xf32, #tpu.memory_space<vmem_shared>>) offsets(%dma_start3A_224 : memref<96xi32, #tpu.memory_space<vmem>>) semaphore(%run_scoped3A_221 : memref<!tpu.dma_semaphore, #tpu.memory_space<semaphore_mem>>) {add = true}
        %dma_wait3A_228 = arith.constant 0 : i32
        %dma_wait3A_229 = tpu.memref_slice %arg8[%add3A_206, %dma_wait3A_228] : memref<36x96xi32, #tpu.memory_space<vmem>> -> memref<1x96xi32, #tpu.memory_space<vmem>>
        %dma_wait3A_230 = tpu.memref_squeeze %dma_wait3A_229 : memref<1x96xi32, #tpu.memory_space<vmem>> -> memref<96xi32, #tpu.memory_space<vmem>>
        %dma_wait3A_231 = arith.constant 0 : i32
        %dma_wait3A_232 = arith.constant 0 : i32
        %dma_wait3A_233 = tpu.memref_slice %arg12[%dma_wait3A_231, %dma_wait3A_232] : memref<10112x128xf32, #tpu.memory_space<vmem_shared>> -> memref<10112x128xf32, #tpu.memory_space<vmem_shared>>
        tpu.wait_indirect_dma semaphore(%run_scoped3A_221 : memref<!tpu.dma_semaphore, #tpu.memory_space<semaphore_mem>>) src(%arg11 : memref<96x128xf32, #tpu.memory_space<vmem>>) dst(%dma_wait3A_233 : memref<10112x128xf32, #tpu.memory_space<vmem_shared>>)
        tpu.yield
      }) : () -> ()
      %add3A_213 = arith.constant 3 : i32
      %add3A_214 = arith.addi %add3A_206, %add3A_213 : i32
      %dma_start3A_215 = arith.constant 0 : i32
      %dma_start3A_216 = tpu.memref_slice %arg7[%add3A_214, %dma_start3A_215] : memref<36x96xi32, #tpu.memory_space<vmem>> -> memref<1x96xi32, #tpu.memory_space<vmem>>
      %dma_start3A_217 = tpu.memref_squeeze %dma_start3A_216 : memref<1x96xi32, #tpu.memory_space<vmem>> -> memref<96xi32, #tpu.memory_space<vmem>>
      %dma_start3A_218 = arith.constant 0 : i32
      %dma_start3A_219 = arith.constant 0 : i32
      %dma_start3A_220 = tpu.memref_slice %arg2[%dma_start3A_218, %dma_start3A_219] : memref<10000x128xf32, #tpu.memory_space<hbm>> -> memref<10000x128xf32, #tpu.memory_space<hbm>>
      tpu.enqueue_indirect_dma source(%dma_start3A_220 : memref<10000x128xf32, #tpu.memory_space<hbm>>) target(%arg11 : memref<96x128xf32, #tpu.memory_space<vmem>>) offsets(%dma_start3A_217 : memref<96xi32, #tpu.memory_space<vmem>>) semaphore(%arg15 : memref<!tpu.dma_semaphore, #tpu.memory_space<semaphore_mem>>)
    }
    %scan3A_28 = arith.constant 11 : i32
    %dma_wait3A = arith.constant 33 : i32
    %dma_wait3A_29 = arith.constant 0 : i32
    %dma_wait3A_30 = tpu.memref_slice %arg7[%dma_wait3A, %dma_wait3A_29] : memref<36x96xi32, #tpu.memory_space<vmem>> -> memref<1x96xi32, #tpu.memory_space<vmem>>
    %dma_wait3A_31 = tpu.memref_squeeze %dma_wait3A_30 : memref<1x96xi32, #tpu.memory_space<vmem>> -> memref<96xi32, #tpu.memory_space<vmem>>
    %dma_wait3A_32 = arith.constant 0 : i32
    %dma_wait3A_33 = arith.constant 0 : i32
    %dma_wait3A_34 = tpu.memref_slice %arg2[%dma_wait3A_32, %dma_wait3A_33] : memref<10000x128xf32, #tpu.memory_space<hbm>> -> memref<10000x128xf32, #tpu.memory_space<hbm>>
    tpu.wait_indirect_dma semaphore(%arg13 : memref<!tpu.dma_semaphore, #tpu.memory_space<semaphore_mem>>) src(%dma_wait3A_34 : memref<10000x128xf32, #tpu.memory_space<hbm>>) dst(%arg9 : memref<96x128xf32, #tpu.memory_space<vmem>>)
    %run_scoped3A_35 = arith.constant 33 : i32
    "tpu.region"() ({
      %run_scoped3A_166 = tpu.sem_alloc : memref<!tpu.dma_semaphore, #tpu.memory_space<semaphore_mem>>
      %dma_start3A_167 = arith.constant 0 : i32
      %dma_start3A_168 = tpu.memref_slice %arg8[%run_scoped3A_35, %dma_start3A_167] : memref<36x96xi32, #tpu.memory_space<vmem>> -> memref<1x96xi32, #tpu.memory_space<vmem>>
      %dma_start3A_169 = tpu.memref_squeeze %dma_start3A_168 : memref<1x96xi32, #tpu.memory_space<vmem>> -> memref<96xi32, #tpu.memory_space<vmem>>
      %dma_start3A_170 = arith.constant 0 : i32
      %dma_start3A_171 = arith.constant 0 : i32
      %dma_start3A_172 = tpu.memref_slice %arg12[%dma_start3A_170, %dma_start3A_171] : memref<10112x128xf32, #tpu.memory_space<vmem_shared>> -> memref<10112x128xf32, #tpu.memory_space<vmem_shared>>
      tpu.enqueue_indirect_dma source(%arg9 : memref<96x128xf32, #tpu.memory_space<vmem>>) target(%dma_start3A_172 : memref<10112x128xf32, #tpu.memory_space<vmem_shared>>) offsets(%dma_start3A_169 : memref<96xi32, #tpu.memory_space<vmem>>) semaphore(%run_scoped3A_166 : memref<!tpu.dma_semaphore, #tpu.memory_space<semaphore_mem>>) {add = true}
      %dma_wait3A_173 = arith.constant 0 : i32
      %dma_wait3A_174 = tpu.memref_slice %arg8[%run_scoped3A_35, %dma_wait3A_173] : memref<36x96xi32, #tpu.memory_space<vmem>> -> memref<1x96xi32, #tpu.memory_space<vmem>>
      %dma_wait3A_175 = tpu.memref_squeeze %dma_wait3A_174 : memref<1x96xi32, #tpu.memory_space<vmem>> -> memref<96xi32, #tpu.memory_space<vmem>>
      %dma_wait3A_176 = arith.constant 0 : i32
      %dma_wait3A_177 = arith.constant 0 : i32
      %dma_wait3A_178 = tpu.memref_slice %arg12[%dma_wait3A_176, %dma_wait3A_177] : memref<10112x128xf32, #tpu.memory_space<vmem_shared>> -> memref<10112x128xf32, #tpu.memory_space<vmem_shared>>
      tpu.wait_indirect_dma semaphore(%run_scoped3A_166 : memref<!tpu.dma_semaphore, #tpu.memory_space<semaphore_mem>>) src(%arg9 : memref<96x128xf32, #tpu.memory_space<vmem>>) dst(%dma_wait3A_178 : memref<10112x128xf32, #tpu.memory_space<vmem_shared>>)
      tpu.yield
    }) : () -> ()
    %dma_wait3A_36 = arith.constant 34 : i32
    %dma_wait3A_37 = arith.constant 0 : i32
    %dma_wait3A_38 = tpu.memref_slice %arg7[%dma_wait3A_36, %dma_wait3A_37] : memref<36x96xi32, #tpu.memory_space<vmem>> -> memref<1x96xi32, #tpu.memory_space<vmem>>
    %dma_wait3A_39 = tpu.memref_squeeze %dma_wait3A_38 : memref<1x96xi32, #tpu.memory_space<vmem>> -> memref<96xi32, #tpu.memory_space<vmem>>
    %dma_wait3A_40 = arith.constant 0 : i32
    %dma_wait3A_41 = arith.constant 0 : i32
    %dma_wait3A_42 = tpu.memref_slice %arg2[%dma_wait3A_40, %dma_wait3A_41] : memref<10000x128xf32, #tpu.memory_space<hbm>> -> memref<10000x128xf32, #tpu.memory_space<hbm>>
    tpu.wait_indirect_dma semaphore(%arg14 : memref<!tpu.dma_semaphore, #tpu.memory_space<semaphore_mem>>) src(%dma_wait3A_42 : memref<10000x128xf32, #tpu.memory_space<hbm>>) dst(%arg10 : memref<96x128xf32, #tpu.memory_space<vmem>>)
    %run_scoped3A_43 = arith.constant 34 : i32
    "tpu.region"() ({
      %run_scoped3A_166 = tpu.sem_alloc : memref<!tpu.dma_semaphore, #tpu.memory_space<semaphore_mem>>
      %dma_start3A_167 = arith.constant 0 : i32
      %dma_start3A_168 = tpu.memref_slice %arg8[%run_scoped3A_43, %dma_start3A_167] : memref<36x96xi32, #tpu.memory_space<vmem>> -> memref<1x96xi32, #tpu.memory_space<vmem>>
      %dma_start3A_169 = tpu.memref_squeeze %dma_start3A_168 : memref<1x96xi32, #tpu.memory_space<vmem>> -> memref<96xi32, #tpu.memory_space<vmem>>
      %dma_start3A_170 = arith.constant 0 : i32
      %dma_start3A_171 = arith.constant 0 : i32
      %dma_start3A_172 = tpu.memref_slice %arg12[%dma_start3A_170, %dma_start3A_171] : memref<10112x128xf32, #tpu.memory_space<vmem_shared>> -> memref<10112x128xf32, #tpu.memory_space<vmem_shared>>
      tpu.enqueue_indirect_dma source(%arg10 : memref<96x128xf32, #tpu.memory_space<vmem>>) target(%dma_start3A_172 : memref<10112x128xf32, #tpu.memory_space<vmem_shared>>) offsets(%dma_start3A_169 : memref<96xi32, #tpu.memory_space<vmem>>) semaphore(%run_scoped3A_166 : memref<!tpu.dma_semaphore, #tpu.memory_space<semaphore_mem>>) {add = true}
      %dma_wait3A_173 = arith.constant 0 : i32
      %dma_wait3A_174 = tpu.memref_slice %arg8[%run_scoped3A_43, %dma_wait3A_173] : memref<36x96xi32, #tpu.memory_space<vmem>> -> memref<1x96xi32, #tpu.memory_space<vmem>>
      %dma_wait3A_175 = tpu.memref_squeeze %dma_wait3A_174 : memref<1x96xi32, #tpu.memory_space<vmem>> -> memref<96xi32, #tpu.memory_space<vmem>>
      %dma_wait3A_176 = arith.constant 0 : i32
      %dma_wait3A_177 = arith.constant 0 : i32
      %dma_wait3A_178 = tpu.memref_slice %arg12[%dma_wait3A_176, %dma_wait3A_177] : memref<10112x128xf32, #tpu.memory_space<vmem_shared>> -> memref<10112x128xf32, #tpu.memory_space<vmem_shared>>
      tpu.wait_indirect_dma semaphore(%run_scoped3A_166 : memref<!tpu.dma_semaphore, #tpu.memory_space<semaphore_mem>>) src(%arg10 : memref<96x128xf32, #tpu.memory_space<vmem>>) dst(%dma_wait3A_178 : memref<10112x128xf32, #tpu.memory_space<vmem_shared>>)
      tpu.yield
    }) : () -> ()
    %dma_wait3A_44 = arith.constant 35 : i32
    %dma_wait3A_45 = arith.constant 0 : i32
    %dma_wait3A_46 = tpu.memref_slice %arg7[%dma_wait3A_44, %dma_wait3A_45] : memref<36x96xi32, #tpu.memory_space<vmem>> -> memref<1x96xi32, #tpu.memory_space<vmem>>
    %dma_wait3A_47 = tpu.memref_squeeze %dma_wait3A_46 : memref<1x96xi32, #tpu.memory_space<vmem>> -> memref<96xi32, #tpu.memory_space<vmem>>
    %dma_wait3A_48 = arith.constant 0 : i32
    %dma_wait3A_49 = arith.constant 0 : i32
    %dma_wait3A_50 = tpu.memref_slice %arg2[%dma_wait3A_48, %dma_wait3A_49] : memref<10000x128xf32, #tpu.memory_space<hbm>> -> memref<10000x128xf32, #tpu.memory_space<hbm>>
    tpu.wait_indirect_dma semaphore(%arg15 : memref<!tpu.dma_semaphore, #tpu.memory_space<semaphore_mem>>) src(%dma_wait3A_50 : memref<10000x128xf32, #tpu.memory_space<hbm>>) dst(%arg11 : memref<96x128xf32, #tpu.memory_space<vmem>>)
    %run_scoped3A_51 = arith.constant 35 : i32
    "tpu.region"() ({
      %run_scoped3A_166 = tpu.sem_alloc : memref<!tpu.dma_semaphore, #tpu.memory_space<semaphore_mem>>
      %dma_start3A_167 = arith.constant 0 : i32
      %dma_start3A_168 = tpu.memref_slice %arg8[%run_scoped3A_51, %dma_start3A_167] : memref<36x96xi32, #tpu.memory_space<vmem>> -> memref<1x96xi32, #tpu.memory_space<vmem>>
      %dma_start3A_169 = tpu.memref_squeeze %dma_start3A_168 : memref<1x96xi32, #tpu.memory_space<vmem>> -> memref<96xi32, #tpu.memory_space<vmem>>
      %dma_start3A_170 = arith.constant 0 : i32
      %dma_start3A_171 = arith.constant 0 : i32
      %dma_start3A_172 = tpu.memref_slice %arg12[%dma_start3A_170, %dma_start3A_171] : memref<10112x128xf32, #tpu.memory_space<vmem_shared>> -> memref<10112x128xf32, #tpu.memory_space<vmem_shared>>
      tpu.enqueue_indirect_dma source(%arg11 : memref<96x128xf32, #tpu.memory_space<vmem>>) target(%dma_start3A_172 : memref<10112x128xf32, #tpu.memory_space<vmem_shared>>) offsets(%dma_start3A_169 : memref<96xi32, #tpu.memory_space<vmem>>) semaphore(%run_scoped3A_166 : memref<!tpu.dma_semaphore, #tpu.memory_space<semaphore_mem>>) {add = true}
      %dma_wait3A_173 = arith.constant 0 : i32
      %dma_wait3A_174 = tpu.memref_slice %arg8[%run_scoped3A_51, %dma_wait3A_173] : memref<36x96xi32, #tpu.memory_space<vmem>> -> memref<1x96xi32, #tpu.memory_space<vmem>>
      %dma_wait3A_175 = tpu.memref_squeeze %dma_wait3A_174 : memref<1x96xi32, #tpu.memory_space<vmem>> -> memref<96xi32, #tpu.memory_space<vmem>>
      %dma_wait3A_176 = arith.constant 0 : i32
      %dma_wait3A_177 = arith.constant 0 : i32
      %dma_wait3A_178 = tpu.memref_slice %arg12[%dma_wait3A_176, %dma_wait3A_177] : memref<10112x128xf32, #tpu.memory_space<vmem_shared>> -> memref<10112x128xf32, #tpu.memory_space<vmem_shared>>
      tpu.wait_indirect_dma semaphore(%run_scoped3A_166 : memref<!tpu.dma_semaphore, #tpu.memory_space<semaphore_mem>>) src(%arg11 : memref<96x128xf32, #tpu.memory_space<vmem>>) dst(%dma_wait3A_178 : memref<10112x128xf32, #tpu.memory_space<vmem_shared>>)
      tpu.yield
    }) : () -> ()
    %run_scoped3A_52 = arith.constant 1 : i32
    "tpu.region"() ({
      %run_scoped3A_166 = tpu.sem_alloc : memref<!tpu.dma_semaphore, #tpu.memory_space<semaphore_mem>>
      %dma_start3A_167 = arith.constant 0 : i32
      %dma_start3A_168 = arith.constant 0 : i32
      %dma_start3A_169 = tpu.memref_slice %arg3[%add3A, %run_scoped3A_52, %dma_start3A_167, %dma_start3A_168] : memref<32x3x36x96xi32, #tpu.memory_space<hbm>> -> memref<1x1x36x96xi32, #tpu.memory_space<hbm>>
      %dma_start3A_170 = tpu.memref_squeeze %dma_start3A_169 : memref<1x1x36x96xi32, #tpu.memory_space<hbm>> -> memref<36x96xi32, #tpu.memory_space<hbm>>
      %dma_start3A_171 = arith.constant 0 : i32
      %dma_start3A_172 = arith.constant 0 : i32
      %dma_start3A_173 = tpu.memref_slice %arg3[%add3A, %run_scoped3A_52, %dma_start3A_171, %dma_start3A_172] : memref<32x3x36x96xi32, #tpu.memory_space<hbm>> -> memref<1x1x36x96xi32, #tpu.memory_space<hbm>>
      %dma_start3A_174 = tpu.memref_squeeze %dma_start3A_173 : memref<1x1x36x96xi32, #tpu.memory_space<hbm>> -> memref<36x96xi32, #tpu.memory_space<hbm>>
      tpu.enqueue_dma source(%dma_start3A_174 : memref<36x96xi32, #tpu.memory_space<hbm>>) target(%arg7 : memref<36x96xi32, #tpu.memory_space<vmem>>) target_semaphore(%run_scoped3A_166 : memref<!tpu.dma_semaphore, #tpu.memory_space<semaphore_mem>>)
      %dma_wait3A_175 = arith.constant 0 : i32
      %dma_wait3A_176 = arith.constant 0 : i32
      %dma_wait3A_177 = tpu.memref_slice %arg3[%add3A, %run_scoped3A_52, %dma_wait3A_175, %dma_wait3A_176] : memref<32x3x36x96xi32, #tpu.memory_space<hbm>> -> memref<1x1x36x96xi32, #tpu.memory_space<hbm>>
      %dma_wait3A_178 = tpu.memref_squeeze %dma_wait3A_177 : memref<1x1x36x96xi32, #tpu.memory_space<hbm>> -> memref<36x96xi32, #tpu.memory_space<hbm>>
      %dma_wait3A_179 = arith.constant 0 : i32
      %dma_wait3A_180 = arith.constant 0 : i32
      %dma_wait3A_181 = tpu.memref_slice %arg3[%add3A, %run_scoped3A_52, %dma_wait3A_179, %dma_wait3A_180] : memref<32x3x36x96xi32, #tpu.memory_space<hbm>> -> memref<1x1x36x96xi32, #tpu.memory_space<hbm>>
      %dma_wait3A_182 = tpu.memref_squeeze %dma_wait3A_181 : memref<1x1x36x96xi32, #tpu.memory_space<hbm>> -> memref<36x96xi32, #tpu.memory_space<hbm>>
      tpu.wait_dma2 semaphore(%run_scoped3A_166 : memref<!tpu.dma_semaphore, #tpu.memory_space<semaphore_mem>>) src(%dma_wait3A_182 : memref<36x96xi32, #tpu.memory_space<hbm>>) dst(%arg7 : memref<36x96xi32, #tpu.memory_space<vmem>>)
      tpu.yield
    }) : () -> ()
    %run_scoped3A_53 = arith.constant 1 : i32
    "tpu.region"() ({
      %run_scoped3A_166 = tpu.sem_alloc : memref<!tpu.dma_semaphore, #tpu.memory_space<semaphore_mem>>
      %dma_start3A_167 = arith.constant 0 : i32
      %dma_start3A_168 = arith.constant 0 : i32
      %dma_start3A_169 = tpu.memref_slice %arg4[%add3A, %run_scoped3A_53, %dma_start3A_167, %dma_start3A_168] : memref<32x3x36x96xi32, #tpu.memory_space<hbm>> -> memref<1x1x36x96xi32, #tpu.memory_space<hbm>>
      %dma_start3A_170 = tpu.memref_squeeze %dma_start3A_169 : memref<1x1x36x96xi32, #tpu.memory_space<hbm>> -> memref<36x96xi32, #tpu.memory_space<hbm>>
      %dma_start3A_171 = arith.constant 0 : i32
      %dma_start3A_172 = arith.constant 0 : i32
      %dma_start3A_173 = tpu.memref_slice %arg4[%add3A, %run_scoped3A_53, %dma_start3A_171, %dma_start3A_172] : memref<32x3x36x96xi32, #tpu.memory_space<hbm>> -> memref<1x1x36x96xi32, #tpu.memory_space<hbm>>
      %dma_start3A_174 = tpu.memref_squeeze %dma_start3A_173 : memref<1x1x36x96xi32, #tpu.memory_space<hbm>> -> memref<36x96xi32, #tpu.memory_space<hbm>>
      tpu.enqueue_dma source(%dma_start3A_174 : memref<36x96xi32, #tpu.memory_space<hbm>>) target(%arg8 : memref<36x96xi32, #tpu.memory_space<vmem>>) target_semaphore(%run_scoped3A_166 : memref<!tpu.dma_semaphore, #tpu.memory_space<semaphore_mem>>)
      %dma_wait3A_175 = arith.constant 0 : i32
      %dma_wait3A_176 = arith.constant 0 : i32
      %dma_wait3A_177 = tpu.memref_slice %arg4[%add3A, %run_scoped3A_53, %dma_wait3A_175, %dma_wait3A_176] : memref<32x3x36x96xi32, #tpu.memory_space<hbm>> -> memref<1x1x36x96xi32, #tpu.memory_space<hbm>>
      %dma_wait3A_178 = tpu.memref_squeeze %dma_wait3A_177 : memref<1x1x36x96xi32, #tpu.memory_space<hbm>> -> memref<36x96xi32, #tpu.memory_space<hbm>>
      %dma_wait3A_179 = arith.constant 0 : i32
      %dma_wait3A_180 = arith.constant 0 : i32
      %dma_wait3A_181 = tpu.memref_slice %arg4[%add3A, %run_scoped3A_53, %dma_wait3A_179, %dma_wait3A_180] : memref<32x3x36x96xi32, #tpu.memory_space<hbm>> -> memref<1x1x36x96xi32, #tpu.memory_space<hbm>>
      %dma_wait3A_182 = tpu.memref_squeeze %dma_wait3A_181 : memref<1x1x36x96xi32, #tpu.memory_space<hbm>> -> memref<36x96xi32, #tpu.memory_space<hbm>>
      tpu.wait_dma2 semaphore(%run_scoped3A_166 : memref<!tpu.dma_semaphore, #tpu.memory_space<semaphore_mem>>) src(%dma_wait3A_182 : memref<36x96xi32, #tpu.memory_space<hbm>>) dst(%arg8 : memref<36x96xi32, #tpu.memory_space<vmem>>)
      tpu.yield
    }) : () -> ()
    %dma_start3A_54 = arith.constant 0 : i32
    %dma_start3A_55 = arith.constant 0 : i32
    %dma_start3A_56 = tpu.memref_slice %arg7[%dma_start3A_54, %dma_start3A_55] : memref<36x96xi32, #tpu.memory_space<vmem>> -> memref<1x96xi32, #tpu.memory_space<vmem>>
    %dma_start3A_57 = tpu.memref_squeeze %dma_start3A_56 : memref<1x96xi32, #tpu.memory_space<vmem>> -> memref<96xi32, #tpu.memory_space<vmem>>
    %dma_start3A_58 = arith.constant 0 : i32
    %dma_start3A_59 = arith.constant 0 : i32
    %dma_start3A_60 = tpu.memref_slice %arg2[%dma_start3A_58, %dma_start3A_59] : memref<10000x128xf32, #tpu.memory_space<hbm>> -> memref<10000x128xf32, #tpu.memory_space<hbm>>
    tpu.enqueue_indirect_dma source(%dma_start3A_60 : memref<10000x128xf32, #tpu.memory_space<hbm>>) target(%arg9 : memref<96x128xf32, #tpu.memory_space<vmem>>) offsets(%dma_start3A_57 : memref<96xi32, #tpu.memory_space<vmem>>) semaphore(%arg13 : memref<!tpu.dma_semaphore, #tpu.memory_space<semaphore_mem>>)
    %dma_start3A_61 = arith.constant 1 : i32
    %dma_start3A_62 = arith.constant 0 : i32
    %dma_start3A_63 = tpu.memref_slice %arg7[%dma_start3A_61, %dma_start3A_62] : memref<36x96xi32, #tpu.memory_space<vmem>> -> memref<1x96xi32, #tpu.memory_space<vmem>>
    %dma_start3A_64 = tpu.memref_squeeze %dma_start3A_63 : memref<1x96xi32, #tpu.memory_space<vmem>> -> memref<96xi32, #tpu.memory_space<vmem>>
    %dma_start3A_65 = arith.constant 0 : i32
    %dma_start3A_66 = arith.constant 0 : i32
    %dma_start3A_67 = tpu.memref_slice %arg2[%dma_start3A_65, %dma_start3A_66] : memref<10000x128xf32, #tpu.memory_space<hbm>> -> memref<10000x128xf32, #tpu.memory_space<hbm>>
    tpu.enqueue_indirect_dma source(%dma_start3A_67 : memref<10000x128xf32, #tpu.memory_space<hbm>>) target(%arg10 : memref<96x128xf32, #tpu.memory_space<vmem>>) offsets(%dma_start3A_64 : memref<96xi32, #tpu.memory_space<vmem>>) semaphore(%arg14 : memref<!tpu.dma_semaphore, #tpu.memory_space<semaphore_mem>>)
    %dma_start3A_68 = arith.constant 2 : i32
    %dma_start3A_69 = arith.constant 0 : i32
    %dma_start3A_70 = tpu.memref_slice %arg7[%dma_start3A_68, %dma_start3A_69] : memref<36x96xi32, #tpu.memory_space<vmem>> -> memref<1x96xi32, #tpu.memory_space<vmem>>
    %dma_start3A_71 = tpu.memref_squeeze %dma_start3A_70 : memref<1x96xi32, #tpu.memory_space<vmem>> -> memref<96xi32, #tpu.memory_space<vmem>>
    %dma_start3A_72 = arith.constant 0 : i32
    %dma_start3A_73 = arith.constant 0 : i32
    %dma_start3A_74 = tpu.memref_slice %arg2[%dma_start3A_72, %dma_start3A_73] : memref<10000x128xf32, #tpu.memory_space<hbm>> -> memref<10000x128xf32, #tpu.memory_space<hbm>>
    tpu.enqueue_indirect_dma source(%dma_start3A_74 : memref<10000x128xf32, #tpu.memory_space<hbm>>) target(%arg11 : memref<96x128xf32, #tpu.memory_space<vmem>>) offsets(%dma_start3A_71 : memref<96xi32, #tpu.memory_space<vmem>>) semaphore(%arg15 : memref<!tpu.dma_semaphore, #tpu.memory_space<semaphore_mem>>)
    %scan3A_75 = arith.constant 0 : i32
    %scan3A_76 = arith.constant 0 : i32
    %scan3A_77 = arith.constant 11 : i32
    %scan3A_78 = arith.addi %scan3A_76, %scan3A_77 : i32
    %scan3A_79 = arith.constant 1 : i32
    scf.for %scan3A_166 = %scan3A_76 to %scan3A_78 step %scan3A_79  : i32 {
      %mul3A_167 = arith.constant 3 : i32
      %mul3A_168 = arith.muli %mul3A_167, %scan3A_166 : i32
      %add3A_169 = arith.constant 0 : i32
      %add3A_170 = arith.addi %mul3A_168, %add3A_169 : i32
      %dma_wait3A_171 = arith.constant 0 : i32
      %dma_wait3A_172 = tpu.memref_slice %arg7[%add3A_170, %dma_wait3A_171] : memref<36x96xi32, #tpu.memory_space<vmem>> -> memref<1x96xi32, #tpu.memory_space<vmem>>
      %dma_wait3A_173 = tpu.memref_squeeze %dma_wait3A_172 : memref<1x96xi32, #tpu.memory_space<vmem>> -> memref<96xi32, #tpu.memory_space<vmem>>
      %dma_wait3A_174 = arith.constant 0 : i32
      %dma_wait3A_175 = arith.constant 0 : i32
      %dma_wait3A_176 = tpu.memref_slice %arg2[%dma_wait3A_174, %dma_wait3A_175] : memref<10000x128xf32, #tpu.memory_space<hbm>> -> memref<10000x128xf32, #tpu.memory_space<hbm>>
      tpu.wait_indirect_dma semaphore(%arg13 : memref<!tpu.dma_semaphore, #tpu.memory_space<semaphore_mem>>) src(%dma_wait3A_176 : memref<10000x128xf32, #tpu.memory_space<hbm>>) dst(%arg9 : memref<96x128xf32, #tpu.memory_space<vmem>>)
      "tpu.region"() ({
        %run_scoped3A_221 = tpu.sem_alloc : memref<!tpu.dma_semaphore, #tpu.memory_space<semaphore_mem>>
        %dma_start3A_222 = arith.constant 0 : i32
        %dma_start3A_223 = tpu.memref_slice %arg8[%add3A_170, %dma_start3A_222] : memref<36x96xi32, #tpu.memory_space<vmem>> -> memref<1x96xi32, #tpu.memory_space<vmem>>
        %dma_start3A_224 = tpu.memref_squeeze %dma_start3A_223 : memref<1x96xi32, #tpu.memory_space<vmem>> -> memref<96xi32, #tpu.memory_space<vmem>>
        %dma_start3A_225 = arith.constant 0 : i32
        %dma_start3A_226 = arith.constant 0 : i32
        %dma_start3A_227 = tpu.memref_slice %arg12[%dma_start3A_225, %dma_start3A_226] : memref<10112x128xf32, #tpu.memory_space<vmem_shared>> -> memref<10112x128xf32, #tpu.memory_space<vmem_shared>>
        tpu.enqueue_indirect_dma source(%arg9 : memref<96x128xf32, #tpu.memory_space<vmem>>) target(%dma_start3A_227 : memref<10112x128xf32, #tpu.memory_space<vmem_shared>>) offsets(%dma_start3A_224 : memref<96xi32, #tpu.memory_space<vmem>>) semaphore(%run_scoped3A_221 : memref<!tpu.dma_semaphore, #tpu.memory_space<semaphore_mem>>) {add = true}
        %dma_wait3A_228 = arith.constant 0 : i32
        %dma_wait3A_229 = tpu.memref_slice %arg8[%add3A_170, %dma_wait3A_228] : memref<36x96xi32, #tpu.memory_space<vmem>> -> memref<1x96xi32, #tpu.memory_space<vmem>>
        %dma_wait3A_230 = tpu.memref_squeeze %dma_wait3A_229 : memref<1x96xi32, #tpu.memory_space<vmem>> -> memref<96xi32, #tpu.memory_space<vmem>>
        %dma_wait3A_231 = arith.constant 0 : i32
        %dma_wait3A_232 = arith.constant 0 : i32
        %dma_wait3A_233 = tpu.memref_slice %arg12[%dma_wait3A_231, %dma_wait3A_232] : memref<10112x128xf32, #tpu.memory_space<vmem_shared>> -> memref<10112x128xf32, #tpu.memory_space<vmem_shared>>
        tpu.wait_indirect_dma semaphore(%run_scoped3A_221 : memref<!tpu.dma_semaphore, #tpu.memory_space<semaphore_mem>>) src(%arg9 : memref<96x128xf32, #tpu.memory_space<vmem>>) dst(%dma_wait3A_233 : memref<10112x128xf32, #tpu.memory_space<vmem_shared>>)
        tpu.yield
      }) : () -> ()
      %add3A_177 = arith.constant 3 : i32
      %add3A_178 = arith.addi %add3A_170, %add3A_177 : i32
      %dma_start3A_179 = arith.constant 0 : i32
      %dma_start3A_180 = tpu.memref_slice %arg7[%add3A_178, %dma_start3A_179] : memref<36x96xi32, #tpu.memory_space<vmem>> -> memref<1x96xi32, #tpu.memory_space<vmem>>
      %dma_start3A_181 = tpu.memref_squeeze %dma_start3A_180 : memref<1x96xi32, #tpu.memory_space<vmem>> -> memref<96xi32, #tpu.memory_space<vmem>>
      %dma_start3A_182 = arith.constant 0 : i32
      %dma_start3A_183 = arith.constant 0 : i32
      %dma_start3A_184 = tpu.memref_slice %arg2[%dma_start3A_182, %dma_start3A_183] : memref<10000x128xf32, #tpu.memory_space<hbm>> -> memref<10000x128xf32, #tpu.memory_space<hbm>>
      tpu.enqueue_indirect_dma source(%dma_start3A_184 : memref<10000x128xf32, #tpu.memory_space<hbm>>) target(%arg9 : memref<96x128xf32, #tpu.memory_space<vmem>>) offsets(%dma_start3A_181 : memref<96xi32, #tpu.memory_space<vmem>>) semaphore(%arg13 : memref<!tpu.dma_semaphore, #tpu.memory_space<semaphore_mem>>)
      %mul3A_185 = arith.constant 3 : i32
      %mul3A_186 = arith.muli %mul3A_185, %scan3A_166 : i32
      %add3A_187 = arith.constant 1 : i32
      %add3A_188 = arith.addi %mul3A_186, %add3A_187 : i32
      %dma_wait3A_189 = arith.constant 0 : i32
      %dma_wait3A_190 = tpu.memref_slice %arg7[%add3A_188, %dma_wait3A_189] : memref<36x96xi32, #tpu.memory_space<vmem>> -> memref<1x96xi32, #tpu.memory_space<vmem>>
      %dma_wait3A_191 = tpu.memref_squeeze %dma_wait3A_190 : memref<1x96xi32, #tpu.memory_space<vmem>> -> memref<96xi32, #tpu.memory_space<vmem>>
      %dma_wait3A_192 = arith.constant 0 : i32
      %dma_wait3A_193 = arith.constant 0 : i32
      %dma_wait3A_194 = tpu.memref_slice %arg2[%dma_wait3A_192, %dma_wait3A_193] : memref<10000x128xf32, #tpu.memory_space<hbm>> -> memref<10000x128xf32, #tpu.memory_space<hbm>>
      tpu.wait_indirect_dma semaphore(%arg14 : memref<!tpu.dma_semaphore, #tpu.memory_space<semaphore_mem>>) src(%dma_wait3A_194 : memref<10000x128xf32, #tpu.memory_space<hbm>>) dst(%arg10 : memref<96x128xf32, #tpu.memory_space<vmem>>)
      "tpu.region"() ({
        %run_scoped3A_221 = tpu.sem_alloc : memref<!tpu.dma_semaphore, #tpu.memory_space<semaphore_mem>>
        %dma_start3A_222 = arith.constant 0 : i32
        %dma_start3A_223 = tpu.memref_slice %arg8[%add3A_188, %dma_start3A_222] : memref<36x96xi32, #tpu.memory_space<vmem>> -> memref<1x96xi32, #tpu.memory_space<vmem>>
        %dma_start3A_224 = tpu.memref_squeeze %dma_start3A_223 : memref<1x96xi32, #tpu.memory_space<vmem>> -> memref<96xi32, #tpu.memory_space<vmem>>
        %dma_start3A_225 = arith.constant 0 : i32
        %dma_start3A_226 = arith.constant 0 : i32
        %dma_start3A_227 = tpu.memref_slice %arg12[%dma_start3A_225, %dma_start3A_226] : memref<10112x128xf32, #tpu.memory_space<vmem_shared>> -> memref<10112x128xf32, #tpu.memory_space<vmem_shared>>
        tpu.enqueue_indirect_dma source(%arg10 : memref<96x128xf32, #tpu.memory_space<vmem>>) target(%dma_start3A_227 : memref<10112x128xf32, #tpu.memory_space<vmem_shared>>) offsets(%dma_start3A_224 : memref<96xi32, #tpu.memory_space<vmem>>) semaphore(%run_scoped3A_221 : memref<!tpu.dma_semaphore, #tpu.memory_space<semaphore_mem>>) {add = true}
        %dma_wait3A_228 = arith.constant 0 : i32
        %dma_wait3A_229 = tpu.memref_slice %arg8[%add3A_188, %dma_wait3A_228] : memref<36x96xi32, #tpu.memory_space<vmem>> -> memref<1x96xi32, #tpu.memory_space<vmem>>
        %dma_wait3A_230 = tpu.memref_squeeze %dma_wait3A_229 : memref<1x96xi32, #tpu.memory_space<vmem>> -> memref<96xi32, #tpu.memory_space<vmem>>
        %dma_wait3A_231 = arith.constant 0 : i32
        %dma_wait3A_232 = arith.constant 0 : i32
        %dma_wait3A_233 = tpu.memref_slice %arg12[%dma_wait3A_231, %dma_wait3A_232] : memref<10112x128xf32, #tpu.memory_space<vmem_shared>> -> memref<10112x128xf32, #tpu.memory_space<vmem_shared>>
        tpu.wait_indirect_dma semaphore(%run_scoped3A_221 : memref<!tpu.dma_semaphore, #tpu.memory_space<semaphore_mem>>) src(%arg10 : memref<96x128xf32, #tpu.memory_space<vmem>>) dst(%dma_wait3A_233 : memref<10112x128xf32, #tpu.memory_space<vmem_shared>>)
        tpu.yield
      }) : () -> ()
      %add3A_195 = arith.constant 3 : i32
      %add3A_196 = arith.addi %add3A_188, %add3A_195 : i32
      %dma_start3A_197 = arith.constant 0 : i32
      %dma_start3A_198 = tpu.memref_slice %arg7[%add3A_196, %dma_start3A_197] : memref<36x96xi32, #tpu.memory_space<vmem>> -> memref<1x96xi32, #tpu.memory_space<vmem>>
      %dma_start3A_199 = tpu.memref_squeeze %dma_start3A_198 : memref<1x96xi32, #tpu.memory_space<vmem>> -> memref<96xi32, #tpu.memory_space<vmem>>
      %dma_start3A_200 = arith.constant 0 : i32
      %dma_start3A_201 = arith.constant 0 : i32
      %dma_start3A_202 = tpu.memref_slice %arg2[%dma_start3A_200, %dma_start3A_201] : memref<10000x128xf32, #tpu.memory_space<hbm>> -> memref<10000x128xf32, #tpu.memory_space<hbm>>
      tpu.enqueue_indirect_dma source(%dma_start3A_202 : memref<10000x128xf32, #tpu.memory_space<hbm>>) target(%arg10 : memref<96x128xf32, #tpu.memory_space<vmem>>) offsets(%dma_start3A_199 : memref<96xi32, #tpu.memory_space<vmem>>) semaphore(%arg14 : memref<!tpu.dma_semaphore, #tpu.memory_space<semaphore_mem>>)
      %mul3A_203 = arith.constant 3 : i32
      %mul3A_204 = arith.muli %mul3A_203, %scan3A_166 : i32
      %add3A_205 = arith.constant 2 : i32
      %add3A_206 = arith.addi %mul3A_204, %add3A_205 : i32
      %dma_wait3A_207 = arith.constant 0 : i32
      %dma_wait3A_208 = tpu.memref_slice %arg7[%add3A_206, %dma_wait3A_207] : memref<36x96xi32, #tpu.memory_space<vmem>> -> memref<1x96xi32, #tpu.memory_space<vmem>>
      %dma_wait3A_209 = tpu.memref_squeeze %dma_wait3A_208 : memref<1x96xi32, #tpu.memory_space<vmem>> -> memref<96xi32, #tpu.memory_space<vmem>>
      %dma_wait3A_210 = arith.constant 0 : i32
      %dma_wait3A_211 = arith.constant 0 : i32
      %dma_wait3A_212 = tpu.memref_slice %arg2[%dma_wait3A_210, %dma_wait3A_211] : memref<10000x128xf32, #tpu.memory_space<hbm>> -> memref<10000x128xf32, #tpu.memory_space<hbm>>
      tpu.wait_indirect_dma semaphore(%arg15 : memref<!tpu.dma_semaphore, #tpu.memory_space<semaphore_mem>>) src(%dma_wait3A_212 : memref<10000x128xf32, #tpu.memory_space<hbm>>) dst(%arg11 : memref<96x128xf32, #tpu.memory_space<vmem>>)
      "tpu.region"() ({
        %run_scoped3A_221 = tpu.sem_alloc : memref<!tpu.dma_semaphore, #tpu.memory_space<semaphore_mem>>
        %dma_start3A_222 = arith.constant 0 : i32
        %dma_start3A_223 = tpu.memref_slice %arg8[%add3A_206, %dma_start3A_222] : memref<36x96xi32, #tpu.memory_space<vmem>> -> memref<1x96xi32, #tpu.memory_space<vmem>>
        %dma_start3A_224 = tpu.memref_squeeze %dma_start3A_223 : memref<1x96xi32, #tpu.memory_space<vmem>> -> memref<96xi32, #tpu.memory_space<vmem>>
        %dma_start3A_225 = arith.constant 0 : i32
        %dma_start3A_226 = arith.constant 0 : i32
        %dma_start3A_227 = tpu.memref_slice %arg12[%dma_start3A_225, %dma_start3A_226] : memref<10112x128xf32, #tpu.memory_space<vmem_shared>> -> memref<10112x128xf32, #tpu.memory_space<vmem_shared>>
        tpu.enqueue_indirect_dma source(%arg11 : memref<96x128xf32, #tpu.memory_space<vmem>>) target(%dma_start3A_227 : memref<10112x128xf32, #tpu.memory_space<vmem_shared>>) offsets(%dma_start3A_224 : memref<96xi32, #tpu.memory_space<vmem>>) semaphore(%run_scoped3A_221 : memref<!tpu.dma_semaphore, #tpu.memory_space<semaphore_mem>>) {add = true}
        %dma_wait3A_228 = arith.constant 0 : i32
        %dma_wait3A_229 = tpu.memref_slice %arg8[%add3A_206, %dma_wait3A_228] : memref<36x96xi32, #tpu.memory_space<vmem>> -> memref<1x96xi32, #tpu.memory_space<vmem>>
        %dma_wait3A_230 = tpu.memref_squeeze %dma_wait3A_229 : memref<1x96xi32, #tpu.memory_space<vmem>> -> memref<96xi32, #tpu.memory_space<vmem>>
        %dma_wait3A_231 = arith.constant 0 : i32
        %dma_wait3A_232 = arith.constant 0 : i32
        %dma_wait3A_233 = tpu.memref_slice %arg12[%dma_wait3A_231, %dma_wait3A_232] : memref<10112x128xf32, #tpu.memory_space<vmem_shared>> -> memref<10112x128xf32, #tpu.memory_space<vmem_shared>>
        tpu.wait_indirect_dma semaphore(%run_scoped3A_221 : memref<!tpu.dma_semaphore, #tpu.memory_space<semaphore_mem>>) src(%arg11 : memref<96x128xf32, #tpu.memory_space<vmem>>) dst(%dma_wait3A_233 : memref<10112x128xf32, #tpu.memory_space<vmem_shared>>)
        tpu.yield
      }) : () -> ()
      %add3A_213 = arith.constant 3 : i32
      %add3A_214 = arith.addi %add3A_206, %add3A_213 : i32
      %dma_start3A_215 = arith.constant 0 : i32
      %dma_start3A_216 = tpu.memref_slice %arg7[%add3A_214, %dma_start3A_215] : memref<36x96xi32, #tpu.memory_space<vmem>> -> memref<1x96xi32, #tpu.memory_space<vmem>>
      %dma_start3A_217 = tpu.memref_squeeze %dma_start3A_216 : memref<1x96xi32, #tpu.memory_space<vmem>> -> memref<96xi32, #tpu.memory_space<vmem>>
      %dma_start3A_218 = arith.constant 0 : i32
      %dma_start3A_219 = arith.constant 0 : i32
      %dma_start3A_220 = tpu.memref_slice %arg2[%dma_start3A_218, %dma_start3A_219] : memref<10000x128xf32, #tpu.memory_space<hbm>> -> memref<10000x128xf32, #tpu.memory_space<hbm>>
      tpu.enqueue_indirect_dma source(%dma_start3A_220 : memref<10000x128xf32, #tpu.memory_space<hbm>>) target(%arg11 : memref<96x128xf32, #tpu.memory_space<vmem>>) offsets(%dma_start3A_217 : memref<96xi32, #tpu.memory_space<vmem>>) semaphore(%arg15 : memref<!tpu.dma_semaphore, #tpu.memory_space<semaphore_mem>>)
    }
    %scan3A_80 = arith.constant 11 : i32
    %dma_wait3A_81 = arith.constant 33 : i32
    %dma_wait3A_82 = arith.constant 0 : i32
    %dma_wait3A_83 = tpu.memref_slice %arg7[%dma_wait3A_81, %dma_wait3A_82] : memref<36x96xi32, #tpu.memory_space<vmem>> -> memref<1x96xi32, #tpu.memory_space<vmem>>
    %dma_wait3A_84 = tpu.memref_squeeze %dma_wait3A_83 : memref<1x96xi32, #tpu.memory_space<vmem>> -> memref<96xi32, #tpu.memory_space<vmem>>
    %dma_wait3A_85 = arith.constant 0 : i32
    %dma_wait3A_86 = arith.constant 0 : i32
    %dma_wait3A_87 = tpu.memref_slice %arg2[%dma_wait3A_85, %dma_wait3A_86] : memref<10000x128xf32, #tpu.memory_space<hbm>> -> memref<10000x128xf32, #tpu.memory_space<hbm>>
    tpu.wait_indirect_dma semaphore(%arg13 : memref<!tpu.dma_semaphore, #tpu.memory_space<semaphore_mem>>) src(%dma_wait3A_87 : memref<10000x128xf32, #tpu.memory_space<hbm>>) dst(%arg9 : memref<96x128xf32, #tpu.memory_space<vmem>>)
    %run_scoped3A_88 = arith.constant 33 : i32
    "tpu.region"() ({
      %run_scoped3A_166 = tpu.sem_alloc : memref<!tpu.dma_semaphore, #tpu.memory_space<semaphore_mem>>
      %dma_start3A_167 = arith.constant 0 : i32
      %dma_start3A_168 = tpu.memref_slice %arg8[%run_scoped3A_88, %dma_start3A_167] : memref<36x96xi32, #tpu.memory_space<vmem>> -> memref<1x96xi32, #tpu.memory_space<vmem>>
      %dma_start3A_169 = tpu.memref_squeeze %dma_start3A_168 : memref<1x96xi32, #tpu.memory_space<vmem>> -> memref<96xi32, #tpu.memory_space<vmem>>
      %dma_start3A_170 = arith.constant 0 : i32
      %dma_start3A_171 = arith.constant 0 : i32
      %dma_start3A_172 = tpu.memref_slice %arg12[%dma_start3A_170, %dma_start3A_171] : memref<10112x128xf32, #tpu.memory_space<vmem_shared>> -> memref<10112x128xf32, #tpu.memory_space<vmem_shared>>
      tpu.enqueue_indirect_dma source(%arg9 : memref<96x128xf32, #tpu.memory_space<vmem>>) target(%dma_start3A_172 : memref<10112x128xf32, #tpu.memory_space<vmem_shared>>) offsets(%dma_start3A_169 : memref<96xi32, #tpu.memory_space<vmem>>) semaphore(%run_scoped3A_166 : memref<!tpu.dma_semaphore, #tpu.memory_space<semaphore_mem>>) {add = true}
      %dma_wait3A_173 = arith.constant 0 : i32
      %dma_wait3A_174 = tpu.memref_slice %arg8[%run_scoped3A_88, %dma_wait3A_173] : memref<36x96xi32, #tpu.memory_space<vmem>> -> memref<1x96xi32, #tpu.memory_space<vmem>>
      %dma_wait3A_175 = tpu.memref_squeeze %dma_wait3A_174 : memref<1x96xi32, #tpu.memory_space<vmem>> -> memref<96xi32, #tpu.memory_space<vmem>>
      %dma_wait3A_176 = arith.constant 0 : i32
      %dma_wait3A_177 = arith.constant 0 : i32
      %dma_wait3A_178 = tpu.memref_slice %arg12[%dma_wait3A_176, %dma_wait3A_177] : memref<10112x128xf32, #tpu.memory_space<vmem_shared>> -> memref<10112x128xf32, #tpu.memory_space<vmem_shared>>
      tpu.wait_indirect_dma semaphore(%run_scoped3A_166 : memref<!tpu.dma_semaphore, #tpu.memory_space<semaphore_mem>>) src(%arg9 : memref<96x128xf32, #tpu.memory_space<vmem>>) dst(%dma_wait3A_178 : memref<10112x128xf32, #tpu.memory_space<vmem_shared>>)
      tpu.yield
    }) : () -> ()
    %dma_wait3A_89 = arith.constant 34 : i32
    %dma_wait3A_90 = arith.constant 0 : i32
    %dma_wait3A_91 = tpu.memref_slice %arg7[%dma_wait3A_89, %dma_wait3A_90] : memref<36x96xi32, #tpu.memory_space<vmem>> -> memref<1x96xi32, #tpu.memory_space<vmem>>
    %dma_wait3A_92 = tpu.memref_squeeze %dma_wait3A_91 : memref<1x96xi32, #tpu.memory_space<vmem>> -> memref<96xi32, #tpu.memory_space<vmem>>
    %dma_wait3A_93 = arith.constant 0 : i32
    %dma_wait3A_94 = arith.constant 0 : i32
    %dma_wait3A_95 = tpu.memref_slice %arg2[%dma_wait3A_93, %dma_wait3A_94] : memref<10000x128xf32, #tpu.memory_space<hbm>> -> memref<10000x128xf32, #tpu.memory_space<hbm>>
    tpu.wait_indirect_dma semaphore(%arg14 : memref<!tpu.dma_semaphore, #tpu.memory_space<semaphore_mem>>) src(%dma_wait3A_95 : memref<10000x128xf32, #tpu.memory_space<hbm>>) dst(%arg10 : memref<96x128xf32, #tpu.memory_space<vmem>>)
    %run_scoped3A_96 = arith.constant 34 : i32
    "tpu.region"() ({
      %run_scoped3A_166 = tpu.sem_alloc : memref<!tpu.dma_semaphore, #tpu.memory_space<semaphore_mem>>
      %dma_start3A_167 = arith.constant 0 : i32
      %dma_start3A_168 = tpu.memref_slice %arg8[%run_scoped3A_96, %dma_start3A_167] : memref<36x96xi32, #tpu.memory_space<vmem>> -> memref<1x96xi32, #tpu.memory_space<vmem>>
      %dma_start3A_169 = tpu.memref_squeeze %dma_start3A_168 : memref<1x96xi32, #tpu.memory_space<vmem>> -> memref<96xi32, #tpu.memory_space<vmem>>
      %dma_start3A_170 = arith.constant 0 : i32
      %dma_start3A_171 = arith.constant 0 : i32
      %dma_start3A_172 = tpu.memref_slice %arg12[%dma_start3A_170, %dma_start3A_171] : memref<10112x128xf32, #tpu.memory_space<vmem_shared>> -> memref<10112x128xf32, #tpu.memory_space<vmem_shared>>
      tpu.enqueue_indirect_dma source(%arg10 : memref<96x128xf32, #tpu.memory_space<vmem>>) target(%dma_start3A_172 : memref<10112x128xf32, #tpu.memory_space<vmem_shared>>) offsets(%dma_start3A_169 : memref<96xi32, #tpu.memory_space<vmem>>) semaphore(%run_scoped3A_166 : memref<!tpu.dma_semaphore, #tpu.memory_space<semaphore_mem>>) {add = true}
      %dma_wait3A_173 = arith.constant 0 : i32
      %dma_wait3A_174 = tpu.memref_slice %arg8[%run_scoped3A_96, %dma_wait3A_173] : memref<36x96xi32, #tpu.memory_space<vmem>> -> memref<1x96xi32, #tpu.memory_space<vmem>>
      %dma_wait3A_175 = tpu.memref_squeeze %dma_wait3A_174 : memref<1x96xi32, #tpu.memory_space<vmem>> -> memref<96xi32, #tpu.memory_space<vmem>>
      %dma_wait3A_176 = arith.constant 0 : i32
      %dma_wait3A_177 = arith.constant 0 : i32
      %dma_wait3A_178 = tpu.memref_slice %arg12[%dma_wait3A_176, %dma_wait3A_177] : memref<10112x128xf32, #tpu.memory_space<vmem_shared>> -> memref<10112x128xf32, #tpu.memory_space<vmem_shared>>
      tpu.wait_indirect_dma semaphore(%run_scoped3A_166 : memref<!tpu.dma_semaphore, #tpu.memory_space<semaphore_mem>>) src(%arg10 : memref<96x128xf32, #tpu.memory_space<vmem>>) dst(%dma_wait3A_178 : memref<10112x128xf32, #tpu.memory_space<vmem_shared>>)
      tpu.yield
    }) : () -> ()
    %dma_wait3A_97 = arith.constant 35 : i32
    %dma_wait3A_98 = arith.constant 0 : i32
    %dma_wait3A_99 = tpu.memref_slice %arg7[%dma_wait3A_97, %dma_wait3A_98] : memref<36x96xi32, #tpu.memory_space<vmem>> -> memref<1x96xi32, #tpu.memory_space<vmem>>
    %dma_wait3A_100 = tpu.memref_squeeze %dma_wait3A_99 : memref<1x96xi32, #tpu.memory_space<vmem>> -> memref<96xi32, #tpu.memory_space<vmem>>
    %dma_wait3A_101 = arith.constant 0 : i32
    %dma_wait3A_102 = arith.constant 0 : i32
    %dma_wait3A_103 = tpu.memref_slice %arg2[%dma_wait3A_101, %dma_wait3A_102] : memref<10000x128xf32, #tpu.memory_space<hbm>> -> memref<10000x128xf32, #tpu.memory_space<hbm>>
    tpu.wait_indirect_dma semaphore(%arg15 : memref<!tpu.dma_semaphore, #tpu.memory_space<semaphore_mem>>) src(%dma_wait3A_103 : memref<10000x128xf32, #tpu.memory_space<hbm>>) dst(%arg11 : memref<96x128xf32, #tpu.memory_space<vmem>>)
    %run_scoped3A_104 = arith.constant 35 : i32
    "tpu.region"() ({
      %run_scoped3A_166 = tpu.sem_alloc : memref<!tpu.dma_semaphore, #tpu.memory_space<semaphore_mem>>
      %dma_start3A_167 = arith.constant 0 : i32
      %dma_start3A_168 = tpu.memref_slice %arg8[%run_scoped3A_104, %dma_start3A_167] : memref<36x96xi32, #tpu.memory_space<vmem>> -> memref<1x96xi32, #tpu.memory_space<vmem>>
      %dma_start3A_169 = tpu.memref_squeeze %dma_start3A_168 : memref<1x96xi32, #tpu.memory_space<vmem>> -> memref<96xi32, #tpu.memory_space<vmem>>
      %dma_start3A_170 = arith.constant 0 : i32
      %dma_start3A_171 = arith.constant 0 : i32
      %dma_start3A_172 = tpu.memref_slice %arg12[%dma_start3A_170, %dma_start3A_171] : memref<10112x128xf32, #tpu.memory_space<vmem_shared>> -> memref<10112x128xf32, #tpu.memory_space<vmem_shared>>
      tpu.enqueue_indirect_dma source(%arg11 : memref<96x128xf32, #tpu.memory_space<vmem>>) target(%dma_start3A_172 : memref<10112x128xf32, #tpu.memory_space<vmem_shared>>) offsets(%dma_start3A_169 : memref<96xi32, #tpu.memory_space<vmem>>) semaphore(%run_scoped3A_166 : memref<!tpu.dma_semaphore, #tpu.memory_space<semaphore_mem>>) {add = true}
      %dma_wait3A_173 = arith.constant 0 : i32
      %dma_wait3A_174 = tpu.memref_slice %arg8[%run_scoped3A_104, %dma_wait3A_173] : memref<36x96xi32, #tpu.memory_space<vmem>> -> memref<1x96xi32, #tpu.memory_space<vmem>>
      %dma_wait3A_175 = tpu.memref_squeeze %dma_wait3A_174 : memref<1x96xi32, #tpu.memory_space<vmem>> -> memref<96xi32, #tpu.memory_space<vmem>>
      %dma_wait3A_176 = arith.constant 0 : i32
      %dma_wait3A_177 = arith.constant 0 : i32
      %dma_wait3A_178 = tpu.memref_slice %arg12[%dma_wait3A_176, %dma_wait3A_177] : memref<10112x128xf32, #tpu.memory_space<vmem_shared>> -> memref<10112x128xf32, #tpu.memory_space<vmem_shared>>
      tpu.wait_indirect_dma semaphore(%run_scoped3A_166 : memref<!tpu.dma_semaphore, #tpu.memory_space<semaphore_mem>>) src(%arg11 : memref<96x128xf32, #tpu.memory_space<vmem>>) dst(%dma_wait3A_178 : memref<10112x128xf32, #tpu.memory_space<vmem_shared>>)
      tpu.yield
    }) : () -> ()
    %run_scoped3A_105 = arith.constant 2 : i32
    "tpu.region"() ({
      %run_scoped3A_166 = tpu.sem_alloc : memref<!tpu.dma_semaphore, #tpu.memory_space<semaphore_mem>>
      %dma_start3A_167 = arith.constant 0 : i32
      %dma_start3A_168 = arith.constant 0 : i32
      %dma_start3A_169 = tpu.memref_slice %arg3[%add3A, %run_scoped3A_105, %dma_start3A_167, %dma_start3A_168] : memref<32x3x36x96xi32, #tpu.memory_space<hbm>> -> memref<1x1x36x96xi32, #tpu.memory_space<hbm>>
      %dma_start3A_170 = tpu.memref_squeeze %dma_start3A_169 : memref<1x1x36x96xi32, #tpu.memory_space<hbm>> -> memref<36x96xi32, #tpu.memory_space<hbm>>
      %dma_start3A_171 = arith.constant 0 : i32
      %dma_start3A_172 = arith.constant 0 : i32
      %dma_start3A_173 = tpu.memref_slice %arg3[%add3A, %run_scoped3A_105, %dma_start3A_171, %dma_start3A_172] : memref<32x3x36x96xi32, #tpu.memory_space<hbm>> -> memref<1x1x36x96xi32, #tpu.memory_space<hbm>>
      %dma_start3A_174 = tpu.memref_squeeze %dma_start3A_173 : memref<1x1x36x96xi32, #tpu.memory_space<hbm>> -> memref<36x96xi32, #tpu.memory_space<hbm>>
      tpu.enqueue_dma source(%dma_start3A_174 : memref<36x96xi32, #tpu.memory_space<hbm>>) target(%arg7 : memref<36x96xi32, #tpu.memory_space<vmem>>) target_semaphore(%run_scoped3A_166 : memref<!tpu.dma_semaphore, #tpu.memory_space<semaphore_mem>>)
      %dma_wait3A_175 = arith.constant 0 : i32
      %dma_wait3A_176 = arith.constant 0 : i32
      %dma_wait3A_177 = tpu.memref_slice %arg3[%add3A, %run_scoped3A_105, %dma_wait3A_175, %dma_wait3A_176] : memref<32x3x36x96xi32, #tpu.memory_space<hbm>> -> memref<1x1x36x96xi32, #tpu.memory_space<hbm>>
      %dma_wait3A_178 = tpu.memref_squeeze %dma_wait3A_177 : memref<1x1x36x96xi32, #tpu.memory_space<hbm>> -> memref<36x96xi32, #tpu.memory_space<hbm>>
      %dma_wait3A_179 = arith.constant 0 : i32
      %dma_wait3A_180 = arith.constant 0 : i32
      %dma_wait3A_181 = tpu.memref_slice %arg3[%add3A, %run_scoped3A_105, %dma_wait3A_179, %dma_wait3A_180] : memref<32x3x36x96xi32, #tpu.memory_space<hbm>> -> memref<1x1x36x96xi32, #tpu.memory_space<hbm>>
      %dma_wait3A_182 = tpu.memref_squeeze %dma_wait3A_181 : memref<1x1x36x96xi32, #tpu.memory_space<hbm>> -> memref<36x96xi32, #tpu.memory_space<hbm>>
      tpu.wait_dma2 semaphore(%run_scoped3A_166 : memref<!tpu.dma_semaphore, #tpu.memory_space<semaphore_mem>>) src(%dma_wait3A_182 : memref<36x96xi32, #tpu.memory_space<hbm>>) dst(%arg7 : memref<36x96xi32, #tpu.memory_space<vmem>>)
      tpu.yield
    }) : () -> ()
    %run_scoped3A_106 = arith.constant 2 : i32
    "tpu.region"() ({
      %run_scoped3A_166 = tpu.sem_alloc : memref<!tpu.dma_semaphore, #tpu.memory_space<semaphore_mem>>
      %dma_start3A_167 = arith.constant 0 : i32
      %dma_start3A_168 = arith.constant 0 : i32
      %dma_start3A_169 = tpu.memref_slice %arg4[%add3A, %run_scoped3A_106, %dma_start3A_167, %dma_start3A_168] : memref<32x3x36x96xi32, #tpu.memory_space<hbm>> -> memref<1x1x36x96xi32, #tpu.memory_space<hbm>>
      %dma_start3A_170 = tpu.memref_squeeze %dma_start3A_169 : memref<1x1x36x96xi32, #tpu.memory_space<hbm>> -> memref<36x96xi32, #tpu.memory_space<hbm>>
      %dma_start3A_171 = arith.constant 0 : i32
      %dma_start3A_172 = arith.constant 0 : i32
      %dma_start3A_173 = tpu.memref_slice %arg4[%add3A, %run_scoped3A_106, %dma_start3A_171, %dma_start3A_172] : memref<32x3x36x96xi32, #tpu.memory_space<hbm>> -> memref<1x1x36x96xi32, #tpu.memory_space<hbm>>
      %dma_start3A_174 = tpu.memref_squeeze %dma_start3A_173 : memref<1x1x36x96xi32, #tpu.memory_space<hbm>> -> memref<36x96xi32, #tpu.memory_space<hbm>>
      tpu.enqueue_dma source(%dma_start3A_174 : memref<36x96xi32, #tpu.memory_space<hbm>>) target(%arg8 : memref<36x96xi32, #tpu.memory_space<vmem>>) target_semaphore(%run_scoped3A_166 : memref<!tpu.dma_semaphore, #tpu.memory_space<semaphore_mem>>)
      %dma_wait3A_175 = arith.constant 0 : i32
      %dma_wait3A_176 = arith.constant 0 : i32
      %dma_wait3A_177 = tpu.memref_slice %arg4[%add3A, %run_scoped3A_106, %dma_wait3A_175, %dma_wait3A_176] : memref<32x3x36x96xi32, #tpu.memory_space<hbm>> -> memref<1x1x36x96xi32, #tpu.memory_space<hbm>>
      %dma_wait3A_178 = tpu.memref_squeeze %dma_wait3A_177 : memref<1x1x36x96xi32, #tpu.memory_space<hbm>> -> memref<36x96xi32, #tpu.memory_space<hbm>>
      %dma_wait3A_179 = arith.constant 0 : i32
      %dma_wait3A_180 = arith.constant 0 : i32
      %dma_wait3A_181 = tpu.memref_slice %arg4[%add3A, %run_scoped3A_106, %dma_wait3A_179, %dma_wait3A_180] : memref<32x3x36x96xi32, #tpu.memory_space<hbm>> -> memref<1x1x36x96xi32, #tpu.memory_space<hbm>>
      %dma_wait3A_182 = tpu.memref_squeeze %dma_wait3A_181 : memref<1x1x36x96xi32, #tpu.memory_space<hbm>> -> memref<36x96xi32, #tpu.memory_space<hbm>>
      tpu.wait_dma2 semaphore(%run_scoped3A_166 : memref<!tpu.dma_semaphore, #tpu.memory_space<semaphore_mem>>) src(%dma_wait3A_182 : memref<36x96xi32, #tpu.memory_space<hbm>>) dst(%arg8 : memref<36x96xi32, #tpu.memory_space<vmem>>)
      tpu.yield
    }) : () -> ()
    %dma_start3A_107 = arith.constant 0 : i32
    %dma_start3A_108 = arith.constant 0 : i32
    %dma_start3A_109 = tpu.memref_slice %arg7[%dma_start3A_107, %dma_start3A_108] : memref<36x96xi32, #tpu.memory_space<vmem>> -> memref<1x96xi32, #tpu.memory_space<vmem>>
    %dma_start3A_110 = tpu.memref_squeeze %dma_start3A_109 : memref<1x96xi32, #tpu.memory_space<vmem>> -> memref<96xi32, #tpu.memory_space<vmem>>
    %dma_start3A_111 = arith.constant 0 : i32
    %dma_start3A_112 = arith.constant 0 : i32
    %dma_start3A_113 = tpu.memref_slice %arg2[%dma_start3A_111, %dma_start3A_112] : memref<10000x128xf32, #tpu.memory_space<hbm>> -> memref<10000x128xf32, #tpu.memory_space<hbm>>
    tpu.enqueue_indirect_dma source(%dma_start3A_113 : memref<10000x128xf32, #tpu.memory_space<hbm>>) target(%arg9 : memref<96x128xf32, #tpu.memory_space<vmem>>) offsets(%dma_start3A_110 : memref<96xi32, #tpu.memory_space<vmem>>) semaphore(%arg13 : memref<!tpu.dma_semaphore, #tpu.memory_space<semaphore_mem>>)
    %dma_start3A_114 = arith.constant 1 : i32
    %dma_start3A_115 = arith.constant 0 : i32
    %dma_start3A_116 = tpu.memref_slice %arg7[%dma_start3A_114, %dma_start3A_115] : memref<36x96xi32, #tpu.memory_space<vmem>> -> memref<1x96xi32, #tpu.memory_space<vmem>>
    %dma_start3A_117 = tpu.memref_squeeze %dma_start3A_116 : memref<1x96xi32, #tpu.memory_space<vmem>> -> memref<96xi32, #tpu.memory_space<vmem>>
    %dma_start3A_118 = arith.constant 0 : i32
    %dma_start3A_119 = arith.constant 0 : i32
    %dma_start3A_120 = tpu.memref_slice %arg2[%dma_start3A_118, %dma_start3A_119] : memref<10000x128xf32, #tpu.memory_space<hbm>> -> memref<10000x128xf32, #tpu.memory_space<hbm>>
    tpu.enqueue_indirect_dma source(%dma_start3A_120 : memref<10000x128xf32, #tpu.memory_space<hbm>>) target(%arg10 : memref<96x128xf32, #tpu.memory_space<vmem>>) offsets(%dma_start3A_117 : memref<96xi32, #tpu.memory_space<vmem>>) semaphore(%arg14 : memref<!tpu.dma_semaphore, #tpu.memory_space<semaphore_mem>>)
    %dma_start3A_121 = arith.constant 2 : i32
    %dma_start3A_122 = arith.constant 0 : i32
    %dma_start3A_123 = tpu.memref_slice %arg7[%dma_start3A_121, %dma_start3A_122] : memref<36x96xi32, #tpu.memory_space<vmem>> -> memref<1x96xi32, #tpu.memory_space<vmem>>
    %dma_start3A_124 = tpu.memref_squeeze %dma_start3A_123 : memref<1x96xi32, #tpu.memory_space<vmem>> -> memref<96xi32, #tpu.memory_space<vmem>>
    %dma_start3A_125 = arith.constant 0 : i32
    %dma_start3A_126 = arith.constant 0 : i32
    %dma_start3A_127 = tpu.memref_slice %arg2[%dma_start3A_125, %dma_start3A_126] : memref<10000x128xf32, #tpu.memory_space<hbm>> -> memref<10000x128xf32, #tpu.memory_space<hbm>>
    tpu.enqueue_indirect_dma source(%dma_start3A_127 : memref<10000x128xf32, #tpu.memory_space<hbm>>) target(%arg11 : memref<96x128xf32, #tpu.memory_space<vmem>>) offsets(%dma_start3A_124 : memref<96xi32, #tpu.memory_space<vmem>>) semaphore(%arg15 : memref<!tpu.dma_semaphore, #tpu.memory_space<semaphore_mem>>)
    %scan3A_128 = arith.constant 0 : i32
    %scan3A_129 = arith.constant 0 : i32
    %scan3A_130 = arith.constant 11 : i32
    %scan3A_131 = arith.addi %scan3A_129, %scan3A_130 : i32
    %scan3A_132 = arith.constant 1 : i32
    scf.for %scan3A_166 = %scan3A_129 to %scan3A_131 step %scan3A_132  : i32 {
      %mul3A_167 = arith.constant 3 : i32
      %mul3A_168 = arith.muli %mul3A_167, %scan3A_166 : i32
      %add3A_169 = arith.constant 0 : i32
      %add3A_170 = arith.addi %mul3A_168, %add3A_169 : i32
      %dma_wait3A_171 = arith.constant 0 : i32
      %dma_wait3A_172 = tpu.memref_slice %arg7[%add3A_170, %dma_wait3A_171] : memref<36x96xi32, #tpu.memory_space<vmem>> -> memref<1x96xi32, #tpu.memory_space<vmem>>
      %dma_wait3A_173 = tpu.memref_squeeze %dma_wait3A_172 : memref<1x96xi32, #tpu.memory_space<vmem>> -> memref<96xi32, #tpu.memory_space<vmem>>
      %dma_wait3A_174 = arith.constant 0 : i32
      %dma_wait3A_175 = arith.constant 0 : i32
      %dma_wait3A_176 = tpu.memref_slice %arg2[%dma_wait3A_174, %dma_wait3A_175] : memref<10000x128xf32, #tpu.memory_space<hbm>> -> memref<10000x128xf32, #tpu.memory_space<hbm>>
      tpu.wait_indirect_dma semaphore(%arg13 : memref<!tpu.dma_semaphore, #tpu.memory_space<semaphore_mem>>) src(%dma_wait3A_176 : memref<10000x128xf32, #tpu.memory_space<hbm>>) dst(%arg9 : memref<96x128xf32, #tpu.memory_space<vmem>>)
      "tpu.region"() ({
        %run_scoped3A_221 = tpu.sem_alloc : memref<!tpu.dma_semaphore, #tpu.memory_space<semaphore_mem>>
        %dma_start3A_222 = arith.constant 0 : i32
        %dma_start3A_223 = tpu.memref_slice %arg8[%add3A_170, %dma_start3A_222] : memref<36x96xi32, #tpu.memory_space<vmem>> -> memref<1x96xi32, #tpu.memory_space<vmem>>
        %dma_start3A_224 = tpu.memref_squeeze %dma_start3A_223 : memref<1x96xi32, #tpu.memory_space<vmem>> -> memref<96xi32, #tpu.memory_space<vmem>>
        %dma_start3A_225 = arith.constant 0 : i32
        %dma_start3A_226 = arith.constant 0 : i32
        %dma_start3A_227 = tpu.memref_slice %arg12[%dma_start3A_225, %dma_start3A_226] : memref<10112x128xf32, #tpu.memory_space<vmem_shared>> -> memref<10112x128xf32, #tpu.memory_space<vmem_shared>>
        tpu.enqueue_indirect_dma source(%arg9 : memref<96x128xf32, #tpu.memory_space<vmem>>) target(%dma_start3A_227 : memref<10112x128xf32, #tpu.memory_space<vmem_shared>>) offsets(%dma_start3A_224 : memref<96xi32, #tpu.memory_space<vmem>>) semaphore(%run_scoped3A_221 : memref<!tpu.dma_semaphore, #tpu.memory_space<semaphore_mem>>) {add = true}
        %dma_wait3A_228 = arith.constant 0 : i32
        %dma_wait3A_229 = tpu.memref_slice %arg8[%add3A_170, %dma_wait3A_228] : memref<36x96xi32, #tpu.memory_space<vmem>> -> memref<1x96xi32, #tpu.memory_space<vmem>>
        %dma_wait3A_230 = tpu.memref_squeeze %dma_wait3A_229 : memref<1x96xi32, #tpu.memory_space<vmem>> -> memref<96xi32, #tpu.memory_space<vmem>>
        %dma_wait3A_231 = arith.constant 0 : i32
        %dma_wait3A_232 = arith.constant 0 : i32
        %dma_wait3A_233 = tpu.memref_slice %arg12[%dma_wait3A_231, %dma_wait3A_232] : memref<10112x128xf32, #tpu.memory_space<vmem_shared>> -> memref<10112x128xf32, #tpu.memory_space<vmem_shared>>
        tpu.wait_indirect_dma semaphore(%run_scoped3A_221 : memref<!tpu.dma_semaphore, #tpu.memory_space<semaphore_mem>>) src(%arg9 : memref<96x128xf32, #tpu.memory_space<vmem>>) dst(%dma_wait3A_233 : memref<10112x128xf32, #tpu.memory_space<vmem_shared>>)
        tpu.yield
      }) : () -> ()
      %add3A_177 = arith.constant 3 : i32
      %add3A_178 = arith.addi %add3A_170, %add3A_177 : i32
      %dma_start3A_179 = arith.constant 0 : i32
      %dma_start3A_180 = tpu.memref_slice %arg7[%add3A_178, %dma_start3A_179] : memref<36x96xi32, #tpu.memory_space<vmem>> -> memref<1x96xi32, #tpu.memory_space<vmem>>
      %dma_start3A_181 = tpu.memref_squeeze %dma_start3A_180 : memref<1x96xi32, #tpu.memory_space<vmem>> -> memref<96xi32, #tpu.memory_space<vmem>>
      %dma_start3A_182 = arith.constant 0 : i32
      %dma_start3A_183 = arith.constant 0 : i32
      %dma_start3A_184 = tpu.memref_slice %arg2[%dma_start3A_182, %dma_start3A_183] : memref<10000x128xf32, #tpu.memory_space<hbm>> -> memref<10000x128xf32, #tpu.memory_space<hbm>>
      tpu.enqueue_indirect_dma source(%dma_start3A_184 : memref<10000x128xf32, #tpu.memory_space<hbm>>) target(%arg9 : memref<96x128xf32, #tpu.memory_space<vmem>>) offsets(%dma_start3A_181 : memref<96xi32, #tpu.memory_space<vmem>>) semaphore(%arg13 : memref<!tpu.dma_semaphore, #tpu.memory_space<semaphore_mem>>)
      %mul3A_185 = arith.constant 3 : i32
      %mul3A_186 = arith.muli %mul3A_185, %scan3A_166 : i32
      %add3A_187 = arith.constant 1 : i32
      %add3A_188 = arith.addi %mul3A_186, %add3A_187 : i32
      %dma_wait3A_189 = arith.constant 0 : i32
      %dma_wait3A_190 = tpu.memref_slice %arg7[%add3A_188, %dma_wait3A_189] : memref<36x96xi32, #tpu.memory_space<vmem>> -> memref<1x96xi32, #tpu.memory_space<vmem>>
      %dma_wait3A_191 = tpu.memref_squeeze %dma_wait3A_190 : memref<1x96xi32, #tpu.memory_space<vmem>> -> memref<96xi32, #tpu.memory_space<vmem>>
      %dma_wait3A_192 = arith.constant 0 : i32
      %dma_wait3A_193 = arith.constant 0 : i32
      %dma_wait3A_194 = tpu.memref_slice %arg2[%dma_wait3A_192, %dma_wait3A_193] : memref<10000x128xf32, #tpu.memory_space<hbm>> -> memref<10000x128xf32, #tpu.memory_space<hbm>>
      tpu.wait_indirect_dma semaphore(%arg14 : memref<!tpu.dma_semaphore, #tpu.memory_space<semaphore_mem>>) src(%dma_wait3A_194 : memref<10000x128xf32, #tpu.memory_space<hbm>>) dst(%arg10 : memref<96x128xf32, #tpu.memory_space<vmem>>)
      "tpu.region"() ({
        %run_scoped3A_221 = tpu.sem_alloc : memref<!tpu.dma_semaphore, #tpu.memory_space<semaphore_mem>>
        %dma_start3A_222 = arith.constant 0 : i32
        %dma_start3A_223 = tpu.memref_slice %arg8[%add3A_188, %dma_start3A_222] : memref<36x96xi32, #tpu.memory_space<vmem>> -> memref<1x96xi32, #tpu.memory_space<vmem>>
        %dma_start3A_224 = tpu.memref_squeeze %dma_start3A_223 : memref<1x96xi32, #tpu.memory_space<vmem>> -> memref<96xi32, #tpu.memory_space<vmem>>
        %dma_start3A_225 = arith.constant 0 : i32
        %dma_start3A_226 = arith.constant 0 : i32
        %dma_start3A_227 = tpu.memref_slice %arg12[%dma_start3A_225, %dma_start3A_226] : memref<10112x128xf32, #tpu.memory_space<vmem_shared>> -> memref<10112x128xf32, #tpu.memory_space<vmem_shared>>
        tpu.enqueue_indirect_dma source(%arg10 : memref<96x128xf32, #tpu.memory_space<vmem>>) target(%dma_start3A_227 : memref<10112x128xf32, #tpu.memory_space<vmem_shared>>) offsets(%dma_start3A_224 : memref<96xi32, #tpu.memory_space<vmem>>) semaphore(%run_scoped3A_221 : memref<!tpu.dma_semaphore, #tpu.memory_space<semaphore_mem>>) {add = true}
        %dma_wait3A_228 = arith.constant 0 : i32
        %dma_wait3A_229 = tpu.memref_slice %arg8[%add3A_188, %dma_wait3A_228] : memref<36x96xi32, #tpu.memory_space<vmem>> -> memref<1x96xi32, #tpu.memory_space<vmem>>
        %dma_wait3A_230 = tpu.memref_squeeze %dma_wait3A_229 : memref<1x96xi32, #tpu.memory_space<vmem>> -> memref<96xi32, #tpu.memory_space<vmem>>
        %dma_wait3A_231 = arith.constant 0 : i32
        %dma_wait3A_232 = arith.constant 0 : i32
        %dma_wait3A_233 = tpu.memref_slice %arg12[%dma_wait3A_231, %dma_wait3A_232] : memref<10112x128xf32, #tpu.memory_space<vmem_shared>> -> memref<10112x128xf32, #tpu.memory_space<vmem_shared>>
        tpu.wait_indirect_dma semaphore(%run_scoped3A_221 : memref<!tpu.dma_semaphore, #tpu.memory_space<semaphore_mem>>) src(%arg10 : memref<96x128xf32, #tpu.memory_space<vmem>>) dst(%dma_wait3A_233 : memref<10112x128xf32, #tpu.memory_space<vmem_shared>>)
        tpu.yield
      }) : () -> ()
      %add3A_195 = arith.constant 3 : i32
      %add3A_196 = arith.addi %add3A_188, %add3A_195 : i32
      %dma_start3A_197 = arith.constant 0 : i32
      %dma_start3A_198 = tpu.memref_slice %arg7[%add3A_196, %dma_start3A_197] : memref<36x96xi32, #tpu.memory_space<vmem>> -> memref<1x96xi32, #tpu.memory_space<vmem>>
      %dma_start3A_199 = tpu.memref_squeeze %dma_start3A_198 : memref<1x96xi32, #tpu.memory_space<vmem>> -> memref<96xi32, #tpu.memory_space<vmem>>
      %dma_start3A_200 = arith.constant 0 : i32
      %dma_start3A_201 = arith.constant 0 : i32
      %dma_start3A_202 = tpu.memref_slice %arg2[%dma_start3A_200, %dma_start3A_201] : memref<10000x128xf32, #tpu.memory_space<hbm>> -> memref<10000x128xf32, #tpu.memory_space<hbm>>
      tpu.enqueue_indirect_dma source(%dma_start3A_202 : memref<10000x128xf32, #tpu.memory_space<hbm>>) target(%arg10 : memref<96x128xf32, #tpu.memory_space<vmem>>) offsets(%dma_start3A_199 : memref<96xi32, #tpu.memory_space<vmem>>) semaphore(%arg14 : memref<!tpu.dma_semaphore, #tpu.memory_space<semaphore_mem>>)
      %mul3A_203 = arith.constant 3 : i32
      %mul3A_204 = arith.muli %mul3A_203, %scan3A_166 : i32
      %add3A_205 = arith.constant 2 : i32
      %add3A_206 = arith.addi %mul3A_204, %add3A_205 : i32
      %dma_wait3A_207 = arith.constant 0 : i32
      %dma_wait3A_208 = tpu.memref_slice %arg7[%add3A_206, %dma_wait3A_207] : memref<36x96xi32, #tpu.memory_space<vmem>> -> memref<1x96xi32, #tpu.memory_space<vmem>>
      %dma_wait3A_209 = tpu.memref_squeeze %dma_wait3A_208 : memref<1x96xi32, #tpu.memory_space<vmem>> -> memref<96xi32, #tpu.memory_space<vmem>>
      %dma_wait3A_210 = arith.constant 0 : i32
      %dma_wait3A_211 = arith.constant 0 : i32
      %dma_wait3A_212 = tpu.memref_slice %arg2[%dma_wait3A_210, %dma_wait3A_211] : memref<10000x128xf32, #tpu.memory_space<hbm>> -> memref<10000x128xf32, #tpu.memory_space<hbm>>
      tpu.wait_indirect_dma semaphore(%arg15 : memref<!tpu.dma_semaphore, #tpu.memory_space<semaphore_mem>>) src(%dma_wait3A_212 : memref<10000x128xf32, #tpu.memory_space<hbm>>) dst(%arg11 : memref<96x128xf32, #tpu.memory_space<vmem>>)
      "tpu.region"() ({
        %run_scoped3A_221 = tpu.sem_alloc : memref<!tpu.dma_semaphore, #tpu.memory_space<semaphore_mem>>
        %dma_start3A_222 = arith.constant 0 : i32
        %dma_start3A_223 = tpu.memref_slice %arg8[%add3A_206, %dma_start3A_222] : memref<36x96xi32, #tpu.memory_space<vmem>> -> memref<1x96xi32, #tpu.memory_space<vmem>>
        %dma_start3A_224 = tpu.memref_squeeze %dma_start3A_223 : memref<1x96xi32, #tpu.memory_space<vmem>> -> memref<96xi32, #tpu.memory_space<vmem>>
        %dma_start3A_225 = arith.constant 0 : i32
        %dma_start3A_226 = arith.constant 0 : i32
        %dma_start3A_227 = tpu.memref_slice %arg12[%dma_start3A_225, %dma_start3A_226] : memref<10112x128xf32, #tpu.memory_space<vmem_shared>> -> memref<10112x128xf32, #tpu.memory_space<vmem_shared>>
        tpu.enqueue_indirect_dma source(%arg11 : memref<96x128xf32, #tpu.memory_space<vmem>>) target(%dma_start3A_227 : memref<10112x128xf32, #tpu.memory_space<vmem_shared>>) offsets(%dma_start3A_224 : memref<96xi32, #tpu.memory_space<vmem>>) semaphore(%run_scoped3A_221 : memref<!tpu.dma_semaphore, #tpu.memory_space<semaphore_mem>>) {add = true}
        %dma_wait3A_228 = arith.constant 0 : i32
        %dma_wait3A_229 = tpu.memref_slice %arg8[%add3A_206, %dma_wait3A_228] : memref<36x96xi32, #tpu.memory_space<vmem>> -> memref<1x96xi32, #tpu.memory_space<vmem>>
        %dma_wait3A_230 = tpu.memref_squeeze %dma_wait3A_229 : memref<1x96xi32, #tpu.memory_space<vmem>> -> memref<96xi32, #tpu.memory_space<vmem>>
        %dma_wait3A_231 = arith.constant 0 : i32
        %dma_wait3A_232 = arith.constant 0 : i32
        %dma_wait3A_233 = tpu.memref_slice %arg12[%dma_wait3A_231, %dma_wait3A_232] : memref<10112x128xf32, #tpu.memory_space<vmem_shared>> -> memref<10112x128xf32, #tpu.memory_space<vmem_shared>>
        tpu.wait_indirect_dma semaphore(%run_scoped3A_221 : memref<!tpu.dma_semaphore, #tpu.memory_space<semaphore_mem>>) src(%arg11 : memref<96x128xf32, #tpu.memory_space<vmem>>) dst(%dma_wait3A_233 : memref<10112x128xf32, #tpu.memory_space<vmem_shared>>)
        tpu.yield
      }) : () -> ()
      %add3A_213 = arith.constant 3 : i32
      %add3A_214 = arith.addi %add3A_206, %add3A_213 : i32
      %dma_start3A_215 = arith.constant 0 : i32
      %dma_start3A_216 = tpu.memref_slice %arg7[%add3A_214, %dma_start3A_215] : memref<36x96xi32, #tpu.memory_space<vmem>> -> memref<1x96xi32, #tpu.memory_space<vmem>>
      %dma_start3A_217 = tpu.memref_squeeze %dma_start3A_216 : memref<1x96xi32, #tpu.memory_space<vmem>> -> memref<96xi32, #tpu.memory_space<vmem>>
      %dma_start3A_218 = arith.constant 0 : i32
      %dma_start3A_219 = arith.constant 0 : i32
      %dma_start3A_220 = tpu.memref_slice %arg2[%dma_start3A_218, %dma_start3A_219] : memref<10000x128xf32, #tpu.memory_space<hbm>> -> memref<10000x128xf32, #tpu.memory_space<hbm>>
      tpu.enqueue_indirect_dma source(%dma_start3A_220 : memref<10000x128xf32, #tpu.memory_space<hbm>>) target(%arg11 : memref<96x128xf32, #tpu.memory_space<vmem>>) offsets(%dma_start3A_217 : memref<96xi32, #tpu.memory_space<vmem>>) semaphore(%arg15 : memref<!tpu.dma_semaphore, #tpu.memory_space<semaphore_mem>>)
    }
    %scan3A_133 = arith.constant 11 : i32
    %dma_wait3A_134 = arith.constant 33 : i32
    %dma_wait3A_135 = arith.constant 0 : i32
    %dma_wait3A_136 = tpu.memref_slice %arg7[%dma_wait3A_134, %dma_wait3A_135] : memref<36x96xi32, #tpu.memory_space<vmem>> -> memref<1x96xi32, #tpu.memory_space<vmem>>
    %dma_wait3A_137 = tpu.memref_squeeze %dma_wait3A_136 : memref<1x96xi32, #tpu.memory_space<vmem>> -> memref<96xi32, #tpu.memory_space<vmem>>
    %dma_wait3A_138 = arith.constant 0 : i32
    %dma_wait3A_139 = arith.constant 0 : i32
    %dma_wait3A_140 = tpu.memref_slice %arg2[%dma_wait3A_138, %dma_wait3A_139] : memref<10000x128xf32, #tpu.memory_space<hbm>> -> memref<10000x128xf32, #tpu.memory_space<hbm>>
    tpu.wait_indirect_dma semaphore(%arg13 : memref<!tpu.dma_semaphore, #tpu.memory_space<semaphore_mem>>) src(%dma_wait3A_140 : memref<10000x128xf32, #tpu.memory_space<hbm>>) dst(%arg9 : memref<96x128xf32, #tpu.memory_space<vmem>>)
    %run_scoped3A_141 = arith.constant 33 : i32
    "tpu.region"() ({
      %run_scoped3A_166 = tpu.sem_alloc : memref<!tpu.dma_semaphore, #tpu.memory_space<semaphore_mem>>
      %dma_start3A_167 = arith.constant 0 : i32
      %dma_start3A_168 = tpu.memref_slice %arg8[%run_scoped3A_141, %dma_start3A_167] : memref<36x96xi32, #tpu.memory_space<vmem>> -> memref<1x96xi32, #tpu.memory_space<vmem>>
      %dma_start3A_169 = tpu.memref_squeeze %dma_start3A_168 : memref<1x96xi32, #tpu.memory_space<vmem>> -> memref<96xi32, #tpu.memory_space<vmem>>
      %dma_start3A_170 = arith.constant 0 : i32
      %dma_start3A_171 = arith.constant 0 : i32
      %dma_start3A_172 = tpu.memref_slice %arg12[%dma_start3A_170, %dma_start3A_171] : memref<10112x128xf32, #tpu.memory_space<vmem_shared>> -> memref<10112x128xf32, #tpu.memory_space<vmem_shared>>
      tpu.enqueue_indirect_dma source(%arg9 : memref<96x128xf32, #tpu.memory_space<vmem>>) target(%dma_start3A_172 : memref<10112x128xf32, #tpu.memory_space<vmem_shared>>) offsets(%dma_start3A_169 : memref<96xi32, #tpu.memory_space<vmem>>) semaphore(%run_scoped3A_166 : memref<!tpu.dma_semaphore, #tpu.memory_space<semaphore_mem>>) {add = true}
      %dma_wait3A_173 = arith.constant 0 : i32
      %dma_wait3A_174 = tpu.memref_slice %arg8[%run_scoped3A_141, %dma_wait3A_173] : memref<36x96xi32, #tpu.memory_space<vmem>> -> memref<1x96xi32, #tpu.memory_space<vmem>>
      %dma_wait3A_175 = tpu.memref_squeeze %dma_wait3A_174 : memref<1x96xi32, #tpu.memory_space<vmem>> -> memref<96xi32, #tpu.memory_space<vmem>>
      %dma_wait3A_176 = arith.constant 0 : i32
      %dma_wait3A_177 = arith.constant 0 : i32
      %dma_wait3A_178 = tpu.memref_slice %arg12[%dma_wait3A_176, %dma_wait3A_177] : memref<10112x128xf32, #tpu.memory_space<vmem_shared>> -> memref<10112x128xf32, #tpu.memory_space<vmem_shared>>
      tpu.wait_indirect_dma semaphore(%run_scoped3A_166 : memref<!tpu.dma_semaphore, #tpu.memory_space<semaphore_mem>>) src(%arg9 : memref<96x128xf32, #tpu.memory_space<vmem>>) dst(%dma_wait3A_178 : memref<10112x128xf32, #tpu.memory_space<vmem_shared>>)
      tpu.yield
    }) : () -> ()
    %dma_wait3A_142 = arith.constant 34 : i32
    %dma_wait3A_143 = arith.constant 0 : i32
    %dma_wait3A_144 = tpu.memref_slice %arg7[%dma_wait3A_142, %dma_wait3A_143] : memref<36x96xi32, #tpu.memory_space<vmem>> -> memref<1x96xi32, #tpu.memory_space<vmem>>
    %dma_wait3A_145 = tpu.memref_squeeze %dma_wait3A_144 : memref<1x96xi32, #tpu.memory_space<vmem>> -> memref<96xi32, #tpu.memory_space<vmem>>
    %dma_wait3A_146 = arith.constant 0 : i32
    %dma_wait3A_147 = arith.constant 0 : i32
    %dma_wait3A_148 = tpu.memref_slice %arg2[%dma_wait3A_146, %dma_wait3A_147] : memref<10000x128xf32, #tpu.memory_space<hbm>> -> memref<10000x128xf32, #tpu.memory_space<hbm>>
    tpu.wait_indirect_dma semaphore(%arg14 : memref<!tpu.dma_semaphore, #tpu.memory_space<semaphore_mem>>) src(%dma_wait3A_148 : memref<10000x128xf32, #tpu.memory_space<hbm>>) dst(%arg10 : memref<96x128xf32, #tpu.memory_space<vmem>>)
    %run_scoped3A_149 = arith.constant 34 : i32
    "tpu.region"() ({
      %run_scoped3A_166 = tpu.sem_alloc : memref<!tpu.dma_semaphore, #tpu.memory_space<semaphore_mem>>
      %dma_start3A_167 = arith.constant 0 : i32
      %dma_start3A_168 = tpu.memref_slice %arg8[%run_scoped3A_149, %dma_start3A_167] : memref<36x96xi32, #tpu.memory_space<vmem>> -> memref<1x96xi32, #tpu.memory_space<vmem>>
      %dma_start3A_169 = tpu.memref_squeeze %dma_start3A_168 : memref<1x96xi32, #tpu.memory_space<vmem>> -> memref<96xi32, #tpu.memory_space<vmem>>
      %dma_start3A_170 = arith.constant 0 : i32
      %dma_start3A_171 = arith.constant 0 : i32
      %dma_start3A_172 = tpu.memref_slice %arg12[%dma_start3A_170, %dma_start3A_171] : memref<10112x128xf32, #tpu.memory_space<vmem_shared>> -> memref<10112x128xf32, #tpu.memory_space<vmem_shared>>
      tpu.enqueue_indirect_dma source(%arg10 : memref<96x128xf32, #tpu.memory_space<vmem>>) target(%dma_start3A_172 : memref<10112x128xf32, #tpu.memory_space<vmem_shared>>) offsets(%dma_start3A_169 : memref<96xi32, #tpu.memory_space<vmem>>) semaphore(%run_scoped3A_166 : memref<!tpu.dma_semaphore, #tpu.memory_space<semaphore_mem>>) {add = true}
      %dma_wait3A_173 = arith.constant 0 : i32
      %dma_wait3A_174 = tpu.memref_slice %arg8[%run_scoped3A_149, %dma_wait3A_173] : memref<36x96xi32, #tpu.memory_space<vmem>> -> memref<1x96xi32, #tpu.memory_space<vmem>>
      %dma_wait3A_175 = tpu.memref_squeeze %dma_wait3A_174 : memref<1x96xi32, #tpu.memory_space<vmem>> -> memref<96xi32, #tpu.memory_space<vmem>>
      %dma_wait3A_176 = arith.constant 0 : i32
      %dma_wait3A_177 = arith.constant 0 : i32
      %dma_wait3A_178 = tpu.memref_slice %arg12[%dma_wait3A_176, %dma_wait3A_177] : memref<10112x128xf32, #tpu.memory_space<vmem_shared>> -> memref<10112x128xf32, #tpu.memory_space<vmem_shared>>
      tpu.wait_indirect_dma semaphore(%run_scoped3A_166 : memref<!tpu.dma_semaphore, #tpu.memory_space<semaphore_mem>>) src(%arg10 : memref<96x128xf32, #tpu.memory_space<vmem>>) dst(%dma_wait3A_178 : memref<10112x128xf32, #tpu.memory_space<vmem_shared>>)
      tpu.yield
    }) : () -> ()
    %dma_wait3A_150 = arith.constant 35 : i32
    %dma_wait3A_151 = arith.constant 0 : i32
    %dma_wait3A_152 = tpu.memref_slice %arg7[%dma_wait3A_150, %dma_wait3A_151] : memref<36x96xi32, #tpu.memory_space<vmem>> -> memref<1x96xi32, #tpu.memory_space<vmem>>
    %dma_wait3A_153 = tpu.memref_squeeze %dma_wait3A_152 : memref<1x96xi32, #tpu.memory_space<vmem>> -> memref<96xi32, #tpu.memory_space<vmem>>
    %dma_wait3A_154 = arith.constant 0 : i32
    %dma_wait3A_155 = arith.constant 0 : i32
    %dma_wait3A_156 = tpu.memref_slice %arg2[%dma_wait3A_154, %dma_wait3A_155] : memref<10000x128xf32, #tpu.memory_space<hbm>> -> memref<10000x128xf32, #tpu.memory_space<hbm>>
    tpu.wait_indirect_dma semaphore(%arg15 : memref<!tpu.dma_semaphore, #tpu.memory_space<semaphore_mem>>) src(%dma_wait3A_156 : memref<10000x128xf32, #tpu.memory_space<hbm>>) dst(%arg11 : memref<96x128xf32, #tpu.memory_space<vmem>>)
    %run_scoped3A_157 = arith.constant 35 : i32
    "tpu.region"() ({
      %run_scoped3A_166 = tpu.sem_alloc : memref<!tpu.dma_semaphore, #tpu.memory_space<semaphore_mem>>
      %dma_start3A_167 = arith.constant 0 : i32
      %dma_start3A_168 = tpu.memref_slice %arg8[%run_scoped3A_157, %dma_start3A_167] : memref<36x96xi32, #tpu.memory_space<vmem>> -> memref<1x96xi32, #tpu.memory_space<vmem>>
      %dma_start3A_169 = tpu.memref_squeeze %dma_start3A_168 : memref<1x96xi32, #tpu.memory_space<vmem>> -> memref<96xi32, #tpu.memory_space<vmem>>
      %dma_start3A_170 = arith.constant 0 : i32
      %dma_start3A_171 = arith.constant 0 : i32
      %dma_start3A_172 = tpu.memref_slice %arg12[%dma_start3A_170, %dma_start3A_171] : memref<10112x128xf32, #tpu.memory_space<vmem_shared>> -> memref<10112x128xf32, #tpu.memory_space<vmem_shared>>
      tpu.enqueue_indirect_dma source(%arg11 : memref<96x128xf32, #tpu.memory_space<vmem>>) target(%dma_start3A_172 : memref<10112x128xf32, #tpu.memory_space<vmem_shared>>) offsets(%dma_start3A_169 : memref<96xi32, #tpu.memory_space<vmem>>) semaphore(%run_scoped3A_166 : memref<!tpu.dma_semaphore, #tpu.memory_space<semaphore_mem>>) {add = true}
      %dma_wait3A_173 = arith.constant 0 : i32
      %dma_wait3A_174 = tpu.memref_slice %arg8[%run_scoped3A_157, %dma_wait3A_173] : memref<36x96xi32, #tpu.memory_space<vmem>> -> memref<1x96xi32, #tpu.memory_space<vmem>>
      %dma_wait3A_175 = tpu.memref_squeeze %dma_wait3A_174 : memref<1x96xi32, #tpu.memory_space<vmem>> -> memref<96xi32, #tpu.memory_space<vmem>>
      %dma_wait3A_176 = arith.constant 0 : i32
      %dma_wait3A_177 = arith.constant 0 : i32
      %dma_wait3A_178 = tpu.memref_slice %arg12[%dma_wait3A_176, %dma_wait3A_177] : memref<10112x128xf32, #tpu.memory_space<vmem_shared>> -> memref<10112x128xf32, #tpu.memory_space<vmem_shared>>
      tpu.wait_indirect_dma semaphore(%run_scoped3A_166 : memref<!tpu.dma_semaphore, #tpu.memory_space<semaphore_mem>>) src(%arg11 : memref<96x128xf32, #tpu.memory_space<vmem>>) dst(%dma_wait3A_178 : memref<10112x128xf32, #tpu.memory_space<vmem_shared>>)
      tpu.yield
    }) : () -> ()
    %barrier3A_158 = arith.constant 0 : index
    tpu.barrier barrier_id(%barrier3A_158)
    %mul3A_159 = arith.constant 632 : i32
    %mul3A_160 = arith.muli %arg1, %mul3A_159 : i32
    %mul3A_161 = arith.constant 16 : i32
    %mul3A_162 = arith.muli %arg0, %mul3A_161 : i32
    %add3A_163 = arith.addi %mul3A_162, %arg1 : i32
    %mul3A_164 = arith.constant 632 : i32
    %mul3A_165 = arith.muli %add3A_163, %mul3A_164 : i32
    "tpu.region"() ({
      %run_scoped3A_166 = tpu.sem_alloc : memref<!tpu.dma_semaphore, #tpu.memory_space<semaphore_mem>>
      %dma_start3A_167 = arith.constant 0 : i32
      %dma_start3A_168 = tpu.memref_slice %arg6[%mul3A_165, %dma_start3A_167] : memref<20224x128xf32, #tpu.memory_space<hbm>> -> memref<632x128xf32, #tpu.memory_space<hbm>>
      %dma_start3A_169 = arith.constant 0 : i32
      %dma_start3A_170 = tpu.memref_slice %arg12[%mul3A_160, %dma_start3A_169] : memref<10112x128xf32, #tpu.memory_space<vmem_shared>> -> memref<632x128xf32, #tpu.memory_space<vmem_shared>>
      tpu.enqueue_dma source(%dma_start3A_170 : memref<632x128xf32, #tpu.memory_space<vmem_shared>>) target(%dma_start3A_168 : memref<632x128xf32, #tpu.memory_space<hbm>>) target_semaphore(%run_scoped3A_166 : memref<!tpu.dma_semaphore, #tpu.memory_space<semaphore_mem>>)
      %dma_wait3A_171 = arith.constant 0 : i32
      %dma_wait3A_172 = tpu.memref_slice %arg6[%mul3A_165, %dma_wait3A_171] : memref<20224x128xf32, #tpu.memory_space<hbm>> -> memref<632x128xf32, #tpu.memory_space<hbm>>
      %dma_wait3A_173 = arith.constant 0 : i32
      %dma_wait3A_174 = tpu.memref_slice %arg12[%mul3A_160, %dma_wait3A_173] : memref<10112x128xf32, #tpu.memory_space<vmem_shared>> -> memref<632x128xf32, #tpu.memory_space<vmem_shared>>
      tpu.wait_dma2 semaphore(%run_scoped3A_166 : memref<!tpu.dma_semaphore, #tpu.memory_space<semaphore_mem>>) src(%dma_wait3A_174 : memref<632x128xf32, #tpu.memory_space<vmem_shared>>) dst(%dma_wait3A_172 : memref<632x128xf32, #tpu.memory_space<hbm>>)
      tpu.yield
    }) : () -> ()
    return
  }
}

module attributes {stable_mosaic.version = 14 : i64} {
  func.func @_scale_body(%arg0: i32, %arg1: memref<1000x128xf32, #tpu.memory_space<vmem>>, %arg2: memref<1000x1xf32, #tpu.memory_space<vmem>>, %arg3: memref<1000x128xf32, #tpu.memory_space<vmem>>) attributes {dimension_semantics = [#tpu.dimension_semantics<arbitrary>], iteration_bounds = array<i64: 10>, scalar_prefetch = 0 : i64, scratch_operands = 0 : i64, tpu.core_type = #tpu.core_type<tc>, window_params = [{transform_indices = @transform_0, window_bounds = array<i64: 1000, 128>}, {transform_indices = @transform_1, window_bounds = array<i64: 1000, 1>}, {transform_indices = @transform_2, window_bounds = array<i64: 1000, 128>}]} {
    %get3A = arith.constant 0 : index
    %get3A_0 = arith.constant 0 : index
    %get3A_1 = vector.load %arg1[%get3A, %get3A_0] : memref<1000x128xf32, #tpu.memory_space<vmem>>, vector<1000x128xf32>
    %get3A_2 = arith.constant 0 : index
    %get3A_3 = arith.constant 0 : index
    %get3A_4 = vector.load %arg2[%get3A_2, %get3A_3] : memref<1000x1xf32, #tpu.memory_space<vmem>>, vector<1000x1xf32>
    %sqrt3A = math.sqrt %get3A_4 : vector<1000x1xf32>
    %mul3A = vector.broadcast %sqrt3A : vector<1000x1xf32> to vector<1000x128xf32>
    %mul3A_5 = arith.mulf %get3A_1, %mul3A : vector<1000x128xf32>
    %swap3A = arith.constant 0 : index
    %swap3A_6 = arith.constant 0 : index
    %swap3A_7 = vector.load %arg3[%swap3A, %swap3A_6] : memref<1000x128xf32, #tpu.memory_space<vmem>>, vector<1000x128xf32>
    tpu.vector_store %arg3[%swap3A, %swap3A_6], %mul3A_5 {strides = array<i32>} : memref<1000x128xf32, #tpu.memory_space<vmem>>, vector<1000x128xf32>,
    return
  }
  func.func @transform_0(%arg0: i32) -> (i32, i32) {
    %c0_i32 = arith.constant 0 : i32
    %c0_i32_0 = arith.constant 0 : i32
    return %arg0, %c0_i32 : i32, i32
  }
  func.func @transform_1(%arg0: i32) -> (i32, i32) {
    %c0_i32 = arith.constant 0 : i32
    %c0_i32_0 = arith.constant 0 : i32
    return %arg0, %c0_i32 : i32, i32
  }
  func.func @transform_2(%arg0: i32) -> (i32, i32) {
    %c0_i32 = arith.constant 0 : i32
    %c0_i32_0 = arith.constant 0 : i32
    return %arg0, %c0_i32 : i32, i32
  }
}

module attributes {stable_mosaic.version = 14 : i64} {
  func.func @_layer_body(%arg0: i32, %arg1: memref<1x1000x128xf32, #tpu.memory_space<vmem>>, %arg2: memref<1x1000x128xf32, #tpu.memory_space<vmem>>, %arg3: memref<1000x1xf32, #tpu.memory_space<vmem>>, %arg4: memref<128x128xf32, #tpu.memory_space<vmem>>, %arg5: memref<1x128xf32, #tpu.memory_space<vmem>>, %arg6: memref<1000x128xf32, #tpu.memory_space<vmem>>) attributes {dimension_semantics = [#tpu.dimension_semantics<arbitrary>], iteration_bounds = array<i64: 10>, scalar_prefetch = 0 : i64, scratch_operands = 0 : i64, tpu.core_type = #tpu.core_type<tc>, window_params = [{transform_indices = @transform_0, window_bounds = array<i64: 1, 1000, 128>}, {transform_indices = @transform_1, window_bounds = array<i64: 1, 1000, 128>}, {transform_indices = @transform_2, window_bounds = array<i64: 1000, 1>}, {pipeline_mode = #tpu.pipeline_mode<synchronous>, transform_indices = @transform_3, window_bounds = array<i64: 128, 128>}, {pipeline_mode = #tpu.pipeline_mode<synchronous>, transform_indices = @transform_4, window_bounds = array<i64: 1, 128>}, {transform_indices = @transform_5, window_bounds = array<i64: 1000, 128>}]} {
    %get3A = arith.constant 0 : index
    %get3A_0 = arith.constant 0 : index
    %get3A_1 = vector.load %arg3[%get3A, %get3A_0] : memref<1000x1xf32, #tpu.memory_space<vmem>>, vector<1000x1xf32>
    %sqrt3A = math.sqrt %get3A_1 : vector<1000x1xf32>
    %get3A_2 = arith.constant 0 : index
    %get3A_3 = arith.constant 0 : index
    %get3A_4 = arith.constant 0 : index
    %get3A_5 = vector.load %arg1[%get3A_2, %get3A_3, %get3A_4] : memref<1x1000x128xf32, #tpu.memory_space<vmem>>, vector<1x1000x128xf32>
    %get3A_6 = vector.shape_cast %get3A_5 : vector<1x1000x128xf32> to vector<1000x128xf32>
    %get3A_7 = arith.constant 0 : index
    %get3A_8 = arith.constant 0 : index
    %get3A_9 = arith.constant 0 : index
    %get3A_10 = vector.load %arg2[%get3A_7, %get3A_8, %get3A_9] : memref<1x1000x128xf32, #tpu.memory_space<vmem>>, vector<1x1000x128xf32>
    %get3A_11 = vector.shape_cast %get3A_10 : vector<1x1000x128xf32> to vector<1000x128xf32>
    %add3A = arith.addf %get3A_6, %get3A_11 : vector<1000x128xf32>
    %mul3A = vector.broadcast %sqrt3A : vector<1000x1xf32> to vector<1000x128xf32>
    %mul3A_12 = arith.mulf %add3A, %mul3A : vector<1000x128xf32>
    %get3A_13 = arith.constant 0 : index
    %get3A_14 = arith.constant 0 : index
    %get3A_15 = vector.load %arg4[%get3A_13, %get3A_14] : memref<128x128xf32, #tpu.memory_space<vmem>>, vector<128x128xf32>
    %dot_general3A = arith.constant dense<0.000000e+00> : vector<1000x128xf32>
    %dot_general3A_16 = tpu.matmul %mul3A_12, %get3A_15, %dot_general3A {dimension_numbers = #tpu.dot_dimension_numbers<[1], [0], [0], [1], [0, 0, 1, 1], [], []>, transpose_lhs_hint = false} : vector<1000x128xf32>, vector<128x128xf32>, vector<1000x128xf32> -> vector<1000x128xf32>
    %get3A_17 = arith.constant 0 : index
    %get3A_18 = arith.constant 0 : index
    %get3A_19 = vector.load %arg5[%get3A_17, %get3A_18] : memref<1x128xf32, #tpu.memory_space<vmem>>, vector<1x128xf32>
    %add3A_20 = vector.broadcast %get3A_19 : vector<1x128xf32> to vector<1000x128xf32>
    %add3A_21 = arith.addf %dot_general3A_16, %add3A_20 : vector<1000x128xf32>
    %max3A = arith.constant 0.000000e+00 : f32
    %max3A_22 = vector.broadcast %max3A : f32 to vector<1000x128xf32>
    %max3A_23 = arith.maximumf %add3A_21, %max3A_22 : vector<1000x128xf32>
    %mul3A_24 = vector.broadcast %sqrt3A : vector<1000x1xf32> to vector<1000x128xf32>
    %mul3A_25 = arith.mulf %max3A_23, %mul3A_24 : vector<1000x128xf32>
    %swap3A = arith.constant 0 : index
    %swap3A_26 = arith.constant 0 : index
    %swap3A_27 = vector.load %arg6[%swap3A, %swap3A_26] : memref<1000x128xf32, #tpu.memory_space<vmem>>, vector<1000x128xf32>
    tpu.vector_store %arg6[%swap3A, %swap3A_26], %mul3A_25 {strides = array<i32>} : memref<1000x128xf32, #tpu.memory_space<vmem>>, vector<1000x128xf32>,
    return
  }
  func.func @transform_0(%arg0: i32) -> (i32, i32, i32) {
    %c0_i32 = arith.constant 0 : i32
    %c0_i32_0 = arith.constant 0 : i32
    %c0_i32_1 = arith.constant 0 : i32
    return %c0_i32, %arg0, %c0_i32_0 : i32, i32, i32
  }
  func.func @transform_1(%arg0: i32) -> (i32, i32, i32) {
    %c1_i32 = arith.constant 1 : i32
    %c0_i32 = arith.constant 0 : i32
    %c0_i32_0 = arith.constant 0 : i32
    return %c1_i32, %arg0, %c0_i32 : i32, i32, i32
  }
  func.func @transform_2(%arg0: i32) -> (i32, i32) {
    %c0_i32 = arith.constant 0 : i32
    %c0_i32_0 = arith.constant 0 : i32
    return %arg0, %c0_i32 : i32, i32
  }
  func.func @transform_3(%arg0: i32) -> (i32, i32) {
    %c0_i32 = arith.constant 0 : i32
    %c0_i32_0 = arith.constant 0 : i32
    %c0_i32_1 = arith.constant 0 : i32
    return %c0_i32, %c0_i32_0 : i32, i32
  }
  func.func @transform_4(%arg0: i32) -> (i32, i32) {
    %c0_i32 = arith.constant 0 : i32
    %c0_i32_0 = arith.constant 0 : i32
    %c0_i32_1 = arith.constant 0 : i32
    return %c0_i32, %c0_i32_0 : i32, i32
  }
  func.func @transform_5(%arg0: i32) -> (i32, i32) {
    %c0_i32 = arith.constant 0 : i32
    %c0_i32_0 = arith.constant 0 : i32
    return %arg0, %c0_i32 : i32, i32
  }
}

module attributes {stable_mosaic.version = 14 : i64} {
  func.func @_layer_body(%arg0: i32, %arg1: memref<1x1000x128xf32, #tpu.memory_space<vmem>>, %arg2: memref<1x1000x128xf32, #tpu.memory_space<vmem>>, %arg3: memref<1000x1xf32, #tpu.memory_space<vmem>>, %arg4: memref<128x128xf32, #tpu.memory_space<vmem>>, %arg5: memref<1x128xf32, #tpu.memory_space<vmem>>, %arg6: memref<1000x128xf32, #tpu.memory_space<vmem>>) attributes {dimension_semantics = [#tpu.dimension_semantics<arbitrary>], iteration_bounds = array<i64: 10>, scalar_prefetch = 0 : i64, scratch_operands = 0 : i64, tpu.core_type = #tpu.core_type<tc>, window_params = [{transform_indices = @transform_0, window_bounds = array<i64: 1, 1000, 128>}, {transform_indices = @transform_1, window_bounds = array<i64: 1, 1000, 128>}, {transform_indices = @transform_2, window_bounds = array<i64: 1000, 1>}, {pipeline_mode = #tpu.pipeline_mode<synchronous>, transform_indices = @transform_3, window_bounds = array<i64: 128, 128>}, {pipeline_mode = #tpu.pipeline_mode<synchronous>, transform_indices = @transform_4, window_bounds = array<i64: 1, 128>}, {transform_indices = @transform_5, window_bounds = array<i64: 1000, 128>}]} {
    %get3A = arith.constant 0 : index
    %get3A_0 = arith.constant 0 : index
    %get3A_1 = vector.load %arg3[%get3A, %get3A_0] : memref<1000x1xf32, #tpu.memory_space<vmem>>, vector<1000x1xf32>
    %sqrt3A = math.sqrt %get3A_1 : vector<1000x1xf32>
    %get3A_2 = arith.constant 0 : index
    %get3A_3 = arith.constant 0 : index
    %get3A_4 = arith.constant 0 : index
    %get3A_5 = vector.load %arg1[%get3A_2, %get3A_3, %get3A_4] : memref<1x1000x128xf32, #tpu.memory_space<vmem>>, vector<1x1000x128xf32>
    %get3A_6 = vector.shape_cast %get3A_5 : vector<1x1000x128xf32> to vector<1000x128xf32>
    %get3A_7 = arith.constant 0 : index
    %get3A_8 = arith.constant 0 : index
    %get3A_9 = arith.constant 0 : index
    %get3A_10 = vector.load %arg2[%get3A_7, %get3A_8, %get3A_9] : memref<1x1000x128xf32, #tpu.memory_space<vmem>>, vector<1x1000x128xf32>
    %get3A_11 = vector.shape_cast %get3A_10 : vector<1x1000x128xf32> to vector<1000x128xf32>
    %add3A = arith.addf %get3A_6, %get3A_11 : vector<1000x128xf32>
    %mul3A = vector.broadcast %sqrt3A : vector<1000x1xf32> to vector<1000x128xf32>
    %mul3A_12 = arith.mulf %add3A, %mul3A : vector<1000x128xf32>
    %get3A_13 = arith.constant 0 : index
    %get3A_14 = arith.constant 0 : index
    %get3A_15 = vector.load %arg4[%get3A_13, %get3A_14] : memref<128x128xf32, #tpu.memory_space<vmem>>, vector<128x128xf32>
    %dot_general3A = arith.constant dense<0.000000e+00> : vector<1000x128xf32>
    %dot_general3A_16 = tpu.matmul %mul3A_12, %get3A_15, %dot_general3A {dimension_numbers = #tpu.dot_dimension_numbers<[1], [0], [0], [1], [0, 0, 1, 1], [], []>, transpose_lhs_hint = false} : vector<1000x128xf32>, vector<128x128xf32>, vector<1000x128xf32> -> vector<1000x128xf32>
    %get3A_17 = arith.constant 0 : index
    %get3A_18 = arith.constant 0 : index
    %get3A_19 = vector.load %arg5[%get3A_17, %get3A_18] : memref<1x128xf32, #tpu.memory_space<vmem>>, vector<1x128xf32>
    %add3A_20 = vector.broadcast %get3A_19 : vector<1x128xf32> to vector<1000x128xf32>
    %add3A_21 = arith.addf %dot_general3A_16, %add3A_20 : vector<1000x128xf32>
    %swap3A = arith.constant 0 : index
    %swap3A_22 = arith.constant 0 : index
    %swap3A_23 = vector.load %arg6[%swap3A, %swap3A_22] : memref<1000x128xf32, #tpu.memory_space<vmem>>, vector<1000x128xf32>
    tpu.vector_store %arg6[%swap3A, %swap3A_22], %add3A_21 {strides = array<i32>} : memref<1000x128xf32, #tpu.memory_space<vmem>>, vector<1000x128xf32>,
    return
  }
  func.func @transform_0(%arg0: i32) -> (i32, i32, i32) {
    %c0_i32 = arith.constant 0 : i32
    %c0_i32_0 = arith.constant 0 : i32
    %c0_i32_1 = arith.constant 0 : i32
    return %c0_i32, %arg0, %c0_i32_0 : i32, i32, i32
  }
  func.func @transform_1(%arg0: i32) -> (i32, i32, i32) {
    %c1_i32 = arith.constant 1 : i32
    %c0_i32 = arith.constant 0 : i32
    %c0_i32_0 = arith.constant 0 : i32
    return %c1_i32, %arg0, %c0_i32 : i32, i32, i32
  }
  func.func @transform_2(%arg0: i32) -> (i32, i32) {
    %c0_i32 = arith.constant 0 : i32
    %c0_i32_0 = arith.constant 0 : i32
    return %arg0, %c0_i32 : i32, i32
  }
  func.func @transform_3(%arg0: i32) -> (i32, i32) {
    %c0_i32 = arith.constant 0 : i32
    %c0_i32_0 = arith.constant 0 : i32
    %c0_i32_1 = arith.constant 0 : i32
    return %c0_i32, %c0_i32_0 : i32, i32
  }
  func.func @transform_4(%arg0: i32) -> (i32, i32) {
    %c0_i32 = arith.constant 0 : i32
    %c0_i32_0 = arith.constant 0 : i32
    %c0_i32_1 = arith.constant 0 : i32
    return %c0_i32, %c0_i32_0 : i32, i32
  }
  func.func @transform_5(%arg0: i32) -> (i32, i32) {
    %c0_i32 = arith.constant 0 : i32
    %c0_i32_0 = arith.constant 0 : i32
    return %arg0, %c0_i32 : i32, i32
  }
}

</mosaic_0001>

<sc_bundles>
// kernel: kernel.10.cloned.1.call-start
scs
__scs_entry_jumppad:
0x0: {  	(pc) =	sbr.rel $0x88, $3  }
0x1: {  	(tag) =	ssettag $0x0;
	lr =	simm.s32 $0x1  }
0x2: {  	[smem:$0x3F99] =	sst lr;
	_ =	strace $0xD0000000  }
0x3: {  	_ = 	snop  }
0x4: {  	_ = 	snop  }
0x5: {  	_ = 	snop  }
0x6: {  	_ = 	snop  }
0x7: {  	_ = 	snop  }
__scs_overlays_trampoline_lowered:
0x8: {  	[smem:$0x3FA8] =	sst s0  }
0x9: {  	[smem:$0x3FA9] =	sst s1  }
0xa: {  	[smem:$0x3FAA] =	sst s2  }
0xb: {  	[smem:$0x3FAB] =	sst s3  }
0xc: {  	[smem:$0x3FAC] =	sst s4  }
0xd: {  	[smem:$0x3FAD] =	sst s5  }
0xe: {  	[smem:$0x3FAE] =	sst s6  }
0xf: {  	[smem:$0x3FAF] =	sst s7  }
0x10: {  	[smem:$0x3FB0] =	sst s8  }
0x11: {  	[smem:$0x3FB1] =	sst s9;
	s0 =	simm.s32 @!p0 $0x0  }
0x12: {  	s1 =	sld [smem:$0x3F97];
	s0 =	simm.s32 @p0 $0x1  }
0x13: {  	[smem:$0x3FB2] =	sst s0;
	s0 =	simm.s32 @!p1 $0x0  }
0x14: {  	s2 =	sld [smem:$0x3F96];
	s0 =	simm.s32 @p1 $0x1  }
0x15: {  	[smem:$0x3FB3] =	sst s0;
	s0 =	simm.s32 @!p2 $0x0  }
0x16: {  	s3 =	sld [smem:$0x3FDB];
	s0 =	simm.s32 @p2 $0x1  }
0x17: {  	s4 =	simm.s32 $0x1BF5;
	[smem:$0x3FB5] =	sst s0  }
0x18: {  	s0 =	sld [smem:$0x3F98];
	_ =	swait.ge [sflag:s4], $0x0  }
0x19: {  	s7 =	sld [smem:$0x3F99]  }
0x1a: {  	s8 =	sadd.s32 $0xFFFFE003, lr  }
0x1b: {  	s9 =	sadd.s32 $0xFFFFFEF7, lr;
	s5 =	simm.s32 $0xFFFFFFFF;
	p2 =	slt.u32 s8, $0xFFFFF086  }
0x1c: {  	p1 =	slt.u32 s9, $0xF7A;
	s5 =	simm.s32 @!p2 $0x0  }
0x1d: {  	s5 =	simm.s32 @p1 $0x1;
	p0 =	seq.s32 s7, s2  }
0x1e: {  	s7 =	smul.u32 @!p0 $0xF7A, s2;
	p2 =	seq.s32 @!p0 s5, $0x0  }
0x1f: {  	s9 =	smul.u32 $0xF7A, s1;
	s8 =	simm.s32 @!p0 $0x1BF5;
	p2 =	por !p2, p0  }
0x20: {  	[sflag:s8] =	ssyncset.s32 @!p0 $0xFFFFF086;
	s6 =	sadd.s32 @!p0 s3, s7;
	s7 =	simm.s32 @!p0 $0x108  }
0x21: {  	s3 =	sadd.s32 s3, s9;
	s6 =	sadd.s32 @!p0 $0x88, s6;
	s7 =	simm.s32 @p2 $0x1082  }
0x22: {  	[simem:s7], [sflag:s8] =	dma.local @!p0 [hbm:s6], $0xF7A  }
0x23: {  	s9 =	sor.u32 $0xD0000000, s2;
	s6 =	simm.s32 $0x108;
	_ =	swait.ge @!p0 [sflag:s8], $0x0  }
0x24: {  	s3 =	sadd.s32 $0x88, s3;
	s6 =	simm.s32 @!p1 $0x1082;
	[sflag:s4] =	ssyncset.s32 $0xFFFFF086  }
0x25: {  	[simem:s6], [sflag:s4] =	dma.local [hbm:s3], $0xF7A  }
0x26: {  	[smem:$0x3F99] =	sst s1;
	(tag) =	ssettag s2;
	_ =	strace s9  }
0x27: {  	s1 =	sld [smem:$0x3FA9]  }
0x28: {  	s2 =	sld [smem:$0x3FAA]  }
0x29: {  	s4 =	sld [smem:$0x3FAC]  }
0x2a: {  	p0 =	seq.s32 s5, $0x0;
	s5 =	sld [smem:$0x3FAD]  }
0x2b: {  	s6 =	sld [smem:$0x3FAE]  }
0x2c: {  	s7 =	sld [smem:$0x3FAF]  }
0x2d: {  	s3 =	simm.s32 $0x108;
	s8 =	sld [smem:$0x3FB0]  }
0x2e: {  	s3 =	simm.s32 @!p0 $0x1082;
	s9 =	sld [smem:$0x3FB1]  }
0x2f: {  	lr =	sadd.s32 s0, s3;
	s0 =	sld [smem:$0x3FA8]  }
0x30: {  	s3 =	sld [smem:$0x3FAB]  }
0x31: {  	[smem:$0x3FB4] =	sst s10  }
0x32: {  	s10 =	sld [smem:$0x3FB2];
	_ =	sdelay $0x3  }
0x33: {  	p0 =	seq.s32 s10, $0x1;
	s10 =	sld [smem:$0x3FB4];
	_ =	sdelay $0x3  }
0x34: {  	[smem:$0x3FB4] =	sst s10  }
0x35: {  	s10 =	sld [smem:$0x3FB3];
	_ =	sdelay $0x3  }
0x36: {  	p1 =	seq.s32 s10, $0x1;
	s10 =	sld [smem:$0x3FB4];
	_ =	sdelay $0x3  }
0x37: {  	[smem:$0x3FB4] =	sst s10  }
0x38: {  	s10 =	sld [smem:$0x3FB5]  }
0x39: {  	_ = 	snop;
	(pc) =	sbr.ind lr, $3  }
0x3a: {  	_ = 	snop  }
0x3b: {  	_ = 	snop  }
0x3c: {  	p2 =	seq.s32 s10, $0x1;
	s10 =	sld [smem:$0x3FB4]  }
0x3d: {  	_ =	shalt  }
0x3e: {  	_ =	shalt  }
0x3f: {  	_ =	shalt  }
0x40: {  	_ =	shalt  }
0x41: {  	_ =	shalt  }
0x42: {  	_ =	shalt  }
0x43: {  	_ =	shalt  }
0x44: {  	_ =	shalt  }
0x45: {  	_ =	shalt  }
0x46: {  	_ =	shalt  }
0x47: {  	_ =	shalt  }
0x48: {  	_ =	shalt  }
0x49: {  	_ =	shalt  }
0x4a: {  	_ =	shalt  }
0x4b: {  	_ =	shalt  }
0x4c: {  	_ =	shalt  }
0x4d: {  	_ =	shalt  }
0x4e: {  	_ =	shalt  }
0x4f: {  	_ =	shalt  }
0x50: {  	_ =	shalt  }
0x51: {  	_ =	shalt  }
0x52: {  	_ =	shalt  }
0x53: {  	_ =	shalt  }
0x54: {  	_ =	shalt  }
0x55: {  	_ =	shalt  }
0x56: {  	_ =	shalt  }
0x57: {  	_ =	shalt  }
0x58: {  	_ =	shalt  }
0x59: {  	_ =	shalt  }
0x5a: {  	_ =	shalt  }
0x5b: {  	_ =	shalt  }
0x5c: {  	_ =	shalt  }
0x5d: {  	_ =	shalt  }
0x5e: {  	_ =	shalt  }
0x5f: {  	_ =	shalt  }
0x60: {  	_ =	shalt  }
0x61: {  	_ =	shalt  }
0x62: {  	_ =	shalt  }
0x63: {  	_ =	shalt  }
0x64: {  	_ =	shalt  }
0x65: {  	_ =	shalt  }
0x66: {  	_ =	shalt  }
0x67: {  	_ =	shalt  }
0x68: {  	_ =	shalt  }
0x69: {  	_ =	shalt  }
0x6a: {  	_ =	shalt  }
0x6b: {  	_ =	shalt  }
0x6c: {  	_ =	shalt  }
0x6d: {  	_ =	shalt  }
0x6e: {  	_ =	shalt  }
0x6f: {  	_ =	shalt  }
0x70: {  	_ =	shalt  }
0x71: {  	_ =	shalt  }
0x72: {  	_ =	shalt  }
0x73: {  	_ =	shalt  }
0x74: {  	_ =	shalt  }
0x75: {  	_ =	shalt  }
0x76: {  	_ =	shalt  }
0x77: {  	_ =	shalt  }
0x78: {  	_ =	shalt  }
0x79: {  	_ =	shalt  }
0x7a: {  	_ =	shalt  }
0x7b: {  	_ =	shalt  }
0x7c: {  	_ =	shalt  }
0x7d: {  	_ =	shalt  }
0x7e: {  	_ =	shalt  }
0x7f: {  	_ =	shalt  }
0x80: {  	_ =	shalt  }
0x81: {  	_ =	shalt  }
0x82: {  	_ =	shalt  }
0x83: {  	_ =	shalt  }
0x84: {  	_ =	shalt  }
0x85: {  	_ =	shalt  }
0x86: {  	_ =	shalt  }
0x87: {  	_ =	shalt  }
.Lfunc_end0:
.L_simem_size_0:
called_computation.1_lowered:
.L_overlay_start_0:
0x88: {  	s2 =	sld [smem:$0x3FD9]  }
0x89: {  	s3 =	sld [smem:$0x3FFE];
	_ =	sdelay $0x1  }
0x8a: {  	s1 =	srdreg.scid  }
0x8b: {  	s0 =	sand.u32 $0x1, s1  }
0x8c: {  	s17 =	sshll.u32 s0, $0xA;
	s2 =	sadd.s32 s3, s2  }
0x8d: {  	s2 =	sadd.s32 s2, s17  }
0x8e: {  	[smem:$0x3FC0] =	sst s2  }
0x8f: {  	_ = 	snop  }
0x90: {  	s2 =	sld [smem:$0x3FD0];
	(tm) =	ssettm $0x1  }
0x91: {  	s18 =	sld [smem:$0x3FFB];
	_ =	sdelay $0x3  }
0x92: {  	_ =	strace s18  }
0x93: {  	s3 =	sld [smem:$0x3FFC];
	_ =	sdelay $0x3  }
0x94: {  	_ =	strace s3  }
0x95: {  	s3 =	sld [smem:$0x3FFD];
	_ =	sdelay $0x3  }
0x96: {  	_ =	strace s3  }
0x97: {  	_ =	strace $0x8FFFFFFF  }
0x98: {  	s19 =	sld [smem:$0x3FDB];
	_ =	sdelay $0x1  }
0x99: {  	s4 =	simm.s32 $_scs_section_size  }
0x9a: {  	s5 =	simm.s32 $_size__tile_overlayer_lowered;
	s6 =	simm.s32 $_tile_overlayer_lowered  }
0x9b: {  	s22 =	simm.s32 $0x1BFF;
	s21 =	sshll.u32 s6, $0x1;
	s3 =	sadd.s32 s4, s19  }
0x9c: {  	s7 =	simm.s32 $0x0;
	s20 =	sshll.u32 s5, $0x1;
	s5 =	sadd.s32 s21, s3  }
0x9d: {  	[timem:s7], [sflag:s22] =	dma.local [hbm:s5], s20  }
0x9e: {  	_ =	swait.ge [sflag:s22], s20  }
0x9f: {  	s4 =	ssub.s32 $0x0, s20;
	[sflag:s22] =	ssyncset.done $0x0  }
0xa0: {  	[sflag:s22] =	ssyncadd.s32 s4;
	_ =	sdelay $0x1  }
0xa1: {  	s23 =	simm.s32 $0x1B8B  }
0xa2: {  	_ =	swait.ge [sflag:s23], $0x1  }
0xa3: {  	[sflag:s23] =	ssyncset.done $0x0  }
0xa4: {  	s25 =	simm.s32 $0x1B8E;
	s24 =	sld [smem:$0x3FFE];
	[sflag:s23] =	ssyncadd.s32 $0xFFFFFFFF  }
0xa5: {  	s26 =	simm.s32 $execute0_lowered;
	[smem:$0x3FD2] =	sst s25  }
0xa6: {  	s5 =	sshll.u32 s26, $0x1;
	_ =	strace $0x80000049;
	[dreg:$0x1] =	wrdreg $0xFFFFFFFF  }
0xa7: {  	s28 =	simm.s32 $_size_execute0_lowered;
	s3 =	sadd.s32 s3, s5;
	[dreg:$0x0] =	wrdreg $0x0  }
0xa8: {  	s5 =	sshll.u32 s28, $0x1;
	[dreg:$0x2] =	wrdreg s3  }
0xa9: {  	[dreg:$0x3] =	wrdreg s5  }
0xaa: {  	[dreg:$0x4] =	wrdreg $0xC0  }
0xab: {  	_ =	task [dreg:s7], $0x5FFFF  }
0xac: {  	[dreg:$0x1] =	wrdreg $0xFFFFFFFF  }
0xad: {  	[dreg:$0x0] =	wrdreg $0x60  }
0xae: {  	[dreg:$0x2] =	wrdreg s2  }
0xaf: {  	[dreg:$0x3] =	wrdreg s24  }
0xb0: {  	[dreg:$0x4] =	wrdreg $0xB8000  }
0xb1: {  	[dreg:$0x5] =	wrdreg $0x9  }
0xb2: {  	_ =	task.clear_ibuf [dreg:s7], $0x6FFFF;
	_ =	strace $0x90000049  }
0xb3: {  	s29 =	simm.s32 $0x9;
	_ =	strace $0x8000004B  }
0xb4: {  	_ =	swait.ge [sflag:s29], $0x1  }
0xb5: {  	[sflag:s29] =	ssyncadd.s32 $0xFFFFFFFF  }
0xb6: {  	_ =	strace $0x9000004B  }
0xb7: {  	_ =	sfence  }
0xb8: {  	s30 =	sld [smem:$0x0];
	_ =	sdelay $0x2  }
0xb9: {  	s31 =	sshll.u32 s1, $0xD;
	s1 =	sshrl.u32 s1, $0x2  }
0xba: {  	s3 =	sand.u32 $0x4000, s31;
	s1 =	sadd.s32 s1, s30  }
0xbb: {  	s0 =	sor.u32 s3, s0;
	s1 =	sshll.u32 s1, $0x11  }
0xbc: {  	s0 =	sor.u32 s1, s0  }
0xbd: {  	s0 =	sadd.s32 $0x8F2B, s0  }
0xbe: {  	[sflag:s0] =	ssyncadd.remote.s32 $0x1  }
0xbf: {  	_ =	sfence.sel $0xFFFF  }
0xc0: {  	[dreg:$0x0] =	wrdreg $0xFFFFFFFF;
	(pc) =	sbr.abs _section_cstart, $3  }
0xc1: {  	[dreg:$0x1] =	wrdreg $0xFFFFFFFF  }
0xc2: {  	_ =	task.clear_ibuf [dreg:s7], $0x2FFFF;
	_ =	strace $0x9FFFFFFF  }
0xc3: {  	(tm) =	ssettm $0x7FFFFFFF  }
tec
execute0_lowered:
.L_overlay_start_1:
0x0: {  	(tag) =	ssettag $0x1  }
0x1: {  	s1 =	rddreg [dreg:$0x0]  }
0x2: {  	s0 =	rddreg [dreg:$0x1]  }
0x3: {  	s2 =	rddreg [dreg:$0x2];
	s3 =	srdreg.scid  }
0x4: {  	s4 =	simm.s32 $0x0;
	s10 =	stileid.u32;
	s16 =	simm.s32 $0x4  }
0x5: {  	s17 =	simm.s32 $0x1400;
	s18 =	simm.s32 $0x60;
	s19 =	simm.s32 $0x2800  }
0x6: {  	s20 =	simm.s32 $0x80;
	s21 =	simm.s32 $0x5800;
	s28 =	simm.s32 $0x2480  }
0x7: {  	s29 =	simm.s32 $0x2500;
	s30 =	simm.s32 $0x2580;
	s31 =	simm.s32 $0x0  }
0x8: {  	s3 =	sand.u32 $0x1, s3;
	[smem:$0x7FF] =	sst s4;
	s11 =	sadd.s32 $0x2200, s0  }
0x9: {  	s12 =	sadd.s32 $0x11200, s0;
	s22 =	sshll.u32 s10, $0x1;
	s8 =	smul.u32 $0x4F000, s10  }
0xa: {  	s23 =	sadd.s32 $0x20200, s0;
	s25 =	sshll.u32 s10, $0x6;
	s5 =	sshll.u32 s3, $0x4  }
0xb: {  	_ =	strace $0x8000004A;
	s7 =	ssub.s32 $0x2, s3;
	s3 =	sor.u32 s3, s22  }
0xc: {  	[dreg:$0x4] =	wrdreg s23;
	s22 =	simm.s32 $0x100;
	s23 =	simm.s32 $0x8800  }
0xd: {  	s5 =	sor.u32 s10, s5;
	s9 =	sshrl.u32 s7, $0x1;
	s3 =	smul.u32 $0x3C00, s3  }
0xe: {  	s24 =	sshrl.u32 s8, $0x2;
	s6 =	smul.u32 $0x2780, s5;
	s14 =	ssub.s32 s7, s9  }
0xf: {  	s15 =	sadd.s32 s24, s2;
	s24 =	simm.s32 $0x1;
	s3 =	sshrl.u32 s3, $0x3  }
0x10: {  	s14 =	smax.u32 s14, $0x1;
	s15 =	sshrl.u32 s15, $0x3;
	s0 =	sadd.s32 s6, s0  }
0x11: {  	s6 =	sor.u32 $0x1C04, s25;
	s7 =	sadd.s32 s11, s3;
	s26 =	sadd.s32 $0x280, s3  }
0x12: {  	s8 =	sadd.s32 s12, s3;
	s3 =	sadd.s32 $0x500, s3;
	s25 =	simm.s32 $0x2  }
0x13: {  	s9 =	sadd.s32 s11, s26;
	s10 =	sadd.s32 s12, s26;
	s11 =	sadd.s32 s11, s3  }
0x14: {  	s12 =	sadd.s32 s12, s3;
	s13 =	sadd.s32 $0x22A00, s0;
	s26 =	simm.s32 $0x3  }
.LBB2_1:
0x15: {  	s0 =	rddreg [dreg:$0x4]  }
0x16: {  	[spmem:s15], [sflag:s6] =	dma.local [hbm:s0], $0x2780  }
0x17: {  	_ =	swait.ge [sflag:s16], $0x2780  }
0x18: {  	[sflag:s16] =	ssyncset.done $0x0  }
0x19: {  	[sflag:s16] =	ssyncadd.s32 $0xFFFFD880  }
0x1a: {  	[bflag:$0x0] =	sbarrier.arrive $0xFFFF  }
0x1b: {  	[tilespmem:s4], [sflag:$0x4] =	stream.linear.gather [hbm4b:s7+s4], $0x1200, $0x38;
	[tilespmem:$0x1F400] =	vst v63  }
0x1c: {  	_ =	swait.ge [sflag:s16], $0x1200  }
0x1d: {  	[sflag:s16] =	ssyncset.done $0x0  }
0x1e: {  	[sflag:s16] =	ssyncadd.s32 $0xFFFFEE00  }
0x1f: {  	[tilespmem:s17], [sflag:$0x4] =	stream.linear.gather [hbm4b:s8+s4], $0x1200, $0x38;
	[tilespmem:$0x1F400] =	vst v63  }
0x20: {  	_ =	swait.ge [sflag:s16], $0x1200  }
0x21: {  	[sflag:s16] =	ssyncset.done $0x0  }
0x22: {  	[sflag:s16] =	ssyncadd.s32 $0xFFFFEE00  }
0x23: {  	[tilespmem:s19], [sflag:$0x1] =	stream.indirect.gather [hbm4b:s1+s18], $0x80, s4, s18, $0xb8;
	[tilespmem:$0x1F400] =	vst v63  }
0x24: {  	_ = 	snop  }
0x25: {  	[tilespmem:s21], [sflag:$0x2] =	stream.indirect.gather [hbm4b:s1+s18], $0x80, s20, s18, $0xb8;
	[tilespmem:$0x1F400] =	vst v63  }
0x26: {  	_ = 	snop  }
0x27: {  	[tilespmem:s23], [sflag:$0x3] =	stream.indirect.gather [hbm4b:s1+s18], $0x80, s22, s18, $0xb8;
	[tilespmem:$0x1F400] =	vst v63  }
0x28: {  	_ =	swait.ge [sflag:s24], $0x3000  }
0x29: {  	[sflag:s24] =	ssyncset.done $0x0  }
0x2a: {  	s5 =	simm.s32 $0x1400;
	[sflag:s24] =	ssyncadd.s32 $0xFFFFD000  }
0x2b: {  	[spmem:s2] =	stream.indirect.scatter.add.f32 [tilespmem:s19], [sflag:$0x4], $0x80, s5, s18, $0xb8;
	[tilespmem:$0x1F400] =	vst v63  }
0x2c: {  	_ =	swait.ge [sflag:s16], $0x3000  }
0x2d: {  	[sflag:s16] =	ssyncset.done $0x0  }
0x2e: {  	s3 =	simm.s32 $0x180;
	[sflag:s16] =	ssyncadd.s32 $0xFFFFD000  }
0x2f: {  	[tilespmem:s19], [sflag:$0x1] =	stream.indirect.gather [hbm4b:s1+s18], $0x80, s3, s18, $0xb8;
	[tilespmem:$0x1F400] =	vst v63  }
0x30: {  	_ =	swait.ge [sflag:s25], $0x3000  }
0x31: {  	[sflag:s25] =	ssyncset.done $0x0  }
0x32: {  	s5 =	simm.s32 $0x1480;
	[sflag:s25] =	ssyncadd.s32 $0xFFFFD000  }
0x33: {  	[spmem:s2] =	stream.indirect.scatter.add.f32 [tilespmem:s21], [sflag:$0x4], $0x80, s5, s18, $0xb8;
	[tilespmem:$0x1F400] =	vst v63  }
0x34: {  	_ =	swait.ge [sflag:s16], $0x3000  }
0x35: {  	[sflag:s16] =	ssyncset.done $0x0  }
0x36: {  	s3 =	simm.s32 $0x200;
	[sflag:s16] =	ssyncadd.s32 $0xFFFFD000  }
0x37: {  	[tilespmem:s21], [sflag:$0x2] =	stream.indirect.gather [hbm4b:s1+s18], $0x80, s3, s18, $0xb8;
	[tilespmem:$0x1F400] =	vst v63  }
0x38: {  	_ =	swait.ge [sflag:s26], $0x3000  }
0x39: {  	[sflag:s26] =	ssyncset.done $0x0  }
0x3a: {  	s5 =	simm.s32 $0x1500;
	[sflag:s26] =	ssyncadd.s32 $0xFFFFD000  }
0x3b: {  	[spmem:s2] =	stream.indirect.scatter.add.f32 [tilespmem:s23], [sflag:$0x4], $0x80, s5, s18, $0xb8;
	[tilespmem:$0x1F400] =	vst v63  }
0x3c: {  	_ =	swait.ge [sflag:s16], $0x3000  }
0x3d: {  	[sflag:s16] =	ssyncset.done $0x0  }
0x3e: {  	s0 =	simm.s32 $0x600;
	s3 =	simm.s32 $0x280;
	[sflag:s16] =	ssyncadd.s32 $0xFFFFD000  }
.LBB2_2:
0x3f: {  	[tilespmem:s23], [sflag:$0x3] =	stream.indirect.gather [hbm4b:s1+s18], $0x80, s3, s18, $0xb8;
	[tilespmem:$0x1F400] =	vst v63  }
0x40: {  	s3 =	smov.u32 s0  }
0x41: {  	p0 =	sne.s32 s0, $0x3C00;
	s0 =	sadd.s32 $0x600, s0;
	_ =	swait.ge [sflag:s24], $0x3000  }
0x42: {  	s3 =	sshra.s32 s3, $0x2;
	[sflag:s24] =	ssyncset.done $0x0  }
0x43: {  	s5 =	sadd.s32 $0x1400, s3;
	[sflag:s24] =	ssyncadd.s32 $0xFFFFD000  }
0x44: {  	[spmem:s2] =	stream.indirect.scatter.add.f32 [tilespmem:s19], [sflag:$0x4], $0x80, s5, s18, $0xb8;
	[tilespmem:$0x1F400] =	vst v63  }
0x45: {  	_ =	swait.ge [sflag:s16], $0x3000  }
0x46: {  	[sflag:s16] =	ssyncset.done $0x0  }
0x47: {  	s5 =	sadd.s32 $0x180, s3;
	[sflag:s16] =	ssyncadd.s32 $0xFFFFD000  }
0x48: {  	[tilespmem:s19], [sflag:$0x1] =	stream.indirect.gather [hbm4b:s1+s18], $0x80, s5, s18, $0xb8;
	[tilespmem:$0x1F400] =	vst v63  }
0x49: {  	_ =	swait.ge [sflag:s25], $0x3000  }
0x4a: {  	[sflag:s25] =	ssyncset.done $0x0  }
0x4b: {  	s5 =	sadd.s32 $0x1480, s3;
	[sflag:s25] =	ssyncadd.s32 $0xFFFFD000  }
0x4c: {  	[spmem:s2] =	stream.indirect.scatter.add.f32 [tilespmem:s21], [sflag:$0x4], $0x80, s5, s18, $0xb8;
	[tilespmem:$0x1F400] =	vst v63  }
0x4d: {  	_ =	swait.ge [sflag:s16], $0x3000  }
0x4e: {  	[sflag:s16] =	ssyncset.done $0x0  }
0x4f: {  	s5 =	sadd.s32 $0x200, s3;
	[sflag:s16] =	ssyncadd.s32 $0xFFFFD000  }
0x50: {  	[tilespmem:s21], [sflag:$0x2] =	stream.indirect.gather [hbm4b:s1+s18], $0x80, s5, s18, $0xb8;
	[tilespmem:$0x1F400] =	vst v63  }
0x51: {  	_ =	swait.ge [sflag:s26], $0x3000  }
0x52: {  	[sflag:s26] =	ssyncset.done $0x0  }
.Ltmp0:
0x53: {  	s5 =	sadd.s32 $0x1500, s3;
	[sflag:s26] =	ssyncadd.s32 $0xFFFFD000;
	(pc) =	sbr.rel @p0 .LBB2_2-.Ltmp0, $4  }
0x54: {  	[spmem:s2] =	stream.indirect.scatter.add.f32 [tilespmem:s23], [sflag:$0x4], $0x80, s5, s18, $0xb8;
	[tilespmem:$0x1F400] =	vst v63  }
0x55: {  	_ =	swait.ge [sflag:s16], $0x3000  }
0x56: {  	[sflag:s16] =	ssyncset.done $0x0  }
0x57: {  	s3 =	sadd.s32 $0x280, s3;
	[sflag:s16] =	ssyncadd.s32 $0xFFFFD000  }
0x58: {  	[tilespmem:s23], [sflag:$0x3] =	stream.indirect.gather [hbm4b:s1+s18], $0x80, s3, s18, $0xb8;
	[tilespmem:$0x1F400] =	vst v63  }
0x59: {  	_ =	swait.ge [sflag:s24], $0x3000  }
0x5a: {  	[sflag:s24] =	ssyncset.done $0x0  }
0x5b: {  	[sflag:s24] =	ssyncadd.s32 $0xFFFFD000  }
0x5c: {  	[spmem:s2] =	stream.indirect.scatter.add.f32 [tilespmem:s19], [sflag:$0x4], $0x80, s28, s18, $0xb8;
	[tilespmem:$0x1F400] =	vst v63  }
0x5d: {  	_ =	swait.ge [sflag:s16], $0x3000  }
0x5e: {  	[sflag:s16] =	ssyncset.done $0x0  }
0x5f: {  	[sflag:s16] =	ssyncadd.s32 $0xFFFFD000  }
0x60: {  	_ =	swait.ge [sflag:s25], $0x3000  }
0x61: {  	[sflag:s25] =	ssyncset.done $0x0  }
0x62: {  	[sflag:s25] =	ssyncadd.s32 $0xFFFFD000  }
0x63: {  	[spmem:s2] =	stream.indirect.scatter.add.f32 [tilespmem:s21], [sflag:$0x4], $0x80, s29, s18, $0xb8;
	[tilespmem:$0x1F400] =	vst v63  }
0x64: {  	_ =	swait.ge [sflag:s16], $0x3000  }
0x65: {  	[sflag:s16] =	ssyncset.done $0x0  }
0x66: {  	[sflag:s16] =	ssyncadd.s32 $0xFFFFD000  }
0x67: {  	_ =	swait.ge [sflag:s26], $0x3000  }
0x68: {  	[sflag:s26] =	ssyncset.done $0x0  }
0x69: {  	[sflag:s26] =	ssyncadd.s32 $0xFFFFD000  }
0x6a: {  	[spmem:s2] =	stream.indirect.scatter.add.f32 [tilespmem:s23], [sflag:$0x4], $0x80, s30, s18, $0xb8;
	[tilespmem:$0x1F400] =	vst v63  }
0x6b: {  	_ =	swait.ge [sflag:s16], $0x3000  }
0x6c: {  	[sflag:s16] =	ssyncset.done $0x0  }
0x6d: {  	s0 =	simm.s32 $0x0;
	[sflag:s16] =	ssyncadd.s32 $0xFFFFD000  }
0x6e: {  	[tilespmem:s0], [sflag:$0x4] =	stream.linear.gather [hbm4b:s9+s0], $0x1200, $0x38;
	[tilespmem:$0x1F400] =	vst v63  }
0x6f: {  	_ =	swait.ge [sflag:s16], $0x1200  }
0x70: {  	[sflag:s16] =	ssyncset.done $0x0  }
0x71: {  	[sflag:s16] =	ssyncadd.s32 $0xFFFFEE00  }
0x72: {  	[tilespmem:s17], [sflag:$0x4] =	stream.linear.gather [hbm4b:s10+s0], $0x1200, $0x38;
	[tilespmem:$0x1F400] =	vst v63  }
0x73: {  	_ =	swait.ge [sflag:s16], $0x1200  }
0x74: {  	[sflag:s16] =	ssyncset.done $0x0  }
0x75: {  	[sflag:s16] =	ssyncadd.s32 $0xFFFFEE00  }
0x76: {  	[tilespmem:s19], [sflag:$0x1] =	stream.indirect.gather [hbm4b:s1+s18], $0x80, s0, s18, $0xb8;
	[tilespmem:$0x1F400] =	vst v63  }
0x77: {  	_ = 	snop  }
0x78: {  	[tilespmem:s21], [sflag:$0x2] =	stream.indirect.gather [hbm4b:s1+s18], $0x80, s20, s18, $0xb8;
	[tilespmem:$0x1F400] =	vst v63  }
0x79: {  	_ = 	snop  }
0x7a: {  	[tilespmem:s23], [sflag:$0x3] =	stream.indirect.gather [hbm4b:s1+s18], $0x80, s22, s18, $0xb8;
	[tilespmem:$0x1F400] =	vst v63  }
0x7b: {  	_ =	swait.ge [sflag:s24], $0x3000  }
0x7c: {  	[sflag:s24] =	ssyncset.done $0x0  }
0x7d: {  	s5 =	simm.s32 $0x1400;
	[sflag:s24] =	ssyncadd.s32 $0xFFFFD000  }
0x7e: {  	[spmem:s2] =	stream.indirect.scatter.add.f32 [tilespmem:s19], [sflag:$0x4], $0x80, s5, s18, $0xb8;
	[tilespmem:$0x1F400] =	vst v63  }
0x7f: {  	_ =	swait.ge [sflag:s16], $0x3000  }
0x80: {  	[sflag:s16] =	ssyncset.done $0x0  }
0x81: {  	s3 =	simm.s32 $0x180;
	[sflag:s16] =	ssyncadd.s32 $0xFFFFD000  }
0x82: {  	[tilespmem:s19], [sflag:$0x1] =	stream.indirect.gather [hbm4b:s1+s18], $0x80, s3, s18, $0xb8;
	[tilespmem:$0x1F400] =	vst v63  }
0x83: {  	_ =	swait.ge [sflag:s25], $0x3000  }
0x84: {  	[sflag:s25] =	ssyncset.done $0x0  }
0x85: {  	s5 =	simm.s32 $0x1480;
	[sflag:s25] =	ssyncadd.s32 $0xFFFFD000  }
0x86: {  	[spmem:s2] =	stream.indirect.scatter.add.f32 [tilespmem:s21], [sflag:$0x4], $0x80, s5, s18, $0xb8;
	[tilespmem:$0x1F400] =	vst v63  }
0x87: {  	_ =	swait.ge [sflag:s16], $0x3000  }
0x88: {  	[sflag:s16] =	ssyncset.done $0x0  }
0x89: {  	s3 =	simm.s32 $0x200;
	[sflag:s16] =	ssyncadd.s32 $0xFFFFD000  }
0x8a: {  	[tilespmem:s21], [sflag:$0x2] =	stream.indirect.gather [hbm4b:s1+s18], $0x80, s3, s18, $0xb8;
	[tilespmem:$0x1F400] =	vst v63  }
0x8b: {  	_ =	swait.ge [sflag:s26], $0x3000  }
0x8c: {  	[sflag:s26] =	ssyncset.done $0x0  }
0x8d: {  	s5 =	simm.s32 $0x1500;
	[sflag:s26] =	ssyncadd.s32 $0xFFFFD000  }
0x8e: {  	[spmem:s2] =	stream.indirect.scatter.add.f32 [tilespmem:s23], [sflag:$0x4], $0x80, s5, s18, $0xb8;
	[tilespmem:$0x1F400] =	vst v63  }
0x8f: {  	_ =	swait.ge [sflag:s16], $0x3000  }
0x90: {  	[sflag:s16] =	ssyncset.done $0x0  }
0x91: {  	s0 =	simm.s32 $0x600;
	s3 =	simm.s32 $0x280;
	[sflag:s16] =	ssyncadd.s32 $0xFFFFD000  }
.LBB2_4:
0x92: {  	[tilespmem:s23], [sflag:$0x3] =	stream.indirect.gather [hbm4b:s1+s18], $0x80, s3, s18, $0xb8;
	[tilespmem:$0x1F400] =	vst v63  }
0x93: {  	s3 =	smov.u32 s0  }
0x94: {  	p0 =	sne.s32 s0, $0x3C00;
	s0 =	sadd.s32 $0x600, s0;
	_ =	swait.ge [sflag:s24], $0x3000  }
0x95: {  	s3 =	sshra.s32 s3, $0x2;
	[sflag:s24] =	ssyncset.done $0x0  }
0x96: {  	s5 =	sadd.s32 $0x1400, s3;
	[sflag:s24] =	ssyncadd.s32 $0xFFFFD000  }
0x97: {  	[spmem:s2] =	stream.indirect.scatter.add.f32 [tilespmem:s19], [sflag:$0x4], $0x80, s5, s18, $0xb8;
	[tilespmem:$0x1F400] =	vst v63  }
0x98: {  	_ =	swait.ge [sflag:s16], $0x3000  }
0x99: {  	[sflag:s16] =	ssyncset.done $0x0  }
0x9a: {  	s5 =	sadd.s32 $0x180, s3;
	[sflag:s16] =	ssyncadd.s32 $0xFFFFD000  }
0x9b: {  	[tilespmem:s19], [sflag:$0x1] =	stream.indirect.gather [hbm4b:s1+s18], $0x80, s5, s18, $0xb8;
	[tilespmem:$0x1F400] =	vst v63  }
0x9c: {  	_ =	swait.ge [sflag:s25], $0x3000  }
0x9d: {  	[sflag:s25] =	ssyncset.done $0x0  }
0x9e: {  	s5 =	sadd.s32 $0x1480, s3;
	[sflag:s25] =	ssyncadd.s32 $0xFFFFD000  }
0x9f: {  	[spmem:s2] =	stream.indirect.scatter.add.f32 [tilespmem:s21], [sflag:$0x4], $0x80, s5, s18, $0xb8;
	[tilespmem:$0x1F400] =	vst v63  }
0xa0: {  	_ =	swait.ge [sflag:s16], $0x3000  }
0xa1: {  	[sflag:s16] =	ssyncset.done $0x0  }
0xa2: {  	s5 =	sadd.s32 $0x200, s3;
	[sflag:s16] =	ssyncadd.s32 $0xFFFFD000  }
0xa3: {  	[tilespmem:s21], [sflag:$0x2] =	stream.indirect.gather [hbm4b:s1+s18], $0x80, s5, s18, $0xb8;
	[tilespmem:$0x1F400] =	vst v63  }
0xa4: {  	_ =	swait.ge [sflag:s26], $0x3000  }
0xa5: {  	[sflag:s26] =	ssyncset.done $0x0  }
.Ltmp1:
0xa6: {  	s5 =	sadd.s32 $0x1500, s3;
	[sflag:s26] =	ssyncadd.s32 $0xFFFFD000;
	(pc) =	sbr.rel @p0 .LBB2_4-.Ltmp1, $4  }
0xa7: {  	[spmem:s2] =	stream.indirect.scatter.add.f32 [tilespmem:s23], [sflag:$0x4], $0x80, s5, s18, $0xb8;
	[tilespmem:$0x1F400] =	vst v63  }
0xa8: {  	_ =	swait.ge [sflag:s16], $0x3000  }
0xa9: {  	[sflag:s16] =	ssyncset.done $0x0  }
0xaa: {  	s3 =	sadd.s32 $0x280, s3;
	[sflag:s16] =	ssyncadd.s32 $0xFFFFD000  }
0xab: {  	[tilespmem:s23], [sflag:$0x3] =	stream.indirect.gather [hbm4b:s1+s18], $0x80, s3, s18, $0xb8;
	[tilespmem:$0x1F400] =	vst v63  }
0xac: {  	_ =	swait.ge [sflag:s24], $0x3000  }
0xad: {  	[sflag:s24] =	ssyncset.done $0x0  }
0xae: {  	[sflag:s24] =	ssyncadd.s32 $0xFFFFD000  }
0xaf: {  	[spmem:s2] =	stream.indirect.scatter.add.f32 [tilespmem:s19], [sflag:$0x4], $0x80, s28, s18, $0xb8;
	[tilespmem:$0x1F400] =	vst v63  }
0xb0: {  	_ =	swait.ge [sflag:s16], $0x3000  }
0xb1: {  	[sflag:s16] =	ssyncset.done $0x0  }
0xb2: {  	[sflag:s16] =	ssyncadd.s32 $0xFFFFD000  }
0xb3: {  	_ =	swait.ge [sflag:s25], $0x3000  }
0xb4: {  	[sflag:s25] =	ssyncset.done $0x0  }
0xb5: {  	[sflag:s25] =	ssyncadd.s32 $0xFFFFD000  }
0xb6: {  	[spmem:s2] =	stream.indirect.scatter.add.f32 [tilespmem:s21], [sflag:$0x4], $0x80, s29, s18, $0xb8;
	[tilespmem:$0x1F400] =	vst v63  }
0xb7: {  	_ =	swait.ge [sflag:s16], $0x3000  }
0xb8: {  	[sflag:s16] =	ssyncset.done $0x0  }
0xb9: {  	[sflag:s16] =	ssyncadd.s32 $0xFFFFD000  }
0xba: {  	_ =	swait.ge [sflag:s26], $0x3000  }
0xbb: {  	[sflag:s26] =	ssyncset.done $0x0  }
0xbc: {  	[sflag:s26] =	ssyncadd.s32 $0xFFFFD000  }
0xbd: {  	[spmem:s2] =	stream.indirect.scatter.add.f32 [tilespmem:s23], [sflag:$0x4], $0x80, s30, s18, $0xb8;
	[tilespmem:$0x1F400] =	vst v63  }
0xbe: {  	_ =	swait.ge [sflag:s16], $0x3000  }
0xbf: {  	[sflag:s16] =	ssyncset.done $0x0  }
0xc0: {  	s0 =	simm.s32 $0x0;
	[sflag:s16] =	ssyncadd.s32 $0xFFFFD000  }
0xc1: {  	[tilespmem:s0], [sflag:$0x4] =	stream.linear.gather [hbm4b:s11+s0], $0x1200, $0x38;
	[tilespmem:$0x1F400] =	vst v63  }
0xc2: {  	_ =	swait.ge [sflag:s16], $0x1200  }
0xc3: {  	[sflag:s16] =	ssyncset.done $0x0  }
0xc4: {  	[sflag:s16] =	ssyncadd.s32 $0xFFFFEE00  }
0xc5: {  	[tilespmem:s17], [sflag:$0x4] =	stream.linear.gather [hbm4b:s12+s0], $0x1200, $0x38;
	[tilespmem:$0x1F400] =	vst v63  }
0xc6: {  	_ =	swait.ge [sflag:s16], $0x1200  }
0xc7: {  	[sflag:s16] =	ssyncset.done $0x0  }
0xc8: {  	[sflag:s16] =	ssyncadd.s32 $0xFFFFEE00  }
0xc9: {  	[tilespmem:s19], [sflag:$0x1] =	stream.indirect.gather [hbm4b:s1+s18], $0x80, s0, s18, $0xb8;
	[tilespmem:$0x1F400] =	vst v63  }
0xca: {  	_ = 	snop  }
0xcb: {  	[tilespmem:s21], [sflag:$0x2] =	stream.indirect.gather [hbm4b:s1+s18], $0x80, s20, s18, $0xb8;
	[tilespmem:$0x1F400] =	vst v63  }
0xcc: {  	_ = 	snop  }
0xcd: {  	[tilespmem:s23], [sflag:$0x3] =	stream.indirect.gather [hbm4b:s1+s18], $0x80, s22, s18, $0xb8;
	[tilespmem:$0x1F400] =	vst v63  }
0xce: {  	_ =	swait.ge [sflag:s24], $0x3000  }
0xcf: {  	[sflag:s24] =	ssyncset.done $0x0  }
0xd0: {  	s5 =	simm.s32 $0x1400;
	[sflag:s24] =	ssyncadd.s32 $0xFFFFD000  }
0xd1: {  	[spmem:s2] =	stream.indirect.scatter.add.f32 [tilespmem:s19], [sflag:$0x4], $0x80, s5, s18, $0xb8;
	[tilespmem:$0x1F400] =	vst v63  }
0xd2: {  	_ =	swait.ge [sflag:s16], $0x3000  }
0xd3: {  	[sflag:s16] =	ssyncset.done $0x0  }
0xd4: {  	s3 =	simm.s32 $0x180;
	[sflag:s16] =	ssyncadd.s32 $0xFFFFD000  }
0xd5: {  	[tilespmem:s19], [sflag:$0x1] =	stream.indirect.gather [hbm4b:s1+s18], $0x80, s3, s18, $0xb8;
	[tilespmem:$0x1F400] =	vst v63  }
0xd6: {  	_ =	swait.ge [sflag:s25], $0x3000  }
0xd7: {  	[sflag:s25] =	ssyncset.done $0x0  }
0xd8: {  	s5 =	simm.s32 $0x1480;
	[sflag:s25] =	ssyncadd.s32 $0xFFFFD000  }
0xd9: {  	[spmem:s2] =	stream.indirect.scatter.add.f32 [tilespmem:s21], [sflag:$0x4], $0x80, s5, s18, $0xb8;
	[tilespmem:$0x1F400] =	vst v63  }
0xda: {  	_ =	swait.ge [sflag:s16], $0x3000  }
0xdb: {  	[sflag:s16] =	ssyncset.done $0x0  }
0xdc: {  	s3 =	simm.s32 $0x200;
	[sflag:s16] =	ssyncadd.s32 $0xFFFFD000  }
0xdd: {  	[tilespmem:s21], [sflag:$0x2] =	stream.indirect.gather [hbm4b:s1+s18], $0x80, s3, s18, $0xb8;
	[tilespmem:$0x1F400] =	vst v63  }
0xde: {  	_ =	swait.ge [sflag:s26], $0x3000  }
0xdf: {  	[sflag:s26] =	ssyncset.done $0x0  }
0xe0: {  	s5 =	simm.s32 $0x1500;
	[sflag:s26] =	ssyncadd.s32 $0xFFFFD000  }
0xe1: {  	[spmem:s2] =	stream.indirect.scatter.add.f32 [tilespmem:s23], [sflag:$0x4], $0x80, s5, s18, $0xb8;
	[tilespmem:$0x1F400] =	vst v63  }
0xe2: {  	_ =	swait.ge [sflag:s16], $0x3000  }
0xe3: {  	[sflag:s16] =	ssyncset.done $0x0  }
0xe4: {  	s0 =	simm.s32 $0x600;
	s3 =	simm.s32 $0x280;
	[sflag:s16] =	ssyncadd.s32 $0xFFFFD000  }
.LBB2_6:
0xe5: {  	[tilespmem:s23], [sflag:$0x3] =	stream.indirect.gather [hbm4b:s1+s18], $0x80, s3, s18, $0xb8;
	[tilespmem:$0x1F400] =	vst v63  }
0xe6: {  	s3 =	smov.u32 s0  }
0xe7: {  	p0 =	sne.s32 s0, $0x3C00;
	s0 =	sadd.s32 $0x600, s0;
	_ =	swait.ge [sflag:s24], $0x3000  }
0xe8: {  	s3 =	sshra.s32 s3, $0x2;
	[sflag:s24] =	ssyncset.done $0x0  }
0xe9: {  	s5 =	sadd.s32 $0x1400, s3;
	[sflag:s24] =	ssyncadd.s32 $0xFFFFD000  }
0xea: {  	[spmem:s2] =	stream.indirect.scatter.add.f32 [tilespmem:s19], [sflag:$0x4], $0x80, s5, s18, $0xb8;
	[tilespmem:$0x1F400] =	vst v63  }
0xeb: {  	_ =	swait.ge [sflag:s16], $0x3000  }
0xec: {  	[sflag:s16] =	ssyncset.done $0x0  }
0xed: {  	s5 =	sadd.s32 $0x180, s3;
	[sflag:s16] =	ssyncadd.s32 $0xFFFFD000  }
0xee: {  	[tilespmem:s19], [sflag:$0x1] =	stream.indirect.gather [hbm4b:s1+s18], $0x80, s5, s18, $0xb8;
	[tilespmem:$0x1F400] =	vst v63  }
0xef: {  	_ =	swait.ge [sflag:s25], $0x3000  }
0xf0: {  	[sflag:s25] =	ssyncset.done $0x0  }
0xf1: {  	s5 =	sadd.s32 $0x1480, s3;
	[sflag:s25] =	ssyncadd.s32 $0xFFFFD000  }
0xf2: {  	[spmem:s2] =	stream.indirect.scatter.add.f32 [tilespmem:s21], [sflag:$0x4], $0x80, s5, s18, $0xb8;
	[tilespmem:$0x1F400] =	vst v63  }
0xf3: {  	_ =	swait.ge [sflag:s16], $0x3000  }
0xf4: {  	[sflag:s16] =	ssyncset.done $0x0  }
0xf5: {  	s5 =	sadd.s32 $0x200, s3;
	[sflag:s16] =	ssyncadd.s32 $0xFFFFD000  }
0xf6: {  	[tilespmem:s21], [sflag:$0x2] =	stream.indirect.gather [hbm4b:s1+s18], $0x80, s5, s18, $0xb8;
	[tilespmem:$0x1F400] =	vst v63  }
0xf7: {  	_ =	swait.ge [sflag:s26], $0x3000  }
0xf8: {  	[sflag:s26] =	ssyncset.done $0x0  }
.Ltmp2:
0xf9: {  	s5 =	sadd.s32 $0x1500, s3;
	[sflag:s26] =	ssyncadd.s32 $0xFFFFD000;
	(pc) =	sbr.rel @p0 .LBB2_6-.Ltmp2, $4  }
0xfa: {  	[spmem:s2] =	stream.indirect.scatter.add.f32 [tilespmem:s23], [sflag:$0x4], $0x80, s5, s18, $0xb8;
	[tilespmem:$0x1F400] =	vst v63  }
0xfb: {  	_ =	swait.ge [sflag:s16], $0x3000  }
0xfc: {  	[sflag:s16] =	ssyncset.done $0x0  }
0xfd: {  	s3 =	sadd.s32 $0x280, s3;
	[sflag:s16] =	ssyncadd.s32 $0xFFFFD000  }
0xfe: {  	[tilespmem:s23], [sflag:$0x3] =	stream.indirect.gather [hbm4b:s1+s18], $0x80, s3, s18, $0xb8;
	[tilespmem:$0x1F400] =	vst v63  }
0xff: {  	_ =	swait.ge [sflag:s24], $0x3000  }
0x100: {  	[sflag:s24] =	ssyncset.done $0x0  }
0x101: {  	[sflag:s24] =	ssyncadd.s32 $0xFFFFD000  }
0x102: {  	[spmem:s2] =	stream.indirect.scatter.add.f32 [tilespmem:s19], [sflag:$0x4], $0x80, s28, s18, $0xb8;
	[tilespmem:$0x1F400] =	vst v63  }
0x103: {  	_ =	swait.ge [sflag:s16], $0x3000  }
0x104: {  	[sflag:s16] =	ssyncset.done $0x0  }
0x105: {  	[sflag:s16] =	ssyncadd.s32 $0xFFFFD000  }
0x106: {  	_ =	swait.ge [sflag:s25], $0x3000  }
0x107: {  	[sflag:s25] =	ssyncset.done $0x0  }
0x108: {  	[sflag:s25] =	ssyncadd.s32 $0xFFFFD000  }
0x109: {  	[spmem:s2] =	stream.indirect.scatter.add.f32 [tilespmem:s21], [sflag:$0x4], $0x80, s29, s18, $0xb8;
	[tilespmem:$0x1F400] =	vst v63  }
0x10a: {  	_ =	swait.ge [sflag:s16], $0x3000  }
0x10b: {  	[sflag:s16] =	ssyncset.done $0x0  }
0x10c: {  	[sflag:s16] =	ssyncadd.s32 $0xFFFFD000  }
0x10d: {  	_ =	swait.ge [sflag:s26], $0x3000  }
0x10e: {  	[sflag:s26] =	ssyncset.done $0x0  }
0x10f: {  	[sflag:s26] =	ssyncadd.s32 $0xFFFFD000  }
0x110: {  	[spmem:s2] =	stream.indirect.scatter.add.f32 [tilespmem:s23], [sflag:$0x4], $0x80, s30, s18, $0xb8;
	[tilespmem:$0x1F400] =	vst v63  }
0x111: {  	_ =	swait.ge [sflag:s16], $0x3000  }
0x112: {  	s31 =	sadd.s32 $0x1, s31;
	[sflag:s16] =	ssyncset.done $0x0  }
0x113: {  	p0 =	sne.s32 s31, s14;
	[sflag:s16] =	ssyncadd.s32 $0xFFFFD000  }
.Ltmp3:
0x114: {  	[bflag:$0x0] =	sbarrier.arrive $0xFFFF;
	(pc) =	sbr.rel @p0 .LBB2_1-.Ltmp3, $4  }
0x115: {  	[hbm:s13], [sflag:s6] =	dma.local [spmem:s15], $0x2780  }
0x116: {  	_ =	swait.ge [sflag:s16], $0x2780  }
0x117: {  	[sflag:s16] =	ssyncset.done $0x0  }
0x118: {  	[sflag:s16] =	ssyncadd.s32 $0xFFFFD880  }
0x119: {  	_ =	sfence.sel $0x180000  }
0x11a: {  	[bflag:$0x0] =	sbarrier.arrive $0xFFFF  }
0x11b: {  	_ =	strace $0x9000004A  }
0x11c: {  	s0 =	stileid.u32;
	[bflag:$0x2] =	sbarrier.arrive $0xFFFF  }
0x11d: {  	p0 =	sne.s32 s0, $0x0;
	s0 =	rddreg [dreg:$0x3]  }
0x11e: {  	s0 =	sadd.s32 @!p0 $0x100000, s0  }
0x11f: {  	[sflag:s0] =	ssyncadd.tile.s32 @!p0 $0x1;
	_ =	shalt  }
.Lfunc_end2:
_tile_overlayer_lowered:
.L_overlay_start_2:
0x120: {  	(tag) =	ssettag $0x2  }
0x121: {  	s0 =	rddreg [dreg:$0x0];
	s2 =	stileid.u32  }
0x122: {  	s1 =	rddreg [dreg:$0x1];
	p0 =	sne.s32 s2, $0x0  }
0x123: {  	s3 =	rddreg [dreg:$0x2];
	[bflag:$0x3] =	sbarrier.arrive $0xFFFF;
	s2 =	simm.s32 @!p0 $0x1C04  }
0x124: {  	[timem:s3], [sflag:s2] =	dma.local @!p0 [hbm:s0], s1  }
0x125: {  	s0 =	simm.s32 @!p0 $0x4  }
0x126: {  	_ =	swait.ge @!p0 [sflag:s0], s1  }
0x127: {  	s1 =	ssub.s32 @!p0 $0x0, s1;
	[sflag:s0] =	ssyncset.done @!p0 $0x0  }
0x128: {  	[sflag:s0] =	ssyncadd.s32 @!p0 s1  }
0x129: {  	[bflag:$0x3] =	sbarrier.arrive $0xFFFF  }
0x12a: {  	_ =	shalt  }

// kernel: kernel.7.cloned.1.call-start
scs
__scs_entry_jumppad:
0x0: {  	(pc) =	sbr.rel $0x88, $3  }
0x1: {  	(tag) =	ssettag $0x0;
	lr =	simm.s32 $0x1  }
0x2: {  	[smem:$0x3F99] =	sst lr;
	_ =	strace $0xD0000000  }
0x3: {  	_ = 	snop  }
0x4: {  	_ = 	snop  }
0x5: {  	_ = 	snop  }
0x6: {  	_ = 	snop  }
0x7: {  	_ = 	snop  }
__scs_overlays_trampoline_lowered:
0x8: {  	[smem:$0x3FA8] =	sst s0  }
0x9: {  	[smem:$0x3FA9] =	sst s1  }
0xa: {  	[smem:$0x3FAA] =	sst s2  }
0xb: {  	[smem:$0x3FAB] =	sst s3  }
0xc: {  	[smem:$0x3FAC] =	sst s4  }
0xd: {  	[smem:$0x3FAD] =	sst s5  }
0xe: {  	[smem:$0x3FAE] =	sst s6  }
0xf: {  	[smem:$0x3FAF] =	sst s7  }
0x10: {  	[smem:$0x3FB0] =	sst s8  }
0x11: {  	[smem:$0x3FB1] =	sst s9;
	s0 =	simm.s32 @!p0 $0x0  }
0x12: {  	s1 =	sld [smem:$0x3F97];
	s0 =	simm.s32 @p0 $0x1  }
0x13: {  	[smem:$0x3FB2] =	sst s0;
	s0 =	simm.s32 @!p1 $0x0  }
0x14: {  	s2 =	sld [smem:$0x3F96];
	s0 =	simm.s32 @p1 $0x1  }
0x15: {  	[smem:$0x3FB3] =	sst s0;
	s0 =	simm.s32 @!p2 $0x0  }
0x16: {  	s3 =	sld [smem:$0x3FDB];
	s0 =	simm.s32 @p2 $0x1  }
0x17: {  	s4 =	simm.s32 $0x1BF5;
	[smem:$0x3FB5] =	sst s0  }
0x18: {  	s0 =	sld [smem:$0x3F98];
	_ =	swait.ge [sflag:s4], $0x0  }
0x19: {  	s7 =	sld [smem:$0x3F99]  }
0x1a: {  	s8 =	sadd.s32 $0xFFFFE003, lr  }
0x1b: {  	s9 =	sadd.s32 $0xFFFFFEF7, lr;
	s5 =	simm.s32 $0xFFFFFFFF;
	p2 =	slt.u32 s8, $0xFFFFF086  }
0x1c: {  	p1 =	slt.u32 s9, $0xF7A;
	s5 =	simm.s32 @!p2 $0x0  }
0x1d: {  	s5 =	simm.s32 @p1 $0x1;
	p0 =	seq.s32 s7, s2  }
0x1e: {  	s7 =	smul.u32 @!p0 $0xF7A, s2;
	p2 =	seq.s32 @!p0 s5, $0x0  }
0x1f: {  	s9 =	smul.u32 $0xF7A, s1;
	s8 =	simm.s32 @!p0 $0x1BF5;
	p2 =	por !p2, p0  }
0x20: {  	[sflag:s8] =	ssyncset.s32 @!p0 $0xFFFFF086;
	s6 =	sadd.s32 @!p0 s3, s7;
	s7 =	simm.s32 @!p0 $0x108  }
0x21: {  	s3 =	sadd.s32 s3, s9;
	s6 =	sadd.s32 @!p0 $0x88, s6;
	s7 =	simm.s32 @p2 $0x1082  }
0x22: {  	[simem:s7], [sflag:s8] =	dma.local @!p0 [hbm:s6], $0xF7A  }
0x23: {  	s9 =	sor.u32 $0xD0000000, s2;
	s6 =	simm.s32 $0x108;
	_ =	swait.ge @!p0 [sflag:s8], $0x0  }
0x24: {  	s3 =	sadd.s32 $0x88, s3;
	s6 =	simm.s32 @!p1 $0x1082;
	[sflag:s4] =	ssyncset.s32 $0xFFFFF086  }
0x25: {  	[simem:s6], [sflag:s4] =	dma.local [hbm:s3], $0xF7A  }
0x26: {  	[smem:$0x3F99] =	sst s1;
	(tag) =	ssettag s2;
	_ =	strace s9  }
0x27: {  	s1 =	sld [smem:$0x3FA9]  }
0x28: {  	s2 =	sld [smem:$0x3FAA]  }
0x29: {  	s4 =	sld [smem:$0x3FAC]  }
0x2a: {  	p0 =	seq.s32 s5, $0x0;
	s5 =	sld [smem:$0x3FAD]  }
0x2b: {  	s6 =	sld [smem:$0x3FAE]  }
0x2c: {  	s7 =	sld [smem:$0x3FAF]  }
0x2d: {  	s3 =	simm.s32 $0x108;
	s8 =	sld [smem:$0x3FB0]  }
0x2e: {  	s3 =	simm.s32 @!p0 $0x1082;
	s9 =	sld [smem:$0x3FB1]  }
0x2f: {  	lr =	sadd.s32 s0, s3;
	s0 =	sld [smem:$0x3FA8]  }
0x30: {  	s3 =	sld [smem:$0x3FAB]  }
0x31: {  	[smem:$0x3FB4] =	sst s10  }
0x32: {  	s10 =	sld [smem:$0x3FB2];
	_ =	sdelay $0x3  }
0x33: {  	p0 =	seq.s32 s10, $0x1;
	s10 =	sld [smem:$0x3FB4];
	_ =	sdelay $0x3  }
0x34: {  	[smem:$0x3FB4] =	sst s10  }
0x35: {  	s10 =	sld [smem:$0x3FB3];
	_ =	sdelay $0x3  }
0x36: {  	p1 =	seq.s32 s10, $0x1;
	s10 =	sld [smem:$0x3FB4];
	_ =	sdelay $0x3  }
0x37: {  	[smem:$0x3FB4] =	sst s10  }
0x38: {  	s10 =	sld [smem:$0x3FB5]  }
0x39: {  	_ = 	snop;
	(pc) =	sbr.ind lr, $3  }
0x3a: {  	_ = 	snop  }
0x3b: {  	_ = 	snop  }
0x3c: {  	p2 =	seq.s32 s10, $0x1;
	s10 =	sld [smem:$0x3FB4]  }
0x3d: {  	_ =	shalt  }
0x3e: {  	_ =	shalt  }
0x3f: {  	_ =	shalt  }
0x40: {  	_ =	shalt  }
0x41: {  	_ =	shalt  }
0x42: {  	_ =	shalt  }
0x43: {  	_ =	shalt  }
0x44: {  	_ =	shalt  }
0x45: {  	_ =	shalt  }
0x46: {  	_ =	shalt  }
0x47: {  	_ =	shalt  }
0x48: {  	_ =	shalt  }
0x49: {  	_ =	shalt  }
0x4a: {  	_ =	shalt  }
0x4b: {  	_ =	shalt  }
0x4c: {  	_ =	shalt  }
0x4d: {  	_ =	shalt  }
0x4e: {  	_ =	shalt  }
0x4f: {  	_ =	shalt  }
0x50: {  	_ =	shalt  }
0x51: {  	_ =	shalt  }
0x52: {  	_ =	shalt  }
0x53: {  	_ =	shalt  }
0x54: {  	_ =	shalt  }
0x55: {  	_ =	shalt  }
0x56: {  	_ =	shalt  }
0x57: {  	_ =	shalt  }
0x58: {  	_ =	shalt  }
0x59: {  	_ =	shalt  }
0x5a: {  	_ =	shalt  }
0x5b: {  	_ =	shalt  }
0x5c: {  	_ =	shalt  }
0x5d: {  	_ =	shalt  }
0x5e: {  	_ =	shalt  }
0x5f: {  	_ =	shalt  }
0x60: {  	_ =	shalt  }
0x61: {  	_ =	shalt  }
0x62: {  	_ =	shalt  }
0x63: {  	_ =	shalt  }
0x64: {  	_ =	shalt  }
0x65: {  	_ =	shalt  }
0x66: {  	_ =	shalt  }
0x67: {  	_ =	shalt  }
0x68: {  	_ =	shalt  }
0x69: {  	_ =	shalt  }
0x6a: {  	_ =	shalt  }
0x6b: {  	_ =	shalt  }
0x6c: {  	_ =	shalt  }
0x6d: {  	_ =	shalt  }
0x6e: {  	_ =	shalt  }
0x6f: {  	_ =	shalt  }
0x70: {  	_ =	shalt  }
0x71: {  	_ =	shalt  }
0x72: {  	_ =	shalt  }
0x73: {  	_ =	shalt  }
0x74: {  	_ =	shalt  }
0x75: {  	_ =	shalt  }
0x76: {  	_ =	shalt  }
0x77: {  	_ =	shalt  }
0x78: {  	_ =	shalt  }
0x79: {  	_ =	shalt  }
0x7a: {  	_ =	shalt  }
0x7b: {  	_ =	shalt  }
0x7c: {  	_ =	shalt  }
0x7d: {  	_ =	shalt  }
0x7e: {  	_ =	shalt  }
0x7f: {  	_ =	shalt  }
0x80: {  	_ =	shalt  }
0x81: {  	_ =	shalt  }
0x82: {  	_ =	shalt  }
0x83: {  	_ =	shalt  }
0x84: {  	_ =	shalt  }
0x85: {  	_ =	shalt  }
0x86: {  	_ =	shalt  }
0x87: {  	_ =	shalt  }
.Lfunc_end0:
.L_simem_size_0:
called_computation_lowered:
.L_overlay_start_0:
0x88: {  	s2 =	sld [smem:$0x3FD9]  }
0x89: {  	s3 =	sld [smem:$0x3FFE];
	_ =	sdelay $0x1  }
0x8a: {  	s1 =	srdreg.scid  }
0x8b: {  	s0 =	sand.u32 $0x1, s1  }
0x8c: {  	s17 =	sshll.u32 s0, $0xA;
	s2 =	sadd.s32 s3, s2  }
0x8d: {  	s2 =	sadd.s32 s2, s17  }
0x8e: {  	[smem:$0x3FC0] =	sst s2  }
0x8f: {  	_ = 	snop  }
0x90: {  	s2 =	sld [smem:$0x3FD0];
	(tm) =	ssettm $0x1  }
0x91: {  	s18 =	sld [smem:$0x3FFB];
	_ =	sdelay $0x3  }
0x92: {  	_ =	strace s18  }
0x93: {  	s3 =	sld [smem:$0x3FFC];
	_ =	sdelay $0x3  }
0x94: {  	_ =	strace s3  }
0x95: {  	s3 =	sld [smem:$0x3FFD];
	_ =	sdelay $0x3  }
0x96: {  	_ =	strace s3  }
0x97: {  	_ =	strace $0x8FFFFFFF  }
0x98: {  	s19 =	sld [smem:$0x3FDB];
	_ =	sdelay $0x1  }
0x99: {  	s4 =	simm.s32 $_scs_section_size  }
0x9a: {  	s5 =	simm.s32 $_size__tile_overlayer_lowered;
	s6 =	simm.s32 $_tile_overlayer_lowered  }
0x9b: {  	s22 =	simm.s32 $0x1BFF;
	s21 =	sshll.u32 s6, $0x1;
	s3 =	sadd.s32 s4, s19  }
0x9c: {  	s7 =	simm.s32 $0x0;
	s20 =	sshll.u32 s5, $0x1;
	s5 =	sadd.s32 s21, s3  }
0x9d: {  	[timem:s7], [sflag:s22] =	dma.local [hbm:s5], s20  }
0x9e: {  	_ =	swait.ge [sflag:s22], s20  }
0x9f: {  	s4 =	ssub.s32 $0x0, s20;
	[sflag:s22] =	ssyncset.done $0x0  }
0xa0: {  	[sflag:s22] =	ssyncadd.s32 s4;
	_ =	sdelay $0x1  }
0xa1: {  	s23 =	simm.s32 $0x1B8B  }
0xa2: {  	_ =	swait.ge [sflag:s23], $0x1  }
0xa3: {  	[sflag:s23] =	ssyncset.done $0x0  }
0xa4: {  	s25 =	simm.s32 $0x1B8E;
	s24 =	sld [smem:$0x3FFE];
	[sflag:s23] =	ssyncadd.s32 $0xFFFFFFFF  }
0xa5: {  	s26 =	simm.s32 $execute0_lowered;
	[smem:$0x3FD2] =	sst s25  }
0xa6: {  	s5 =	sshll.u32 s26, $0x1;
	_ =	strace $0x80000046;
	[dreg:$0x1] =	wrdreg $0xFFFFFFFF  }
0xa7: {  	s28 =	simm.s32 $_size_execute0_lowered;
	s3 =	sadd.s32 s3, s5;
	[dreg:$0x0] =	wrdreg $0x0  }
0xa8: {  	s5 =	sshll.u32 s28, $0x1;
	[dreg:$0x2] =	wrdreg s3  }
0xa9: {  	[dreg:$0x3] =	wrdreg s5  }
0xaa: {  	[dreg:$0x4] =	wrdreg $0xC0  }
0xab: {  	_ =	task [dreg:s7], $0x5FFFF  }
0xac: {  	[dreg:$0x1] =	wrdreg $0xFFFFFFFF  }
0xad: {  	[dreg:$0x0] =	wrdreg $0x60  }
0xae: {  	[dreg:$0x2] =	wrdreg s2  }
0xaf: {  	[dreg:$0x3] =	wrdreg s24  }
0xb0: {  	[dreg:$0x4] =	wrdreg $0xB8000  }
0xb1: {  	[dreg:$0x5] =	wrdreg $0x9  }
0xb2: {  	_ =	task.clear_ibuf [dreg:s7], $0x6FFFF;
	_ =	strace $0x90000046  }
0xb3: {  	s29 =	simm.s32 $0x9;
	_ =	strace $0x80000048  }
0xb4: {  	_ =	swait.ge [sflag:s29], $0x1  }
0xb5: {  	[sflag:s29] =	ssyncadd.s32 $0xFFFFFFFF  }
0xb6: {  	_ =	strace $0x90000048  }
0xb7: {  	_ =	sfence  }
0xb8: {  	s30 =	sld [smem:$0x0];
	_ =	sdelay $0x2  }
0xb9: {  	s31 =	sshll.u32 s1, $0xD;
	s1 =	sshrl.u32 s1, $0x2  }
0xba: {  	s3 =	sand.u32 $0x4000, s31;
	s1 =	sadd.s32 s1, s30  }
0xbb: {  	s0 =	sor.u32 s3, s0;
	s1 =	sshll.u32 s1, $0x11  }
0xbc: {  	s0 =	sor.u32 s1, s0  }
0xbd: {  	s0 =	sadd.s32 $0x8F2B, s0  }
0xbe: {  	[sflag:s0] =	ssyncadd.remote.s32 $0x1  }
0xbf: {  	_ =	sfence.sel $0xFFFF  }
0xc0: {  	[dreg:$0x0] =	wrdreg $0xFFFFFFFF;
	(pc) =	sbr.abs _section_cstart, $3  }
0xc1: {  	[dreg:$0x1] =	wrdreg $0xFFFFFFFF  }
0xc2: {  	_ =	task.clear_ibuf [dreg:s7], $0x2FFFF;
	_ =	strace $0x9FFFFFFF  }
0xc3: {  	(tm) =	ssettm $0x7FFFFFFF  }
tec
execute0_lowered:
.L_overlay_start_1:
0x0: {  	(tag) =	ssettag $0x1  }
0x1: {  	s1 =	rddreg [dreg:$0x0]  }
0x2: {  	s0 =	rddreg [dreg:$0x1]  }
0x3: {  	s2 =	rddreg [dreg:$0x2];
	s3 =	srdreg.scid  }
0x4: {  	s4 =	simm.s32 $0x0;
	s10 =	stileid.u32;
	s16 =	simm.s32 $0x4  }
0x5: {  	s17 =	simm.s32 $0x1400;
	s18 =	simm.s32 $0x60;
	s19 =	simm.s32 $0x2800  }
0x6: {  	s20 =	simm.s32 $0x80;
	s21 =	simm.s32 $0x5800;
	s28 =	simm.s32 $0x2480  }
0x7: {  	s29 =	simm.s32 $0x2500;
	s30 =	simm.s32 $0x2580;
	s31 =	simm.s32 $0x0  }
0x8: {  	s3 =	sand.u32 $0x1, s3;
	[smem:$0x7FF] =	sst s4;
	s11 =	sadd.s32 $0x2200, s0  }
0x9: {  	s12 =	sadd.s32 $0x11200, s0;
	s22 =	sshll.u32 s10, $0x1;
	s8 =	smul.u32 $0x4F000, s10  }
0xa: {  	s23 =	sadd.s32 $0x20200, s0;
	s25 =	sshll.u32 s10, $0x6;
	s5 =	sshll.u32 s3, $0x4  }
0xb: {  	_ =	strace $0x80000047;
	s7 =	ssub.s32 $0x2, s3;
	s3 =	sor.u32 s3, s22  }
0xc: {  	[dreg:$0x4] =	wrdreg s23;
	s22 =	simm.s32 $0x100;
	s23 =	simm.s32 $0x8800  }
0xd: {  	s5 =	sor.u32 s10, s5;
	s9 =	sshrl.u32 s7, $0x1;
	s3 =	smul.u32 $0x3C00, s3  }
0xe: {  	s24 =	sshrl.u32 s8, $0x2;
	s6 =	smul.u32 $0x2780, s5;
	s14 =	ssub.s32 s7, s9  }
0xf: {  	s15 =	sadd.s32 s24, s2;
	s24 =	simm.s32 $0x1;
	s3 =	sshrl.u32 s3, $0x3  }
0x10: {  	s14 =	smax.u32 s14, $0x1;
	s15 =	sshrl.u32 s15, $0x3;
	s0 =	sadd.s32 s6, s0  }
0x11: {  	s6 =	sor.u32 $0x1C04, s25;
	s7 =	sadd.s32 s11, s3;
	s26 =	sadd.s32 $0x280, s3  }
0x12: {  	s8 =	sadd.s32 s12, s3;
	s3 =	sadd.s32 $0x500, s3;
	s25 =	simm.s32 $0x2  }
0x13: {  	s9 =	sadd.s32 s11, s26;
	s10 =	sadd.s32 s12, s26;
	s11 =	sadd.s32 s11, s3  }
0x14: {  	s12 =	sadd.s32 s12, s3;
	s13 =	sadd.s32 $0x22A00, s0;
	s26 =	simm.s32 $0x3  }
.LBB2_1:
0x15: {  	s0 =	rddreg [dreg:$0x4]  }
0x16: {  	[spmem:s15], [sflag:s6] =	dma.local [hbm:s0], $0x2780  }
0x17: {  	_ =	swait.ge [sflag:s16], $0x2780  }
0x18: {  	[sflag:s16] =	ssyncset.done $0x0  }
0x19: {  	[sflag:s16] =	ssyncadd.s32 $0xFFFFD880  }
0x1a: {  	[bflag:$0x0] =	sbarrier.arrive $0xFFFF  }
0x1b: {  	[tilespmem:s4], [sflag:$0x4] =	stream.linear.gather [hbm4b:s7+s4], $0x1200, $0x38;
	[tilespmem:$0x1F400] =	vst v63  }
0x1c: {  	_ =	swait.ge [sflag:s16], $0x1200  }
0x1d: {  	[sflag:s16] =	ssyncset.done $0x0  }
0x1e: {  	[sflag:s16] =	ssyncadd.s32 $0xFFFFEE00  }
0x1f: {  	[tilespmem:s17], [sflag:$0x4] =	stream.linear.gather [hbm4b:s8+s4], $0x1200, $0x38;
	[tilespmem:$0x1F400] =	vst v63  }
0x20: {  	_ =	swait.ge [sflag:s16], $0x1200  }
0x21: {  	[sflag:s16] =	ssyncset.done $0x0  }
0x22: {  	[sflag:s16] =	ssyncadd.s32 $0xFFFFEE00  }
0x23: {  	[tilespmem:s19], [sflag:$0x1] =	stream.indirect.gather [hbm4b:s1+s18], $0x80, s4, s18, $0xb8;
	[tilespmem:$0x1F400] =	vst v63  }
0x24: {  	_ = 	snop  }
0x25: {  	[tilespmem:s21], [sflag:$0x2] =	stream.indirect.gather [hbm4b:s1+s18], $0x80, s20, s18, $0xb8;
	[tilespmem:$0x1F400] =	vst v63  }
0x26: {  	_ = 	snop  }
0x27: {  	[tilespmem:s23], [sflag:$0x3] =	stream.indirect.gather [hbm4b:s1+s18], $0x80, s22, s18, $0xb8;
	[tilespmem:$0x1F400] =	vst v63  }
0x28: {  	_ =	swait.ge [sflag:s24], $0x3000  }
0x29: {  	[sflag:s24] =	ssyncset.done $0x0  }
0x2a: {  	s5 =	simm.s32 $0x1400;
	[sflag:s24] =	ssyncadd.s32 $0xFFFFD000  }
0x2b: {  	[spmem:s2] =	stream.indirect.scatter.add.f32 [tilespmem:s19], [sflag:$0x4], $0x80, s5, s18, $0xb8;
	[tilespmem:$0x1F400] =	vst v63  }
0x2c: {  	_ =	swait.ge [sflag:s16], $0x3000  }
0x2d: {  	[sflag:s16] =	ssyncset.done $0x0  }
0x2e: {  	s3 =	simm.s32 $0x180;
	[sflag:s16] =	ssyncadd.s32 $0xFFFFD000  }
0x2f: {  	[tilespmem:s19], [sflag:$0x1] =	stream.indirect.gather [hbm4b:s1+s18], $0x80, s3, s18, $0xb8;
	[tilespmem:$0x1F400] =	vst v63  }
0x30: {  	_ =	swait.ge [sflag:s25], $0x3000  }
0x31: {  	[sflag:s25] =	ssyncset.done $0x0  }
0x32: {  	s5 =	simm.s32 $0x1480;
	[sflag:s25] =	ssyncadd.s32 $0xFFFFD000  }
0x33: {  	[spmem:s2] =	stream.indirect.scatter.add.f32 [tilespmem:s21], [sflag:$0x4], $0x80, s5, s18, $0xb8;
	[tilespmem:$0x1F400] =	vst v63  }
0x34: {  	_ =	swait.ge [sflag:s16], $0x3000  }
0x35: {  	[sflag:s16] =	ssyncset.done $0x0  }
0x36: {  	s3 =	simm.s32 $0x200;
	[sflag:s16] =	ssyncadd.s32 $0xFFFFD000  }
0x37: {  	[tilespmem:s21], [sflag:$0x2] =	stream.indirect.gather [hbm4b:s1+s18], $0x80, s3, s18, $0xb8;
	[tilespmem:$0x1F400] =	vst v63  }
0x38: {  	_ =	swait.ge [sflag:s26], $0x3000  }
0x39: {  	[sflag:s26] =	ssyncset.done $0x0  }
0x3a: {  	s5 =	simm.s32 $0x1500;
	[sflag:s26] =	ssyncadd.s32 $0xFFFFD000  }
0x3b: {  	[spmem:s2] =	stream.indirect.scatter.add.f32 [tilespmem:s23], [sflag:$0x4], $0x80, s5, s18, $0xb8;
	[tilespmem:$0x1F400] =	vst v63  }
0x3c: {  	_ =	swait.ge [sflag:s16], $0x3000  }
0x3d: {  	[sflag:s16] =	ssyncset.done $0x0  }
0x3e: {  	s0 =	simm.s32 $0x600;
	s3 =	simm.s32 $0x280;
	[sflag:s16] =	ssyncadd.s32 $0xFFFFD000  }
.LBB2_2:
0x3f: {  	[tilespmem:s23], [sflag:$0x3] =	stream.indirect.gather [hbm4b:s1+s18], $0x80, s3, s18, $0xb8;
	[tilespmem:$0x1F400] =	vst v63  }
0x40: {  	s3 =	smov.u32 s0  }
0x41: {  	p0 =	sne.s32 s0, $0x3C00;
	s0 =	sadd.s32 $0x600, s0;
	_ =	swait.ge [sflag:s24], $0x3000  }
0x42: {  	s3 =	sshra.s32 s3, $0x2;
	[sflag:s24] =	ssyncset.done $0x0  }
0x43: {  	s5 =	sadd.s32 $0x1400, s3;
	[sflag:s24] =	ssyncadd.s32 $0xFFFFD000  }
0x44: {  	[spmem:s2] =	stream.indirect.scatter.add.f32 [tilespmem:s19], [sflag:$0x4], $0x80, s5, s18, $0xb8;
	[tilespmem:$0x1F400] =	vst v63  }
0x45: {  	_ =	swait.ge [sflag:s16], $0x3000  }
0x46: {  	[sflag:s16] =	ssyncset.done $0x0  }
0x47: {  	s5 =	sadd.s32 $0x180, s3;
	[sflag:s16] =	ssyncadd.s32 $0xFFFFD000  }
0x48: {  	[tilespmem:s19], [sflag:$0x1] =	stream.indirect.gather [hbm4b:s1+s18], $0x80, s5, s18, $0xb8;
	[tilespmem:$0x1F400] =	vst v63  }
0x49: {  	_ =	swait.ge [sflag:s25], $0x3000  }
0x4a: {  	[sflag:s25] =	ssyncset.done $0x0  }
0x4b: {  	s5 =	sadd.s32 $0x1480, s3;
	[sflag:s25] =	ssyncadd.s32 $0xFFFFD000  }
0x4c: {  	[spmem:s2] =	stream.indirect.scatter.add.f32 [tilespmem:s21], [sflag:$0x4], $0x80, s5, s18, $0xb8;
	[tilespmem:$0x1F400] =	vst v63  }
0x4d: {  	_ =	swait.ge [sflag:s16], $0x3000  }
0x4e: {  	[sflag:s16] =	ssyncset.done $0x0  }
0x4f: {  	s5 =	sadd.s32 $0x200, s3;
	[sflag:s16] =	ssyncadd.s32 $0xFFFFD000  }
0x50: {  	[tilespmem:s21], [sflag:$0x2] =	stream.indirect.gather [hbm4b:s1+s18], $0x80, s5, s18, $0xb8;
	[tilespmem:$0x1F400] =	vst v63  }
0x51: {  	_ =	swait.ge [sflag:s26], $0x3000  }
0x52: {  	[sflag:s26] =	ssyncset.done $0x0  }
.Ltmp0:
0x53: {  	s5 =	sadd.s32 $0x1500, s3;
	[sflag:s26] =	ssyncadd.s32 $0xFFFFD000;
	(pc) =	sbr.rel @p0 .LBB2_2-.Ltmp0, $4  }
0x54: {  	[spmem:s2] =	stream.indirect.scatter.add.f32 [tilespmem:s23], [sflag:$0x4], $0x80, s5, s18, $0xb8;
	[tilespmem:$0x1F400] =	vst v63  }
0x55: {  	_ =	swait.ge [sflag:s16], $0x3000  }
0x56: {  	[sflag:s16] =	ssyncset.done $0x0  }
0x57: {  	s3 =	sadd.s32 $0x280, s3;
	[sflag:s16] =	ssyncadd.s32 $0xFFFFD000  }
0x58: {  	[tilespmem:s23], [sflag:$0x3] =	stream.indirect.gather [hbm4b:s1+s18], $0x80, s3, s18, $0xb8;
	[tilespmem:$0x1F400] =	vst v63  }
0x59: {  	_ =	swait.ge [sflag:s24], $0x3000  }
0x5a: {  	[sflag:s24] =	ssyncset.done $0x0  }
0x5b: {  	[sflag:s24] =	ssyncadd.s32 $0xFFFFD000  }
0x5c: {  	[spmem:s2] =	stream.indirect.scatter.add.f32 [tilespmem:s19], [sflag:$0x4], $0x80, s28, s18, $0xb8;
	[tilespmem:$0x1F400] =	vst v63  }
0x5d: {  	_ =	swait.ge [sflag:s16], $0x3000  }
0x5e: {  	[sflag:s16] =	ssyncset.done $0x0  }
0x5f: {  	[sflag:s16] =	ssyncadd.s32 $0xFFFFD000  }
0x60: {  	_ =	swait.ge [sflag:s25], $0x3000  }
0x61: {  	[sflag:s25] =	ssyncset.done $0x0  }
0x62: {  	[sflag:s25] =	ssyncadd.s32 $0xFFFFD000  }
0x63: {  	[spmem:s2] =	stream.indirect.scatter.add.f32 [tilespmem:s21], [sflag:$0x4], $0x80, s29, s18, $0xb8;
	[tilespmem:$0x1F400] =	vst v63  }
0x64: {  	_ =	swait.ge [sflag:s16], $0x3000  }
0x65: {  	[sflag:s16] =	ssyncset.done $0x0  }
0x66: {  	[sflag:s16] =	ssyncadd.s32 $0xFFFFD000  }
0x67: {  	_ =	swait.ge [sflag:s26], $0x3000  }
0x68: {  	[sflag:s26] =	ssyncset.done $0x0  }
0x69: {  	[sflag:s26] =	ssyncadd.s32 $0xFFFFD000  }
0x6a: {  	[spmem:s2] =	stream.indirect.scatter.add.f32 [tilespmem:s23], [sflag:$0x4], $0x80, s30, s18, $0xb8;
	[tilespmem:$0x1F400] =	vst v63  }
0x6b: {  	_ =	swait.ge [sflag:s16], $0x3000  }
0x6c: {  	[sflag:s16] =	ssyncset.done $0x0  }
0x6d: {  	s0 =	simm.s32 $0x0;
	[sflag:s16] =	ssyncadd.s32 $0xFFFFD000  }
0x6e: {  	[tilespmem:s0], [sflag:$0x4] =	stream.linear.gather [hbm4b:s9+s0], $0x1200, $0x38;
	[tilespmem:$0x1F400] =	vst v63  }
0x6f: {  	_ =	swait.ge [sflag:s16], $0x1200  }
0x70: {  	[sflag:s16] =	ssyncset.done $0x0  }
0x71: {  	[sflag:s16] =	ssyncadd.s32 $0xFFFFEE00  }
0x72: {  	[tilespmem:s17], [sflag:$0x4] =	stream.linear.gather [hbm4b:s10+s0], $0x1200, $0x38;
	[tilespmem:$0x1F400] =	vst v63  }
0x73: {  	_ =	swait.ge [sflag:s16], $0x1200  }
0x74: {  	[sflag:s16] =	ssyncset.done $0x0  }
0x75: {  	[sflag:s16] =	ssyncadd.s32 $0xFFFFEE00  }
0x76: {  	[tilespmem:s19], [sflag:$0x1] =	stream.indirect.gather [hbm4b:s1+s18], $0x80, s0, s18, $0xb8;
	[tilespmem:$0x1F400] =	vst v63  }
0x77: {  	_ = 	snop  }
0x78: {  	[tilespmem:s21], [sflag:$0x2] =	stream.indirect.gather [hbm4b:s1+s18], $0x80, s20, s18, $0xb8;
	[tilespmem:$0x1F400] =	vst v63  }
0x79: {  	_ = 	snop  }
0x7a: {  	[tilespmem:s23], [sflag:$0x3] =	stream.indirect.gather [hbm4b:s1+s18], $0x80, s22, s18, $0xb8;
	[tilespmem:$0x1F400] =	vst v63  }
0x7b: {  	_ =	swait.ge [sflag:s24], $0x3000  }
0x7c: {  	[sflag:s24] =	ssyncset.done $0x0  }
0x7d: {  	s5 =	simm.s32 $0x1400;
	[sflag:s24] =	ssyncadd.s32 $0xFFFFD000  }
0x7e: {  	[spmem:s2] =	stream.indirect.scatter.add.f32 [tilespmem:s19], [sflag:$0x4], $0x80, s5, s18, $0xb8;
	[tilespmem:$0x1F400] =	vst v63  }
0x7f: {  	_ =	swait.ge [sflag:s16], $0x3000  }
0x80: {  	[sflag:s16] =	ssyncset.done $0x0  }
0x81: {  	s3 =	simm.s32 $0x180;
	[sflag:s16] =	ssyncadd.s32 $0xFFFFD000  }
0x82: {  	[tilespmem:s19], [sflag:$0x1] =	stream.indirect.gather [hbm4b:s1+s18], $0x80, s3, s18, $0xb8;
	[tilespmem:$0x1F400] =	vst v63  }
0x83: {  	_ =	swait.ge [sflag:s25], $0x3000  }
0x84: {  	[sflag:s25] =	ssyncset.done $0x0  }
0x85: {  	s5 =	simm.s32 $0x1480;
	[sflag:s25] =	ssyncadd.s32 $0xFFFFD000  }
0x86: {  	[spmem:s2] =	stream.indirect.scatter.add.f32 [tilespmem:s21], [sflag:$0x4], $0x80, s5, s18, $0xb8;
	[tilespmem:$0x1F400] =	vst v63  }
0x87: {  	_ =	swait.ge [sflag:s16], $0x3000  }
0x88: {  	[sflag:s16] =	ssyncset.done $0x0  }
0x89: {  	s3 =	simm.s32 $0x200;
	[sflag:s16] =	ssyncadd.s32 $0xFFFFD000  }
0x8a: {  	[tilespmem:s21], [sflag:$0x2] =	stream.indirect.gather [hbm4b:s1+s18], $0x80, s3, s18, $0xb8;
	[tilespmem:$0x1F400] =	vst v63  }
0x8b: {  	_ =	swait.ge [sflag:s26], $0x3000  }
0x8c: {  	[sflag:s26] =	ssyncset.done $0x0  }
0x8d: {  	s5 =	simm.s32 $0x1500;
	[sflag:s26] =	ssyncadd.s32 $0xFFFFD000  }
0x8e: {  	[spmem:s2] =	stream.indirect.scatter.add.f32 [tilespmem:s23], [sflag:$0x4], $0x80, s5, s18, $0xb8;
	[tilespmem:$0x1F400] =	vst v63  }
0x8f: {  	_ =	swait.ge [sflag:s16], $0x3000  }
0x90: {  	[sflag:s16] =	ssyncset.done $0x0  }
0x91: {  	s0 =	simm.s32 $0x600;
	s3 =	simm.s32 $0x280;
	[sflag:s16] =	ssyncadd.s32 $0xFFFFD000  }
.LBB2_4:
0x92: {  	[tilespmem:s23], [sflag:$0x3] =	stream.indirect.gather [hbm4b:s1+s18], $0x80, s3, s18, $0xb8;
	[tilespmem:$0x1F400] =	vst v63  }
0x93: {  	s3 =	smov.u32 s0  }
0x94: {  	p0 =	sne.s32 s0, $0x3C00;
	s0 =	sadd.s32 $0x600, s0;
	_ =	swait.ge [sflag:s24], $0x3000  }
0x95: {  	s3 =	sshra.s32 s3, $0x2;
	[sflag:s24] =	ssyncset.done $0x0  }
0x96: {  	s5 =	sadd.s32 $0x1400, s3;
	[sflag:s24] =	ssyncadd.s32 $0xFFFFD000  }
0x97: {  	[spmem:s2] =	stream.indirect.scatter.add.f32 [tilespmem:s19], [sflag:$0x4], $0x80, s5, s18, $0xb8;
	[tilespmem:$0x1F400] =	vst v63  }
0x98: {  	_ =	swait.ge [sflag:s16], $0x3000  }
0x99: {  	[sflag:s16] =	ssyncset.done $0x0  }
0x9a: {  	s5 =	sadd.s32 $0x180, s3;
	[sflag:s16] =	ssyncadd.s32 $0xFFFFD000  }
0x9b: {  	[tilespmem:s19], [sflag:$0x1] =	stream.indirect.gather [hbm4b:s1+s18], $0x80, s5, s18, $0xb8;
	[tilespmem:$0x1F400] =	vst v63  }
0x9c: {  	_ =	swait.ge [sflag:s25], $0x3000  }
0x9d: {  	[sflag:s25] =	ssyncset.done $0x0  }
0x9e: {  	s5 =	sadd.s32 $0x1480, s3;
	[sflag:s25] =	ssyncadd.s32 $0xFFFFD000  }
0x9f: {  	[spmem:s2] =	stream.indirect.scatter.add.f32 [tilespmem:s21], [sflag:$0x4], $0x80, s5, s18, $0xb8;
	[tilespmem:$0x1F400] =	vst v63  }
0xa0: {  	_ =	swait.ge [sflag:s16], $0x3000  }
0xa1: {  	[sflag:s16] =	ssyncset.done $0x0  }
0xa2: {  	s5 =	sadd.s32 $0x200, s3;
	[sflag:s16] =	ssyncadd.s32 $0xFFFFD000  }
0xa3: {  	[tilespmem:s21], [sflag:$0x2] =	stream.indirect.gather [hbm4b:s1+s18], $0x80, s5, s18, $0xb8;
	[tilespmem:$0x1F400] =	vst v63  }
0xa4: {  	_ =	swait.ge [sflag:s26], $0x3000  }
0xa5: {  	[sflag:s26] =	ssyncset.done $0x0  }
.Ltmp1:
0xa6: {  	s5 =	sadd.s32 $0x1500, s3;
	[sflag:s26] =	ssyncadd.s32 $0xFFFFD000;
	(pc) =	sbr.rel @p0 .LBB2_4-.Ltmp1, $4  }
0xa7: {  	[spmem:s2] =	stream.indirect.scatter.add.f32 [tilespmem:s23], [sflag:$0x4], $0x80, s5, s18, $0xb8;
	[tilespmem:$0x1F400] =	vst v63  }
0xa8: {  	_ =	swait.ge [sflag:s16], $0x3000  }
0xa9: {  	[sflag:s16] =	ssyncset.done $0x0  }
0xaa: {  	s3 =	sadd.s32 $0x280, s3;
	[sflag:s16] =	ssyncadd.s32 $0xFFFFD000  }
0xab: {  	[tilespmem:s23], [sflag:$0x3] =	stream.indirect.gather [hbm4b:s1+s18], $0x80, s3, s18, $0xb8;
	[tilespmem:$0x1F400] =	vst v63  }
0xac: {  	_ =	swait.ge [sflag:s24], $0x3000  }
0xad: {  	[sflag:s24] =	ssyncset.done $0x0  }
0xae: {  	[sflag:s24] =	ssyncadd.s32 $0xFFFFD000  }
0xaf: {  	[spmem:s2] =	stream.indirect.scatter.add.f32 [tilespmem:s19], [sflag:$0x4], $0x80, s28, s18, $0xb8;
	[tilespmem:$0x1F400] =	vst v63  }
0xb0: {  	_ =	swait.ge [sflag:s16], $0x3000  }
0xb1: {  	[sflag:s16] =	ssyncset.done $0x0  }
0xb2: {  	[sflag:s16] =	ssyncadd.s32 $0xFFFFD000  }
0xb3: {  	_ =	swait.ge [sflag:s25], $0x3000  }
0xb4: {  	[sflag:s25] =	ssyncset.done $0x0  }
0xb5: {  	[sflag:s25] =	ssyncadd.s32 $0xFFFFD000  }
0xb6: {  	[spmem:s2] =	stream.indirect.scatter.add.f32 [tilespmem:s21], [sflag:$0x4], $0x80, s29, s18, $0xb8;
	[tilespmem:$0x1F400] =	vst v63  }
0xb7: {  	_ =	swait.ge [sflag:s16], $0x3000  }
0xb8: {  	[sflag:s16] =	ssyncset.done $0x0  }
0xb9: {  	[sflag:s16] =	ssyncadd.s32 $0xFFFFD000  }
0xba: {  	_ =	swait.ge [sflag:s26], $0x3000  }
0xbb: {  	[sflag:s26] =	ssyncset.done $0x0  }
0xbc: {  	[sflag:s26] =	ssyncadd.s32 $0xFFFFD000  }
0xbd: {  	[spmem:s2] =	stream.indirect.scatter.add.f32 [tilespmem:s23], [sflag:$0x4], $0x80, s30, s18, $0xb8;
	[tilespmem:$0x1F400] =	vst v63  }
0xbe: {  	_ =	swait.ge [sflag:s16], $0x3000  }
0xbf: {  	[sflag:s16] =	ssyncset.done $0x0  }
0xc0: {  	s0 =	simm.s32 $0x0;
	[sflag:s16] =	ssyncadd.s32 $0xFFFFD000  }
0xc1: {  	[tilespmem:s0], [sflag:$0x4] =	stream.linear.gather [hbm4b:s11+s0], $0x1200, $0x38;
	[tilespmem:$0x1F400] =	vst v63  }
0xc2: {  	_ =	swait.ge [sflag:s16], $0x1200  }
0xc3: {  	[sflag:s16] =	ssyncset.done $0x0  }
0xc4: {  	[sflag:s16] =	ssyncadd.s32 $0xFFFFEE00  }
0xc5: {  	[tilespmem:s17], [sflag:$0x4] =	stream.linear.gather [hbm4b:s12+s0], $0x1200, $0x38;
	[tilespmem:$0x1F400] =	vst v63  }
0xc6: {  	_ =	swait.ge [sflag:s16], $0x1200  }
0xc7: {  	[sflag:s16] =	ssyncset.done $0x0  }
0xc8: {  	[sflag:s16] =	ssyncadd.s32 $0xFFFFEE00  }
0xc9: {  	[tilespmem:s19], [sflag:$0x1] =	stream.indirect.gather [hbm4b:s1+s18], $0x80, s0, s18, $0xb8;
	[tilespmem:$0x1F400] =	vst v63  }
0xca: {  	_ = 	snop  }
0xcb: {  	[tilespmem:s21], [sflag:$0x2] =	stream.indirect.gather [hbm4b:s1+s18], $0x80, s20, s18, $0xb8;
	[tilespmem:$0x1F400] =	vst v63  }
0xcc: {  	_ = 	snop  }
0xcd: {  	[tilespmem:s23], [sflag:$0x3] =	stream.indirect.gather [hbm4b:s1+s18], $0x80, s22, s18, $0xb8;
	[tilespmem:$0x1F400] =	vst v63  }
0xce: {  	_ =	swait.ge [sflag:s24], $0x3000  }
0xcf: {  	[sflag:s24] =	ssyncset.done $0x0  }
0xd0: {  	s5 =	simm.s32 $0x1400;
	[sflag:s24] =	ssyncadd.s32 $0xFFFFD000  }
0xd1: {  	[spmem:s2] =	stream.indirect.scatter.add.f32 [tilespmem:s19], [sflag:$0x4], $0x80, s5, s18, $0xb8;
	[tilespmem:$0x1F400] =	vst v63  }
0xd2: {  	_ =	swait.ge [sflag:s16], $0x3000  }
0xd3: {  	[sflag:s16] =	ssyncset.done $0x0  }
0xd4: {  	s3 =	simm.s32 $0x180;
	[sflag:s16] =	ssyncadd.s32 $0xFFFFD000  }
0xd5: {  	[tilespmem:s19], [sflag:$0x1] =	stream.indirect.gather [hbm4b:s1+s18], $0x80, s3, s18, $0xb8;
	[tilespmem:$0x1F400] =	vst v63  }
0xd6: {  	_ =	swait.ge [sflag:s25], $0x3000  }
0xd7: {  	[sflag:s25] =	ssyncset.done $0x0  }
0xd8: {  	s5 =	simm.s32 $0x1480;
	[sflag:s25] =	ssyncadd.s32 $0xFFFFD000  }
0xd9: {  	[spmem:s2] =	stream.indirect.scatter.add.f32 [tilespmem:s21], [sflag:$0x4], $0x80, s5, s18, $0xb8;
	[tilespmem:$0x1F400] =	vst v63  }
0xda: {  	_ =	swait.ge [sflag:s16], $0x3000  }
0xdb: {  	[sflag:s16] =	ssyncset.done $0x0  }
0xdc: {  	s3 =	simm.s32 $0x200;
	[sflag:s16] =	ssyncadd.s32 $0xFFFFD000  }
0xdd: {  	[tilespmem:s21], [sflag:$0x2] =	stream.indirect.gather [hbm4b:s1+s18], $0x80, s3, s18, $0xb8;
	[tilespmem:$0x1F400] =	vst v63  }
0xde: {  	_ =	swait.ge [sflag:s26], $0x3000  }
0xdf: {  	[sflag:s26] =	ssyncset.done $0x0  }
0xe0: {  	s5 =	simm.s32 $0x1500;
	[sflag:s26] =	ssyncadd.s32 $0xFFFFD000  }
0xe1: {  	[spmem:s2] =	stream.indirect.scatter.add.f32 [tilespmem:s23], [sflag:$0x4], $0x80, s5, s18, $0xb8;
	[tilespmem:$0x1F400] =	vst v63  }
0xe2: {  	_ =	swait.ge [sflag:s16], $0x3000  }
0xe3: {  	[sflag:s16] =	ssyncset.done $0x0  }
0xe4: {  	s0 =	simm.s32 $0x600;
	s3 =	simm.s32 $0x280;
	[sflag:s16] =	ssyncadd.s32 $0xFFFFD000  }
.LBB2_6:
0xe5: {  	[tilespmem:s23], [sflag:$0x3] =	stream.indirect.gather [hbm4b:s1+s18], $0x80, s3, s18, $0xb8;
	[tilespmem:$0x1F400] =	vst v63  }
0xe6: {  	s3 =	smov.u32 s0  }
0xe7: {  	p0 =	sne.s32 s0, $0x3C00;
	s0 =	sadd.s32 $0x600, s0;
	_ =	swait.ge [sflag:s24], $0x3000  }
0xe8: {  	s3 =	sshra.s32 s3, $0x2;
	[sflag:s24] =	ssyncset.done $0x0  }
0xe9: {  	s5 =	sadd.s32 $0x1400, s3;
	[sflag:s24] =	ssyncadd.s32 $0xFFFFD000  }
0xea: {  	[spmem:s2] =	stream.indirect.scatter.add.f32 [tilespmem:s19], [sflag:$0x4], $0x80, s5, s18, $0xb8;
	[tilespmem:$0x1F400] =	vst v63  }
0xeb: {  	_ =	swait.ge [sflag:s16], $0x3000  }
0xec: {  	[sflag:s16] =	ssyncset.done $0x0  }
0xed: {  	s5 =	sadd.s32 $0x180, s3;
	[sflag:s16] =	ssyncadd.s32 $0xFFFFD000  }
0xee: {  	[tilespmem:s19], [sflag:$0x1] =	stream.indirect.gather [hbm4b:s1+s18], $0x80, s5, s18, $0xb8;
	[tilespmem:$0x1F400] =	vst v63  }
0xef: {  	_ =	swait.ge [sflag:s25], $0x3000  }
0xf0: {  	[sflag:s25] =	ssyncset.done $0x0  }
0xf1: {  	s5 =	sadd.s32 $0x1480, s3;
	[sflag:s25] =	ssyncadd.s32 $0xFFFFD000  }
0xf2: {  	[spmem:s2] =	stream.indirect.scatter.add.f32 [tilespmem:s21], [sflag:$0x4], $0x80, s5, s18, $0xb8;
	[tilespmem:$0x1F400] =	vst v63  }
0xf3: {  	_ =	swait.ge [sflag:s16], $0x3000  }
0xf4: {  	[sflag:s16] =	ssyncset.done $0x0  }
0xf5: {  	s5 =	sadd.s32 $0x200, s3;
	[sflag:s16] =	ssyncadd.s32 $0xFFFFD000  }
0xf6: {  	[tilespmem:s21], [sflag:$0x2] =	stream.indirect.gather [hbm4b:s1+s18], $0x80, s5, s18, $0xb8;
	[tilespmem:$0x1F400] =	vst v63  }
0xf7: {  	_ =	swait.ge [sflag:s26], $0x3000  }
0xf8: {  	[sflag:s26] =	ssyncset.done $0x0  }
.Ltmp2:
0xf9: {  	s5 =	sadd.s32 $0x1500, s3;
	[sflag:s26] =	ssyncadd.s32 $0xFFFFD000;
	(pc) =	sbr.rel @p0 .LBB2_6-.Ltmp2, $4  }
0xfa: {  	[spmem:s2] =	stream.indirect.scatter.add.f32 [tilespmem:s23], [sflag:$0x4], $0x80, s5, s18, $0xb8;
	[tilespmem:$0x1F400] =	vst v63  }
0xfb: {  	_ =	swait.ge [sflag:s16], $0x3000  }
0xfc: {  	[sflag:s16] =	ssyncset.done $0x0  }
0xfd: {  	s3 =	sadd.s32 $0x280, s3;
	[sflag:s16] =	ssyncadd.s32 $0xFFFFD000  }
0xfe: {  	[tilespmem:s23], [sflag:$0x3] =	stream.indirect.gather [hbm4b:s1+s18], $0x80, s3, s18, $0xb8;
	[tilespmem:$0x1F400] =	vst v63  }
0xff: {  	_ =	swait.ge [sflag:s24], $0x3000  }
0x100: {  	[sflag:s24] =	ssyncset.done $0x0  }
0x101: {  	[sflag:s24] =	ssyncadd.s32 $0xFFFFD000  }
0x102: {  	[spmem:s2] =	stream.indirect.scatter.add.f32 [tilespmem:s19], [sflag:$0x4], $0x80, s28, s18, $0xb8;
	[tilespmem:$0x1F400] =	vst v63  }
0x103: {  	_ =	swait.ge [sflag:s16], $0x3000  }
0x104: {  	[sflag:s16] =	ssyncset.done $0x0  }
0x105: {  	[sflag:s16] =	ssyncadd.s32 $0xFFFFD000  }
0x106: {  	_ =	swait.ge [sflag:s25], $0x3000  }
0x107: {  	[sflag:s25] =	ssyncset.done $0x0  }
0x108: {  	[sflag:s25] =	ssyncadd.s32 $0xFFFFD000  }
0x109: {  	[spmem:s2] =	stream.indirect.scatter.add.f32 [tilespmem:s21], [sflag:$0x4], $0x80, s29, s18, $0xb8;
	[tilespmem:$0x1F400] =	vst v63  }
0x10a: {  	_ =	swait.ge [sflag:s16], $0x3000  }
0x10b: {  	[sflag:s16] =	ssyncset.done $0x0  }
0x10c: {  	[sflag:s16] =	ssyncadd.s32 $0xFFFFD000  }
0x10d: {  	_ =	swait.ge [sflag:s26], $0x3000  }
0x10e: {  	[sflag:s26] =	ssyncset.done $0x0  }
0x10f: {  	[sflag:s26] =	ssyncadd.s32 $0xFFFFD000  }
0x110: {  	[spmem:s2] =	stream.indirect.scatter.add.f32 [tilespmem:s23], [sflag:$0x4], $0x80, s30, s18, $0xb8;
	[tilespmem:$0x1F400] =	vst v63  }
0x111: {  	_ =	swait.ge [sflag:s16], $0x3000  }
0x112: {  	s31 =	sadd.s32 $0x1, s31;
	[sflag:s16] =	ssyncset.done $0x0  }
0x113: {  	p0 =	sne.s32 s31, s14;
	[sflag:s16] =	ssyncadd.s32 $0xFFFFD000  }
.Ltmp3:
0x114: {  	[bflag:$0x0] =	sbarrier.arrive $0xFFFF;
	(pc) =	sbr.rel @p0 .LBB2_1-.Ltmp3, $4  }
0x115: {  	[hbm:s13], [sflag:s6] =	dma.local [spmem:s15], $0x2780  }
0x116: {  	_ =	swait.ge [sflag:s16], $0x2780  }
0x117: {  	[sflag:s16] =	ssyncset.done $0x0  }
0x118: {  	[sflag:s16] =	ssyncadd.s32 $0xFFFFD880  }
0x119: {  	_ =	sfence.sel $0x180000  }
0x11a: {  	[bflag:$0x0] =	sbarrier.arrive $0xFFFF  }
0x11b: {  	_ =	strace $0x90000047  }
0x11c: {  	s0 =	stileid.u32;
	[bflag:$0x2] =	sbarrier.arrive $0xFFFF  }
0x11d: {  	p0 =	sne.s32 s0, $0x0;
	s0 =	rddreg [dreg:$0x3]  }
0x11e: {  	s0 =	sadd.s32 @!p0 $0x100000, s0  }
0x11f: {  	[sflag:s0] =	ssyncadd.tile.s32 @!p0 $0x1;
	_ =	shalt  }
.Lfunc_end2:
_tile_overlayer_lowered:
.L_overlay_start_2:
0x120: {  	(tag) =	ssettag $0x2  }
0x121: {  	s0 =	rddreg [dreg:$0x0];
	s2 =	stileid.u32  }
0x122: {  	s1 =	rddreg [dreg:$0x1];
	p0 =	sne.s32 s2, $0x0  }
0x123: {  	s3 =	rddreg [dreg:$0x2];
	[bflag:$0x3] =	sbarrier.arrive $0xFFFF;
	s2 =	simm.s32 @!p0 $0x1C04  }
0x124: {  	[timem:s3], [sflag:s2] =	dma.local @!p0 [hbm:s0], s1  }
0x125: {  	s0 =	simm.s32 @!p0 $0x4  }
0x126: {  	_ =	swait.ge @!p0 [sflag:s0], s1  }
0x127: {  	s1 =	ssub.s32 @!p0 $0x0, s1;
	[sflag:s0] =	ssyncset.done @!p0 $0x0  }
0x128: {  	[sflag:s0] =	ssyncadd.s32 @!p0 s1  }
0x129: {  	[bflag:$0x3] =	sbarrier.arrive $0xFFFF  }
0x12a: {  	_ =	shalt  }

</sc_bundles>
